<compile_context>
chip_gen: v7x
topology: tpu7x:2x2x1
jax: 0.10.2.dev20260603
libtpu: 0.0.44.dev20260713+nightly
codegen_flags: <defaults>
</compile_context>

<pallas_src>
import functools

import jax
import jax.numpy as jnp
from jax import lax
from jax.experimental import pallas as pl
from jax.experimental.pallas import tpu as pltpu
from jax.experimental.pallas import tpu_sc as plsc

N = 10000
E = 160000
F = 256

NC = 2
NS = 16
CH = 128
NCHUNK = E // CH
BE = 1280
NB = E // BE
BN_ = 1000
NBN = N // BN_
BNS = 640
EPS = 1e-5


def _pack_pair(v):
    lo = lax.bitcast_convert_type(v[:, :F].astype(jnp.bfloat16), jnp.uint16)
    hi = lax.bitcast_convert_type(v[:, F:].astype(jnp.bfloat16), jnp.uint16)
    word = lo.astype(jnp.uint32) | (hi.astype(jnp.uint32) << 16)
    return lax.bitcast_convert_type(word, jnp.int32)


def _unpack_pair(w):
    wu = lax.bitcast_convert_type(w, jnp.uint32)
    lo = lax.bitcast_convert_type(wu.astype(jnp.uint16), jnp.bfloat16)
    hi = lax.bitcast_convert_type((wu >> 16).astype(jnp.uint16), jnp.bfloat16)
    return lo, hi


def _tables_body(x_ref, wd_ref, ws_ref, td_ref, ts_ref):
    xb = x_ref[...].astype(jnp.bfloat16)
    td_ref[...] = _pack_pair(
        lax.dot(xb, wd_ref[...], preferred_element_type=jnp.float32))
    ts_ref[...] = _pack_pair(
        lax.dot(xb, ws_ref[...], preferred_element_type=jnp.float32))


def _pass1_body(gd_ref, gs_ref, e_ref, cf_ref, cn_ref, w2f_ref, w2n_ref,
                p_ref, h_ref, m_ref, ss_ref, s1_ref, s2_ref):
    i = pl.program_id(0)

    @pl.when(i == 0)
    def _init():
        s1_ref[...] = jnp.zeros_like(s1_ref)
        s2_ref[...] = jnp.zeros_like(s2_ref)

    glo_d, ghi_d = _unpack_pair(gd_ref[...])
    glo_s, ghi_s = _unpack_pair(gs_ref[...])
    e16 = e_ref[...].astype(jnp.bfloat16)
    pre_f = ((glo_d + glo_s).astype(jnp.float32)
             + lax.dot(e16, cf_ref[...], preferred_element_type=jnp.float32)
             + p_ref[0:1, :])
    pre_n = ((ghi_d + ghi_s).astype(jnp.float32)
             + lax.dot(e16, cn_ref[...], preferred_element_type=jnp.float32)
             + p_ref[1:2, :])
    af = (pre_f * jax.nn.sigmoid(pre_f)).astype(jnp.bfloat16)
    an = (pre_n * jax.nn.sigmoid(pre_n)).astype(jnp.bfloat16)
    h = lax.dot(af, w2f_ref[...], preferred_element_type=jnp.float32) + p_ref[2:3, :]
    m = lax.dot(an, w2n_ref[...], preferred_element_type=jnp.float32) + p_ref[3:4, :]

    s1_ref[...] += jnp.sum(h, axis=0, keepdims=True)
    s2_ref[...] += jnp.sum(h * h, axis=0, keepdims=True)
    h_ref[...] = h.astype(jnp.bfloat16)
    m_ref[...] = m.astype(jnp.bfloat16)

    @pl.when(i == NB - 1)
    def _fin():
        mean = s1_ref[...] / E
        var = s2_ref[...] / E - mean * mean
        scale = p_ref[4:5, :] * lax.rsqrt(var + EPS)
        shift = p_ref[5:6, :] - mean * scale
        ss_ref[...] = jnp.concatenate([scale, shift], axis=0)


def _pass2_body(h_ref, m_ref, ss_ref, msg_ref):
    h = h_ref[...].astype(jnp.float32)
    score = jax.nn.sigmoid(h * ss_ref[0:1, :] + ss_ref[1:2, :])
    msg_ref[...] = score * m_ref[...].astype(jnp.float32)


def _node_bn_body(x_ref, o_ref, gb_ref, out_ref, s1_ref, s2_ref, st_ref):
    i = pl.program_id(0)

    @pl.when(i == 0)
    def _init():
        s1_ref[...] = jnp.zeros_like(s1_ref)
        s2_ref[...] = jnp.zeros_like(s2_ref)

    @pl.when(i < NBN)
    def _stats():
        o = o_ref[...]
        s1_ref[...] += jnp.sum(o, axis=0, keepdims=True)
        s2_ref[...] += jnp.sum(o * o, axis=0, keepdims=True)
        out_ref[...] = o

    @pl.when(i == NBN - 1)
    def _fin():
        mean = s1_ref[...] / N
        var = s2_ref[...] / N - mean * mean
        scale = gb_ref[0:1, :] * lax.rsqrt(var + EPS)
        shift = gb_ref[1:2, :] - mean * scale
        st_ref[...] = jnp.concatenate([scale, shift], axis=0)

    @pl.when(i >= NBN)
    def _apply():
        y = (x_ref[...] + o_ref[...] * st_ref[0:1, :] + st_ref[1:2, :])
        out_ref[...] = jnp.maximum(y, 0.0)


_MESH = plsc.VectorSubcoreMesh(core_axis_name="c", subcore_axis_name="s")
_NW = NC * NS
_KPW = -(-NCHUNK // _NW)
_SROWS = 80
NPAD = 10240
_HALF = NPAD // NC
_HPT = _HALF // NS
_RPT = NPAD // NS


_GROWS = 40


@functools.partial(
    pl.kernel,
    mesh=_MESH,
    out_type=[
        jax.ShapeDtypeStruct((E, F), jnp.int32),
        jax.ShapeDtypeStruct((E, F), jnp.int32),
    ],
    scratch_types=[
        pltpu.VMEM((_GROWS, CH), jnp.int32),
        pltpu.VMEM((_GROWS, CH), jnp.int32),
        pltpu.VMEM((CH, F), jnp.int32),
        pltpu.VMEM((CH, F), jnp.int32),
        pltpu.SemaphoreType.DMA,
        pltpu.SemaphoreType.DMA,
    ],
)
def _sc_gather(td_hbm, ts_hbm, dst_hbm, src_hbm, gd_hbm, gs_hbm,
               idx_d, idx_s, buf0, buf1, sem_g, sem_st):
    wid = lax.axis_index("s") * NC + lax.axis_index("c")
    start = wid * _GROWS
    rows = jnp.where(wid < _NW - 1, _GROWS, NCHUNK - (_NW - 1) * _GROWS)

    pltpu.sync_copy(dst_hbm.at[pl.ds(start, _GROWS)], idx_d)
    pltpu.sync_copy(src_hbm.at[pl.ds(start, _GROWS)], idx_s)

    def run_pass(tab_hbm, idx_all, out_hbm):
        bufs = (buf0, buf1)

        def unit(k, buf):
            pltpu.make_async_copy(tab_hbm.at[idx_all.at[0]], buf,
                                  sem_g).wait()

            @pl.when(k >= 1)
            def _():
                pltpu.make_async_copy(buf, out_hbm.at[pl.ds(0, CH)],
                                      sem_st).wait()

            other = bufs[1] if buf is bufs[0] else bufs[0]

            @pl.when(k + 1 < rows)
            def _():
                pltpu.async_copy(tab_hbm.at[idx_all.at[k + 1]], other, sem_g)

            pltpu.async_copy(
                buf, out_hbm.at[pl.ds((start + k) * CH, CH)], sem_st)

        pltpu.async_copy(tab_hbm.at[idx_all.at[0]], buf0, sem_g)

        def pair(k2, carry):
            a = 2 * k2

            @pl.when(a < rows)
            def _():
                unit(a, buf0)

            @pl.when(a + 1 < rows)
            def _():
                unit(a + 1, buf1)

            return carry

        lax.fori_loop(0, _GROWS // 2, pair, 0)
        pltpu.make_async_copy(buf0, out_hbm.at[pl.ds(0, CH)], sem_st).wait()

    run_pass(td_hbm, idx_d, gd_hbm)
    run_pass(ts_hbm, idx_s, gs_hbm)


@functools.partial(
    pl.kernel,
    mesh=_MESH,
    out_type=jax.ShapeDtypeStruct((NPAD, F), jnp.float32),
    scratch_types=[
        pltpu.VMEM((_SROWS, CH), jnp.int32),
        pltpu.VMEM((_SROWS, CH), jnp.int32),
        pltpu.VMEM((CH, F // NC), jnp.float32),
        pltpu.VMEM((CH, F // NC), jnp.float32),
        pltpu.VMEM_SHARED((_HALF + 8, F // NC), jnp.float32),
        pltpu.SemaphoreType.DMA,
        pltpu.SemaphoreType.DMA,
    ],
)
def _sc_scatter(msg_hbm, dst_hbm, zeros_hbm, out_hbm,
                idx_v, idx2_v, chunk0, chunk1, acc, sem_ld, sem_add):
    c = lax.axis_index("c")
    s = lax.axis_index("s")
    hw = F // NC
    rbase = c * _HALF
    start = s * _SROWS
    rows = jnp.where(s < NS - 1, _SROWS, NCHUNK - (NS - 1) * _SROWS)

    pltpu.sync_copy(dst_hbm.at[pl.ds(start, _SROWS)], idx_v)

    def remap(k, carry):
        @pl.when(k < rows)
        def _():
            for j in range(CH // 16):
                v = idx_v[k, pl.ds(j * 16, 16)] - rbase
                ok = (v >= 0) & (v < _HALF)
                idx2_v[k, pl.ds(j * 16, 16)] = jnp.where(ok, v, _HALF)
        return carry

    lax.fori_loop(0, _SROWS, remap, 0)

    for p in range(2):
        col = p * hw

        pltpu.sync_copy(zeros_hbm, acc.at[pl.ds(s * _HPT, _HPT)])

        @pl.when(s == 0)
        def _zdump():
            pltpu.sync_copy(zeros_hbm.at[pl.ds(0, 8)],
                            acc.at[pl.ds(_HALF, 8)])

        plsc.subcore_barrier()

        chunks = (chunk0, chunk1)

        def unit(k, buf):
            pltpu.make_async_copy(
                msg_hbm.at[pl.ds(0, CH), pl.ds(col, hw)], buf,
                sem_ld).wait()

            @pl.when(k >= 1)
            def _():
                pltpu.make_async_copy(buf, acc.at[idx2_v.at[0]],
                                      sem_add).wait()

            other = chunks[1] if buf is chunks[0] else chunks[0]

            @pl.when(k + 1 < rows)
            def _():
                pltpu.async_copy(
                    msg_hbm.at[pl.ds((start + k + 1) * CH, CH),
                               pl.ds(col, hw)],
                    other, sem_ld)

            pltpu.async_copy(buf, acc.at[idx2_v.at[k]], sem_add, add=True)

        pltpu.async_copy(
            msg_hbm.at[pl.ds(start * CH, CH), pl.ds(col, hw)],
            chunk0, sem_ld)

        def pair(k2, carry):
            a = 2 * k2

            @pl.when(a < rows)
            def _():
                unit(a, chunk0)

            @pl.when(a + 1 < rows)
            def _():
                unit(a + 1, chunk1)

            return carry

        lax.fori_loop(0, _SROWS // 2, pair, 0)
        pltpu.make_async_copy(chunk0, acc.at[idx2_v.at[0]], sem_add).wait()
        plsc.subcore_barrier()

        pltpu.sync_copy(
            acc.at[pl.ds(s * _HPT, _HPT)],
            out_hbm.at[pl.ds(rbase + s * _HPT, _HPT), pl.ds(col, hw)])
        plsc.subcore_barrier()


def kernel(x, edge_index, edge_attr, W1f, b1f, W2f, b2f, g_int, be_int,
           W1n, b1n, W2n, b2n, g_bn, be_bn):
    f32 = jnp.float32
    bf16 = jnp.bfloat16

    pad = jnp.zeros((_GROWS * _NW - NCHUNK, CH), jnp.int32)
    src = jnp.concatenate([edge_index[0].reshape(NCHUNK, CH), pad], axis=0)
    dst = jnp.concatenate([edge_index[1].reshape(NCHUNK, CH), pad], axis=0)

    Wd = jnp.concatenate([W1f[:, :F].T, W1n[:, :F].T], axis=1).astype(bf16)
    Ws = jnp.concatenate([W1f[:, F:2 * F].T, W1n[:, F:2 * F].T], axis=1).astype(bf16)
    CfT = W1f[:, 2 * F:].T.astype(bf16)
    CnT = W1n[:, 2 * F:].T.astype(bf16)
    W2fT = W2f.T.astype(bf16)
    W2nT = W2n.T.astype(bf16)
    zr = jnp.zeros((F,), f32)
    params = jnp.stack([b1f, b1n, b2f, b2n, g_int, be_int, zr, zr])
    gb = jnp.stack([g_bn, be_bn])
    zeros_cb = jnp.zeros((_HPT, F // NC), f32)

    td, ts = pl.pallas_call(
        _tables_body,
        grid=(NBN,),
        in_specs=[
            pl.BlockSpec((BN_, F), lambda i: (i, 0)),
            pl.BlockSpec((F, 2 * F), lambda i: (0, 0)),
            pl.BlockSpec((F, 2 * F), lambda i: (0, 0)),
        ],
        out_specs=[
            pl.BlockSpec((BN_, F), lambda i: (i, 0)),
            pl.BlockSpec((BN_, F), lambda i: (i, 0)),
        ],
        out_shape=[
            jax.ShapeDtypeStruct((N, F), jnp.int32),
            jax.ShapeDtypeStruct((N, F), jnp.int32),
        ],
    )(x, Wd, Ws)

    gd, gs = _sc_gather(td, ts, dst, src)

    h16, m16, ss = pl.pallas_call(
        _pass1_body,
        grid=(NB,),
        in_specs=[
            pl.BlockSpec((BE, F), lambda i: (i, 0)),
            pl.BlockSpec((BE, F), lambda i: (i, 0)),
            pl.BlockSpec((BE, F), lambda i: (i, 0)),
            pl.BlockSpec((F, F), lambda i: (0, 0)),
            pl.BlockSpec((F, F), lambda i: (0, 0)),
            pl.BlockSpec((F, F), lambda i: (0, 0)),
            pl.BlockSpec((F, F), lambda i: (0, 0)),
            pl.BlockSpec((8, F), lambda i: (0, 0)),
        ],
        out_specs=[
            pl.BlockSpec((BE, F), lambda i: (i, 0)),
            pl.BlockSpec((BE, F), lambda i: (i, 0)),
            pl.BlockSpec((2, F), lambda i: (0, 0)),
        ],
        out_shape=[
            jax.ShapeDtypeStruct((E, F), bf16),
            jax.ShapeDtypeStruct((E, F), bf16),
            jax.ShapeDtypeStruct((2, F), f32),
        ],
        scratch_shapes=[
            pltpu.VMEM((1, F), f32),
            pltpu.VMEM((1, F), f32),
        ],
        compiler_params=pltpu.CompilerParams(
            dimension_semantics=("arbitrary",)),
    )(gd, gs, edge_attr, CfT, CnT, W2fT, W2nT, params)

    msg = pl.pallas_call(
        _pass2_body,
        grid=(NB,),
        in_specs=[
            pl.BlockSpec((BE, F), lambda i: (i, 0)),
            pl.BlockSpec((BE, F), lambda i: (i, 0)),
            pl.BlockSpec((2, F), lambda i: (0, 0)),
        ],
        out_specs=pl.BlockSpec((BE, F), lambda i: (i, 0)),
        out_shape=jax.ShapeDtypeStruct((E, F), f32),
    )(h16, m16, ss)

    seg = _sc_scatter(msg, dst, zeros_cb)

    res = pl.pallas_call(
        _node_bn_body,
        grid=(2 * NBN,),
        in_specs=[
            pl.BlockSpec((BN_, F), lambda i: (i % NBN, 0)),
            pl.BlockSpec((BN_, F), lambda i: (i % NBN, 0)),
            pl.BlockSpec((2, F), lambda i: (0, 0)),
        ],
        out_specs=pl.BlockSpec((BN_, F), lambda i: (i % NBN, 0)),
        out_shape=jax.ShapeDtypeStruct((N, F), f32),
        scratch_shapes=[
            pltpu.VMEM((1, F), f32),
            pltpu.VMEM((1, F), f32),
            pltpu.VMEM((2, F), f32),
        ],
        compiler_params=pltpu.CompilerParams(
            dimension_semantics=("arbitrary",)),
    )(x, seg, gb)

    return res

# --- scband reference (transcript-rebuilt; emitter-appended) ---
"""Pipeline reference for scband-per-cnet-75754633167103 (READ-ONLY COPY).

The authoritative reference and input builder live on the scoring server;
editing this copy changes nothing except your own understanding.
"""

import jax, jax.numpy as jnp
import numpy as np

N, E, F = 10000, 160000, 256


def _bn(h, g, b, eps=1e-5):
    m = h.mean(axis=0)
    v = h.var(axis=0)
    return (h - m) / jnp.sqrt(v + eps) * g + b


def setup_inputs(seed: int = 0) -> dict:
    key = jax.random.key(seed)
    ks = jax.random.split(key, 16)
    x = jax.random.normal(ks[0], (N, F), dtype=jnp.float32)
    edge_index = jax.random.randint(ks[1], (2, E), 0, N, dtype=jnp.int32)
    edge_attr = jax.random.normal(ks[2], (E, F), dtype=jnp.float32)
    s3 = 1.0 / np.sqrt(3 * F)
    s1 = 1.0 / np.sqrt(F)
    # nonlinear_full: Linear(3F,F) -> SiLU -> Linear(F,F)
    W1f = jax.random.normal(ks[3], (F, 3 * F), dtype=jnp.float32) * s3
    b1f = jnp.zeros((F,), dtype=jnp.float32)
    W2f = jax.random.normal(ks[4], (F, F), dtype=jnp.float32) * s1
    b2f = jnp.zeros((F,), dtype=jnp.float32)
    # bn_interaction affine params
    g_int = jnp.ones((F,), dtype=jnp.float32)
    be_int = jnp.zeros((F,), dtype=jnp.float32)
    # nonlinear: Linear(3F,F) -> SiLU -> Linear(F,F)
    W1n = jax.random.normal(ks[5], (F, 3 * F), dtype=jnp.float32) * s3
    b1n = jnp.zeros((F,), dtype=jnp.float32)
    W2n = jax.random.normal(ks[6], (F, F), dtype=jnp.float32) * s1
    b2n = jnp.zeros((F,), dtype=jnp.float32)
    # bn (node-level) affine params
    g_bn = jnp.ones((F,), dtype=jnp.float32)
    be_bn = jnp.zeros((F,), dtype=jnp.float32)
    return {
        'x': x, 'edge_index': edge_index, 'edge_attr': edge_attr,
        'W1f': W1f, 'b1f': b1f, 'W2f': W2f, 'b2f': b2f,
        'g_int': g_int, 'be_int': be_int,
        'W1n': W1n, 'b1n': b1n, 'W2n': W2n, 'b2n': b2n,
        'g_bn': g_bn, 'be_bn': be_bn,
    }


def reference(x, edge_index, edge_attr, W1f, b1f, W2f, b2f, g_int, be_int,
              W1n, b1n, W2n, b2n, g_bn, be_bn):
    src = edge_index[0]  # x_j source nodes
    dst = edge_index[1]  # x_i destination nodes
    x_j = jnp.take(x, src, axis=0)
    x_i = jnp.take(x, dst, axis=0)
    z = jnp.concatenate([x_i, x_j, edge_attr], axis=1)
    h = jax.nn.silu(z @ W1f.T + b1f) @ W2f.T + b2f
    score = jax.nn.sigmoid(_bn(h, g_int, be_int))
    m = jax.nn.silu(z @ W1n.T + b1n) @ W2n.T + b2n
    msg = score * m
    out = jax.ops.segment_sum(msg, dst, num_segments=x.shape[0])
    return jax.nn.relu(x + _bn(out, g_bn, be_bn))

if __name__ == "__main__":
    import jax
    _d = setup_inputs()
    print(jax.jit(kernel)(*tuple(_d.values())))

</pallas_src>

<mosaic_0001>
#map = affine_map<(d0, d1) -> (0, 0)>
module attributes {stable_mosaic.version = 14 : i64} {
  func.func @_sc_scatter(%arg0: i32, %arg1: i32, %arg2: memref<160000x256xf32, #tpu.memory_space<hbm>>, %arg3: memref<1280x128xi32, #tpu.memory_space<hbm>>, %arg4: memref<320x128xf32, #tpu.memory_space<hbm>>, %arg5: memref<10240x256xf32, #tpu.memory_space<hbm>>, %arg6: memref<80x128xi32, #tpu.memory_space<vmem>>, %arg7: memref<80x128xi32, #tpu.memory_space<vmem>>, %arg8: memref<128x128xf32, #tpu.memory_space<vmem>>, %arg9: memref<128x128xf32, #tpu.memory_space<vmem>>, %arg10: memref<5128x128xf32, #tpu.memory_space<vmem_shared>>, %arg11: memref<!tpu.dma_semaphore, #tpu.memory_space<semaphore_mem>>, %arg12: memref<!tpu.dma_semaphore, #tpu.memory_space<semaphore_mem>>) attributes {dimension_semantics = [#tpu.dimension_semantics<core_parallel>, #tpu.dimension_semantics<subcore_parallel>], iteration_bounds = array<i64: 2, 16>, scalar_prefetch = 0 : i64, scratch_operands = 7 : i64, tpu.core_type = #tpu.core_type<sc_vector_subcore>, window_params = [{transform_indices = #map}, {transform_indices = #map}, {transform_indices = #map}, {transform_indices = #map}]} {
    %mul3A = arith.constant 5120 : i32
    %mul3A_0 = arith.muli %arg0, %mul3A : i32
    %mul3A_1 = arith.constant 80 : i32
    %mul3A_2 = arith.muli %arg1, %mul3A_1 : i32
    %lt3A = arith.constant 15 : i32
    %lt3A_3 = arith.cmpi slt, %arg1, %lt3A : i32
    %jit3A = arith.constant 80 : i32
    %jit3A_4 = arith.constant 50 : i32
    %select_n3A = arith.select %lt3A_3, %jit3A, %jit3A_4 : i32
    "tpu.region"() ({
      %run_scoped3A = tpu.sem_alloc : memref<!tpu.dma_semaphore, #tpu.memory_space<semaphore_mem>>
      %dma_start3A_71 = arith.constant 0 : i32
      %dma_start3A_72 = tpu.memref_slice %arg3[%mul3A_2, %dma_start3A_71] : memref<1280x128xi32, #tpu.memory_space<hbm>> -> memref<80x128xi32, #tpu.memory_space<hbm>>
      %dma_start3A_73 = arith.constant 0 : i32
      %dma_start3A_74 = tpu.memref_slice %arg3[%mul3A_2, %dma_start3A_73] : memref<1280x128xi32, #tpu.memory_space<hbm>> -> memref<80x128xi32, #tpu.memory_space<hbm>>
      tpu.enqueue_dma source(%dma_start3A_74 : memref<80x128xi32, #tpu.memory_space<hbm>>) target(%arg6 : memref<80x128xi32, #tpu.memory_space<vmem>>) target_semaphore(%run_scoped3A : memref<!tpu.dma_semaphore, #tpu.memory_space<semaphore_mem>>)
      %dma_wait3A_75 = arith.constant 0 : i32
      %dma_wait3A_76 = tpu.memref_slice %arg3[%mul3A_2, %dma_wait3A_75] : memref<1280x128xi32, #tpu.memory_space<hbm>> -> memref<80x128xi32, #tpu.memory_space<hbm>>
      %dma_wait3A_77 = arith.constant 0 : i32
      %dma_wait3A_78 = tpu.memref_slice %arg3[%mul3A_2, %dma_wait3A_77] : memref<1280x128xi32, #tpu.memory_space<hbm>> -> memref<80x128xi32, #tpu.memory_space<hbm>>
      tpu.wait_dma2 semaphore(%run_scoped3A : memref<!tpu.dma_semaphore, #tpu.memory_space<semaphore_mem>>) src(%dma_wait3A_78 : memref<80x128xi32, #tpu.memory_space<hbm>>) dst(%arg6 : memref<80x128xi32, #tpu.memory_space<vmem>>)
      tpu.yield
    }) : () -> ()
    %scan3A = arith.constant 0 : i32
    %scan3A_5 = arith.constant 0 : i32
    %scan3A_6 = arith.constant 80 : i32
    %scan3A_7 = arith.addi %scan3A_5, %scan3A_6 : i32
    %scan3A_8 = arith.constant 1 : i32
    scf.for %scan3A_71 = %scan3A_5 to %scan3A_7 step %scan3A_8  : i32 {
      %lt3A_72 = arith.cmpi slt, %scan3A_71, %select_n3A : i32
      %convert_element_type3A_73 = arith.extui %lt3A_72 : i1 to i32
      %cond3A_74 = arith.constant 0 : i32
      %cond3A_75 = arith.cmpi ne, %convert_element_type3A_73, %cond3A_74 : i32
      scf.if %cond3A_75 {
        %get3A = arith.index_cast %scan3A_71 : i32 to index
        %get3A_76 = arith.constant 0 : index
        %get3A_77 = tpu.vector_load %arg6[%get3A, %get3A_76] {strides = array<i32>} : memref<80x128xi32, #tpu.memory_space<vmem>>, vector<1x16xi32>,
        %get3A_78 = vector.shape_cast %get3A_77 : vector<1x16xi32> to vector<16xi32>
        %sub3A = vector.broadcast %mul3A_0 : i32 to vector<16xi32>
        %sub3A_79 = arith.subi %get3A_78, %sub3A : vector<16xi32>
        %ge3A = arith.constant 0 : i32
        %ge3A_80 = vector.broadcast %ge3A : i32 to vector<16xi32>
        %ge3A_81 = arith.cmpi sge, %sub3A_79, %ge3A_80 : vector<16xi32>
        %lt3A_82 = arith.constant 5120 : i32
        %lt3A_83 = vector.broadcast %lt3A_82 : i32 to vector<16xi32>
        %lt3A_84 = arith.cmpi slt, %sub3A_79, %lt3A_83 : vector<16xi32>
        %and3A = arith.andi %ge3A_81, %lt3A_84 : vector<16xi1>
        %jit3A_85 = arith.constant 5120 : i32
        %broadcast_in_dim3A = vector.broadcast %jit3A_85 : i32 to vector<16xi32>
        %select_n3A_86 = arith.select %and3A, %sub3A_79, %broadcast_in_dim3A : vector<16xi1>, vector<16xi32>
        %swap3A = arith.index_cast %scan3A_71 : i32 to index
        %swap3A_87 = arith.constant 0 : index
        %swap3A_88 = tpu.vector_load %arg7[%swap3A, %swap3A_87] {strides = array<i32>} : memref<80x128xi32, #tpu.memory_space<vmem>>, vector<1x16xi32>,
        %swap3A_89 = vector.shape_cast %swap3A_88 : vector<1x16xi32> to vector<16xi32>
        %swap3A_90 = vector.shape_cast %select_n3A_86 : vector<16xi32> to vector<1x16xi32>
        tpu.vector_store %arg7[%swap3A, %swap3A_87], %swap3A_90 {strides = array<i32>} : memref<80x128xi32, #tpu.memory_space<vmem>>, vector<1x16xi32>,
        %get3A_91 = arith.index_cast %scan3A_71 : i32 to index
        %get3A_92 = arith.constant 16 : index
        %get3A_93 = tpu.vector_load %arg6[%get3A_91, %get3A_92] {strides = array<i32>} : memref<80x128xi32, #tpu.memory_space<vmem>>, vector<1x16xi32>,
        %get3A_94 = vector.shape_cast %get3A_93 : vector<1x16xi32> to vector<16xi32>
        %sub3A_95 = vector.broadcast %mul3A_0 : i32 to vector<16xi32>
        %sub3A_96 = arith.subi %get3A_94, %sub3A_95 : vector<16xi32>
        %ge3A_97 = arith.constant 0 : i32
        %ge3A_98 = vector.broadcast %ge3A_97 : i32 to vector<16xi32>
        %ge3A_99 = arith.cmpi sge, %sub3A_96, %ge3A_98 : vector<16xi32>
        %lt3A_100 = arith.constant 5120 : i32
        %lt3A_101 = vector.broadcast %lt3A_100 : i32 to vector<16xi32>
        %lt3A_102 = arith.cmpi slt, %sub3A_96, %lt3A_101 : vector<16xi32>
        %and3A_103 = arith.andi %ge3A_99, %lt3A_102 : vector<16xi1>
        %jit3A_104 = arith.constant 5120 : i32
        %broadcast_in_dim3A_105 = vector.broadcast %jit3A_104 : i32 to vector<16xi32>
        %select_n3A_106 = arith.select %and3A_103, %sub3A_96, %broadcast_in_dim3A_105 : vector<16xi1>, vector<16xi32>
        %swap3A_107 = arith.index_cast %scan3A_71 : i32 to index
        %swap3A_108 = arith.constant 16 : index
        %swap3A_109 = tpu.vector_load %arg7[%swap3A_107, %swap3A_108] {strides = array<i32>} : memref<80x128xi32, #tpu.memory_space<vmem>>, vector<1x16xi32>,
        %swap3A_110 = vector.shape_cast %swap3A_109 : vector<1x16xi32> to vector<16xi32>
        %swap3A_111 = vector.shape_cast %select_n3A_106 : vector<16xi32> to vector<1x16xi32>
        tpu.vector_store %arg7[%swap3A_107, %swap3A_108], %swap3A_111 {strides = array<i32>} : memref<80x128xi32, #tpu.memory_space<vmem>>, vector<1x16xi32>,
        %get3A_112 = arith.index_cast %scan3A_71 : i32 to index
        %get3A_113 = arith.constant 32 : index
        %get3A_114 = tpu.vector_load %arg6[%get3A_112, %get3A_113] {strides = array<i32>} : memref<80x128xi32, #tpu.memory_space<vmem>>, vector<1x16xi32>,
        %get3A_115 = vector.shape_cast %get3A_114 : vector<1x16xi32> to vector<16xi32>
        %sub3A_116 = vector.broadcast %mul3A_0 : i32 to vector<16xi32>
        %sub3A_117 = arith.subi %get3A_115, %sub3A_116 : vector<16xi32>
        %ge3A_118 = arith.constant 0 : i32
        %ge3A_119 = vector.broadcast %ge3A_118 : i32 to vector<16xi32>
        %ge3A_120 = arith.cmpi sge, %sub3A_117, %ge3A_119 : vector<16xi32>
        %lt3A_121 = arith.constant 5120 : i32
        %lt3A_122 = vector.broadcast %lt3A_121 : i32 to vector<16xi32>
        %lt3A_123 = arith.cmpi slt, %sub3A_117, %lt3A_122 : vector<16xi32>
        %and3A_124 = arith.andi %ge3A_120, %lt3A_123 : vector<16xi1>
        %jit3A_125 = arith.constant 5120 : i32
        %broadcast_in_dim3A_126 = vector.broadcast %jit3A_125 : i32 to vector<16xi32>
        %select_n3A_127 = arith.select %and3A_124, %sub3A_117, %broadcast_in_dim3A_126 : vector<16xi1>, vector<16xi32>
        %swap3A_128 = arith.index_cast %scan3A_71 : i32 to index
        %swap3A_129 = arith.constant 32 : index
        %swap3A_130 = tpu.vector_load %arg7[%swap3A_128, %swap3A_129] {strides = array<i32>} : memref<80x128xi32, #tpu.memory_space<vmem>>, vector<1x16xi32>,
        %swap3A_131 = vector.shape_cast %swap3A_130 : vector<1x16xi32> to vector<16xi32>
        %swap3A_132 = vector.shape_cast %select_n3A_127 : vector<16xi32> to vector<1x16xi32>
        tpu.vector_store %arg7[%swap3A_128, %swap3A_129], %swap3A_132 {strides = array<i32>} : memref<80x128xi32, #tpu.memory_space<vmem>>, vector<1x16xi32>,
        %get3A_133 = arith.index_cast %scan3A_71 : i32 to index
        %get3A_134 = arith.constant 48 : index
        %get3A_135 = tpu.vector_load %arg6[%get3A_133, %get3A_134] {strides = array<i32>} : memref<80x128xi32, #tpu.memory_space<vmem>>, vector<1x16xi32>,
        %get3A_136 = vector.shape_cast %get3A_135 : vector<1x16xi32> to vector<16xi32>
        %sub3A_137 = vector.broadcast %mul3A_0 : i32 to vector<16xi32>
        %sub3A_138 = arith.subi %get3A_136, %sub3A_137 : vector<16xi32>
        %ge3A_139 = arith.constant 0 : i32
        %ge3A_140 = vector.broadcast %ge3A_139 : i32 to vector<16xi32>
        %ge3A_141 = arith.cmpi sge, %sub3A_138, %ge3A_140 : vector<16xi32>
        %lt3A_142 = arith.constant 5120 : i32
        %lt3A_143 = vector.broadcast %lt3A_142 : i32 to vector<16xi32>
        %lt3A_144 = arith.cmpi slt, %sub3A_138, %lt3A_143 : vector<16xi32>
        %and3A_145 = arith.andi %ge3A_141, %lt3A_144 : vector<16xi1>
        %jit3A_146 = arith.constant 5120 : i32
        %broadcast_in_dim3A_147 = vector.broadcast %jit3A_146 : i32 to vector<16xi32>
        %select_n3A_148 = arith.select %and3A_145, %sub3A_138, %broadcast_in_dim3A_147 : vector<16xi1>, vector<16xi32>
        %swap3A_149 = arith.index_cast %scan3A_71 : i32 to index
        %swap3A_150 = arith.constant 48 : index
        %swap3A_151 = tpu.vector_load %arg7[%swap3A_149, %swap3A_150] {strides = array<i32>} : memref<80x128xi32, #tpu.memory_space<vmem>>, vector<1x16xi32>,
        %swap3A_152 = vector.shape_cast %swap3A_151 : vector<1x16xi32> to vector<16xi32>
        %swap3A_153 = vector.shape_cast %select_n3A_148 : vector<16xi32> to vector<1x16xi32>
        tpu.vector_store %arg7[%swap3A_149, %swap3A_150], %swap3A_153 {strides = array<i32>} : memref<80x128xi32, #tpu.memory_space<vmem>>, vector<1x16xi32>,
        %get3A_154 = arith.index_cast %scan3A_71 : i32 to index
        %get3A_155 = arith.constant 64 : index
        %get3A_156 = tpu.vector_load %arg6[%get3A_154, %get3A_155] {strides = array<i32>} : memref<80x128xi32, #tpu.memory_space<vmem>>, vector<1x16xi32>,
        %get3A_157 = vector.shape_cast %get3A_156 : vector<1x16xi32> to vector<16xi32>
        %sub3A_158 = vector.broadcast %mul3A_0 : i32 to vector<16xi32>
        %sub3A_159 = arith.subi %get3A_157, %sub3A_158 : vector<16xi32>
        %ge3A_160 = arith.constant 0 : i32
        %ge3A_161 = vector.broadcast %ge3A_160 : i32 to vector<16xi32>
        %ge3A_162 = arith.cmpi sge, %sub3A_159, %ge3A_161 : vector<16xi32>
        %lt3A_163 = arith.constant 5120 : i32
        %lt3A_164 = vector.broadcast %lt3A_163 : i32 to vector<16xi32>
        %lt3A_165 = arith.cmpi slt, %sub3A_159, %lt3A_164 : vector<16xi32>
        %and3A_166 = arith.andi %ge3A_162, %lt3A_165 : vector<16xi1>
        %jit3A_167 = arith.constant 5120 : i32
        %broadcast_in_dim3A_168 = vector.broadcast %jit3A_167 : i32 to vector<16xi32>
        %select_n3A_169 = arith.select %and3A_166, %sub3A_159, %broadcast_in_dim3A_168 : vector<16xi1>, vector<16xi32>
        %swap3A_170 = arith.index_cast %scan3A_71 : i32 to index
        %swap3A_171 = arith.constant 64 : index
        %swap3A_172 = tpu.vector_load %arg7[%swap3A_170, %swap3A_171] {strides = array<i32>} : memref<80x128xi32, #tpu.memory_space<vmem>>, vector<1x16xi32>,
        %swap3A_173 = vector.shape_cast %swap3A_172 : vector<1x16xi32> to vector<16xi32>
        %swap3A_174 = vector.shape_cast %select_n3A_169 : vector<16xi32> to vector<1x16xi32>
        tpu.vector_store %arg7[%swap3A_170, %swap3A_171], %swap3A_174 {strides = array<i32>} : memref<80x128xi32, #tpu.memory_space<vmem>>, vector<1x16xi32>,
        %get3A_175 = arith.index_cast %scan3A_71 : i32 to index
        %get3A_176 = arith.constant 80 : index
        %get3A_177 = tpu.vector_load %arg6[%get3A_175, %get3A_176] {strides = array<i32>} : memref<80x128xi32, #tpu.memory_space<vmem>>, vector<1x16xi32>,
        %get3A_178 = vector.shape_cast %get3A_177 : vector<1x16xi32> to vector<16xi32>
        %sub3A_179 = vector.broadcast %mul3A_0 : i32 to vector<16xi32>
        %sub3A_180 = arith.subi %get3A_178, %sub3A_179 : vector<16xi32>
        %ge3A_181 = arith.constant 0 : i32
        %ge3A_182 = vector.broadcast %ge3A_181 : i32 to vector<16xi32>
        %ge3A_183 = arith.cmpi sge, %sub3A_180, %ge3A_182 : vector<16xi32>
        %lt3A_184 = arith.constant 5120 : i32
        %lt3A_185 = vector.broadcast %lt3A_184 : i32 to vector<16xi32>
        %lt3A_186 = arith.cmpi slt, %sub3A_180, %lt3A_185 : vector<16xi32>
        %and3A_187 = arith.andi %ge3A_183, %lt3A_186 : vector<16xi1>
        %jit3A_188 = arith.constant 5120 : i32
        %broadcast_in_dim3A_189 = vector.broadcast %jit3A_188 : i32 to vector<16xi32>
        %select_n3A_190 = arith.select %and3A_187, %sub3A_180, %broadcast_in_dim3A_189 : vector<16xi1>, vector<16xi32>
        %swap3A_191 = arith.index_cast %scan3A_71 : i32 to index
        %swap3A_192 = arith.constant 80 : index
        %swap3A_193 = tpu.vector_load %arg7[%swap3A_191, %swap3A_192] {strides = array<i32>} : memref<80x128xi32, #tpu.memory_space<vmem>>, vector<1x16xi32>,
        %swap3A_194 = vector.shape_cast %swap3A_193 : vector<1x16xi32> to vector<16xi32>
        %swap3A_195 = vector.shape_cast %select_n3A_190 : vector<16xi32> to vector<1x16xi32>
        tpu.vector_store %arg7[%swap3A_191, %swap3A_192], %swap3A_195 {strides = array<i32>} : memref<80x128xi32, #tpu.memory_space<vmem>>, vector<1x16xi32>,
        %get3A_196 = arith.index_cast %scan3A_71 : i32 to index
        %get3A_197 = arith.constant 96 : index
        %get3A_198 = tpu.vector_load %arg6[%get3A_196, %get3A_197] {strides = array<i32>} : memref<80x128xi32, #tpu.memory_space<vmem>>, vector<1x16xi32>,
        %get3A_199 = vector.shape_cast %get3A_198 : vector<1x16xi32> to vector<16xi32>
        %sub3A_200 = vector.broadcast %mul3A_0 : i32 to vector<16xi32>
        %sub3A_201 = arith.subi %get3A_199, %sub3A_200 : vector<16xi32>
        %ge3A_202 = arith.constant 0 : i32
        %ge3A_203 = vector.broadcast %ge3A_202 : i32 to vector<16xi32>
        %ge3A_204 = arith.cmpi sge, %sub3A_201, %ge3A_203 : vector<16xi32>
        %lt3A_205 = arith.constant 5120 : i32
        %lt3A_206 = vector.broadcast %lt3A_205 : i32 to vector<16xi32>
        %lt3A_207 = arith.cmpi slt, %sub3A_201, %lt3A_206 : vector<16xi32>
        %and3A_208 = arith.andi %ge3A_204, %lt3A_207 : vector<16xi1>
        %jit3A_209 = arith.constant 5120 : i32
        %broadcast_in_dim3A_210 = vector.broadcast %jit3A_209 : i32 to vector<16xi32>
        %select_n3A_211 = arith.select %and3A_208, %sub3A_201, %broadcast_in_dim3A_210 : vector<16xi1>, vector<16xi32>
        %swap3A_212 = arith.index_cast %scan3A_71 : i32 to index
        %swap3A_213 = arith.constant 96 : index
        %swap3A_214 = tpu.vector_load %arg7[%swap3A_212, %swap3A_213] {strides = array<i32>} : memref<80x128xi32, #tpu.memory_space<vmem>>, vector<1x16xi32>,
        %swap3A_215 = vector.shape_cast %swap3A_214 : vector<1x16xi32> to vector<16xi32>
        %swap3A_216 = vector.shape_cast %select_n3A_211 : vector<16xi32> to vector<1x16xi32>
        tpu.vector_store %arg7[%swap3A_212, %swap3A_213], %swap3A_216 {strides = array<i32>} : memref<80x128xi32, #tpu.memory_space<vmem>>, vector<1x16xi32>,
        %get3A_217 = arith.index_cast %scan3A_71 : i32 to index
        %get3A_218 = arith.constant 112 : index
        %get3A_219 = tpu.vector_load %arg6[%get3A_217, %get3A_218] {strides = array<i32>} : memref<80x128xi32, #tpu.memory_space<vmem>>, vector<1x16xi32>,
        %get3A_220 = vector.shape_cast %get3A_219 : vector<1x16xi32> to vector<16xi32>
        %sub3A_221 = vector.broadcast %mul3A_0 : i32 to vector<16xi32>
        %sub3A_222 = arith.subi %get3A_220, %sub3A_221 : vector<16xi32>
        %ge3A_223 = arith.constant 0 : i32
        %ge3A_224 = vector.broadcast %ge3A_223 : i32 to vector<16xi32>
        %ge3A_225 = arith.cmpi sge, %sub3A_222, %ge3A_224 : vector<16xi32>
        %lt3A_226 = arith.constant 5120 : i32
        %lt3A_227 = vector.broadcast %lt3A_226 : i32 to vector<16xi32>
        %lt3A_228 = arith.cmpi slt, %sub3A_222, %lt3A_227 : vector<16xi32>
        %and3A_229 = arith.andi %ge3A_225, %lt3A_228 : vector<16xi1>
        %jit3A_230 = arith.constant 5120 : i32
        %broadcast_in_dim3A_231 = vector.broadcast %jit3A_230 : i32 to vector<16xi32>
        %select_n3A_232 = arith.select %and3A_229, %sub3A_222, %broadcast_in_dim3A_231 : vector<16xi1>, vector<16xi32>
        %swap3A_233 = arith.index_cast %scan3A_71 : i32 to index
        %swap3A_234 = arith.constant 112 : index
        %swap3A_235 = tpu.vector_load %arg7[%swap3A_233, %swap3A_234] {strides = array<i32>} : memref<80x128xi32, #tpu.memory_space<vmem>>, vector<1x16xi32>,
        %swap3A_236 = vector.shape_cast %swap3A_235 : vector<1x16xi32> to vector<16xi32>
        %swap3A_237 = vector.shape_cast %select_n3A_232 : vector<16xi32> to vector<1x16xi32>
        tpu.vector_store %arg7[%swap3A_233, %swap3A_234], %swap3A_237 {strides = array<i32>} : memref<80x128xi32, #tpu.memory_space<vmem>>, vector<1x16xi32>,
      } else {
      }
    }
    %scan3A_9 = arith.constant 80 : i32
    %mul3A_10 = arith.constant 320 : i32
    %mul3A_11 = arith.muli %arg1, %mul3A_10 : i32
    "tpu.region"() ({
      %run_scoped3A = tpu.sem_alloc : memref<!tpu.dma_semaphore, #tpu.memory_space<semaphore_mem>>
      %dma_start3A_71 = arith.constant 0 : i32
      %dma_start3A_72 = tpu.memref_slice %arg10[%mul3A_11, %dma_start3A_71] : memref<5128x128xf32, #tpu.memory_space<vmem_shared>> -> memref<320x128xf32, #tpu.memory_space<vmem_shared>>
      tpu.enqueue_dma source(%arg4 : memref<320x128xf32, #tpu.memory_space<hbm>>) target(%dma_start3A_72 : memref<320x128xf32, #tpu.memory_space<vmem_shared>>) target_semaphore(%run_scoped3A : memref<!tpu.dma_semaphore, #tpu.memory_space<semaphore_mem>>)
      %dma_wait3A_73 = arith.constant 0 : i32
      %dma_wait3A_74 = tpu.memref_slice %arg10[%mul3A_11, %dma_wait3A_73] : memref<5128x128xf32, #tpu.memory_space<vmem_shared>> -> memref<320x128xf32, #tpu.memory_space<vmem_shared>>
      tpu.wait_dma2 semaphore(%run_scoped3A : memref<!tpu.dma_semaphore, #tpu.memory_space<semaphore_mem>>) src(%arg4 : memref<320x128xf32, #tpu.memory_space<hbm>>) dst(%dma_wait3A_74 : memref<320x128xf32, #tpu.memory_space<vmem_shared>>)
      tpu.yield
    }) : () -> ()
    %eq3A = arith.constant 0 : i32
    %eq3A_12 = arith.cmpi eq, %arg1, %eq3A : i32
    %convert_element_type3A = arith.extui %eq3A_12 : i1 to i32
    %cond3A = arith.constant 0 : i32
    %cond3A_13 = arith.cmpi ne, %convert_element_type3A, %cond3A : i32
    scf.if %cond3A_13 {
      "tpu.region"() ({
        %run_scoped3A = tpu.sem_alloc : memref<!tpu.dma_semaphore, #tpu.memory_space<semaphore_mem>>
        %dma_start3A_71 = arith.constant 5120 : i32
        %dma_start3A_72 = arith.constant 0 : i32
        %dma_start3A_73 = tpu.memref_slice %arg10[%dma_start3A_71, %dma_start3A_72] : memref<5128x128xf32, #tpu.memory_space<vmem_shared>> -> memref<8x128xf32, #tpu.memory_space<vmem_shared>>
        %dma_start3A_74 = arith.constant 0 : i32
        %dma_start3A_75 = arith.constant 0 : i32
        %dma_start3A_76 = tpu.memref_slice %arg4[%dma_start3A_74, %dma_start3A_75] : memref<320x128xf32, #tpu.memory_space<hbm>> -> memref<8x128xf32, #tpu.memory_space<hbm>>
        tpu.enqueue_dma source(%dma_start3A_76 : memref<8x128xf32, #tpu.memory_space<hbm>>) target(%dma_start3A_73 : memref<8x128xf32, #tpu.memory_space<vmem_shared>>) target_semaphore(%run_scoped3A : memref<!tpu.dma_semaphore, #tpu.memory_space<semaphore_mem>>)
        %dma_wait3A_77 = arith.constant 5120 : i32
        %dma_wait3A_78 = arith.constant 0 : i32
        %dma_wait3A_79 = tpu.memref_slice %arg10[%dma_wait3A_77, %dma_wait3A_78] : memref<5128x128xf32, #tpu.memory_space<vmem_shared>> -> memref<8x128xf32, #tpu.memory_space<vmem_shared>>
        %dma_wait3A_80 = arith.constant 0 : i32
        %dma_wait3A_81 = arith.constant 0 : i32
        %dma_wait3A_82 = tpu.memref_slice %arg4[%dma_wait3A_80, %dma_wait3A_81] : memref<320x128xf32, #tpu.memory_space<hbm>> -> memref<8x128xf32, #tpu.memory_space<hbm>>
        tpu.wait_dma2 semaphore(%run_scoped3A : memref<!tpu.dma_semaphore, #tpu.memory_space<semaphore_mem>>) src(%dma_wait3A_82 : memref<8x128xf32, #tpu.memory_space<hbm>>) dst(%dma_wait3A_79 : memref<8x128xf32, #tpu.memory_space<vmem_shared>>)
        tpu.yield
      }) : () -> ()
    } else {
    }
    %barrier3A = arith.constant 0 : index
    tpu.barrier barrier_id(%barrier3A)
    %mul3A_14 = arith.constant 128 : i32
    %mul3A_15 = arith.muli %mul3A_2, %mul3A_14 : i32
    %dma_start3A = arith.constant 0 : i32
    %dma_start3A_16 = tpu.memref_slice %arg2[%mul3A_15, %dma_start3A] : memref<160000x256xf32, #tpu.memory_space<hbm>> -> memref<128x128xf32, #tpu.memory_space<hbm>>
    %dma_start3A_17 = arith.constant 0 : i32
    %dma_start3A_18 = tpu.memref_slice %arg2[%mul3A_15, %dma_start3A_17] : memref<160000x256xf32, #tpu.memory_space<hbm>> -> memref<128x128xf32, #tpu.memory_space<hbm>>
    tpu.enqueue_dma source(%dma_start3A_18 : memref<128x128xf32, #tpu.memory_space<hbm>>) target(%arg8 : memref<128x128xf32, #tpu.memory_space<vmem>>) target_semaphore(%arg11 : memref<!tpu.dma_semaphore, #tpu.memory_space<semaphore_mem>>)
    %scan3A_19 = arith.constant 0 : i32
    %scan3A_20 = arith.constant 0 : i32
    %scan3A_21 = arith.constant 40 : i32
    %scan3A_22 = arith.addi %scan3A_20, %scan3A_21 : i32
    %scan3A_23 = arith.constant 1 : i32
    scf.for %scan3A_71 = %scan3A_20 to %scan3A_22 step %scan3A_23  : i32 {
      %mul3A_72 = arith.constant 2 : i32
      %mul3A_73 = arith.muli %mul3A_72, %scan3A_71 : i32
      %lt3A_74 = arith.cmpi slt, %mul3A_73, %select_n3A : i32
      %convert_element_type3A_75 = arith.extui %lt3A_74 : i1 to i32
      %cond3A_76 = arith.constant 0 : i32
      %cond3A_77 = arith.cmpi ne, %convert_element_type3A_75, %cond3A_76 : i32
      scf.if %cond3A_77 {
        %dma_wait3A_84 = arith.constant 0 : i32
        %dma_wait3A_85 = arith.constant 0 : i32
        %dma_wait3A_86 = tpu.memref_slice %arg2[%dma_wait3A_84, %dma_wait3A_85] : memref<160000x256xf32, #tpu.memory_space<hbm>> -> memref<128x128xf32, #tpu.memory_space<hbm>>
        %dma_wait3A_87 = arith.constant 0 : i32
        %dma_wait3A_88 = arith.constant 0 : i32
        %dma_wait3A_89 = tpu.memref_slice %arg2[%dma_wait3A_87, %dma_wait3A_88] : memref<160000x256xf32, #tpu.memory_space<hbm>> -> memref<128x128xf32, #tpu.memory_space<hbm>>
        tpu.wait_dma2 semaphore(%arg11 : memref<!tpu.dma_semaphore, #tpu.memory_space<semaphore_mem>>) src(%dma_wait3A_89 : memref<128x128xf32, #tpu.memory_space<hbm>>) dst(%arg8 : memref<128x128xf32, #tpu.memory_space<vmem>>)
        %ge3A = arith.constant 1 : i32
        %ge3A_90 = arith.cmpi sge, %mul3A_73, %ge3A : i32
        %convert_element_type3A_91 = arith.extui %ge3A_90 : i1 to i32
        %cond3A_92 = arith.constant 0 : i32
        %cond3A_93 = arith.cmpi ne, %convert_element_type3A_91, %cond3A_92 : i32
        scf.if %cond3A_93 {
          %dma_wait3A_106 = arith.constant 0 : i32
          %dma_wait3A_107 = arith.constant 0 : i32
          %dma_wait3A_108 = tpu.memref_slice %arg7[%dma_wait3A_106, %dma_wait3A_107] : memref<80x128xi32, #tpu.memory_space<vmem>> -> memref<1x128xi32, #tpu.memory_space<vmem>>
          %dma_wait3A_109 = tpu.memref_squeeze %dma_wait3A_108 : memref<1x128xi32, #tpu.memory_space<vmem>> -> memref<128xi32, #tpu.memory_space<vmem>>
          %dma_wait3A_110 = arith.constant 0 : i32
          %dma_wait3A_111 = arith.constant 0 : i32
          %dma_wait3A_112 = tpu.memref_slice %arg10[%dma_wait3A_110, %dma_wait3A_111] : memref<5128x128xf32, #tpu.memory_space<vmem_shared>> -> memref<5128x128xf32, #tpu.memory_space<vmem_shared>>
          tpu.wait_indirect_dma semaphore(%arg12 : memref<!tpu.dma_semaphore, #tpu.memory_space<semaphore_mem>>) src(%arg8 : memref<128x128xf32, #tpu.memory_space<vmem>>) dst(%dma_wait3A_112 : memref<5128x128xf32, #tpu.memory_space<vmem_shared>>)
        } else {
        }
        %add3A_94 = arith.constant 1 : i32
        %add3A_95 = arith.addi %mul3A_73, %add3A_94 : i32
        %lt3A_96 = arith.cmpi slt, %add3A_95, %select_n3A : i32
        %convert_element_type3A_97 = arith.extui %lt3A_96 : i1 to i32
        %cond3A_98 = arith.constant 0 : i32
        %cond3A_99 = arith.cmpi ne, %convert_element_type3A_97, %cond3A_98 : i32
        scf.if %cond3A_99 {
          %add3A_106 = arith.addi %mul3A_2, %mul3A_73 : i32
          %add3A_107 = arith.constant 1 : i32
          %add3A_108 = arith.addi %add3A_106, %add3A_107 : i32
          %mul3A_109 = arith.constant 128 : i32
          %mul3A_110 = arith.muli %add3A_108, %mul3A_109 : i32
          %dma_start3A_111 = arith.constant 0 : i32
          %dma_start3A_112 = tpu.memref_slice %arg2[%mul3A_110, %dma_start3A_111] : memref<160000x256xf32, #tpu.memory_space<hbm>> -> memref<128x128xf32, #tpu.memory_space<hbm>>
          %dma_start3A_113 = arith.constant 0 : i32
          %dma_start3A_114 = tpu.memref_slice %arg2[%mul3A_110, %dma_start3A_113] : memref<160000x256xf32, #tpu.memory_space<hbm>> -> memref<128x128xf32, #tpu.memory_space<hbm>>
          tpu.enqueue_dma source(%dma_start3A_114 : memref<128x128xf32, #tpu.memory_space<hbm>>) target(%arg9 : memref<128x128xf32, #tpu.memory_space<vmem>>) target_semaphore(%arg11 : memref<!tpu.dma_semaphore, #tpu.memory_space<semaphore_mem>>)
        } else {
        }
        %dma_start3A_100 = arith.constant 0 : i32
        %dma_start3A_101 = tpu.memref_slice %arg7[%mul3A_73, %dma_start3A_100] : memref<80x128xi32, #tpu.memory_space<vmem>> -> memref<1x128xi32, #tpu.memory_space<vmem>>
        %dma_start3A_102 = tpu.memref_squeeze %dma_start3A_101 : memref<1x128xi32, #tpu.memory_space<vmem>> -> memref<128xi32, #tpu.memory_space<vmem>>
        %dma_start3A_103 = arith.constant 0 : i32
        %dma_start3A_104 = arith.constant 0 : i32
        %dma_start3A_105 = tpu.memref_slice %arg10[%dma_start3A_103, %dma_start3A_104] : memref<5128x128xf32, #tpu.memory_space<vmem_shared>> -> memref<5128x128xf32, #tpu.memory_space<vmem_shared>>
        tpu.enqueue_indirect_dma source(%arg8 : memref<128x128xf32, #tpu.memory_space<vmem>>) target(%dma_start3A_105 : memref<5128x128xf32, #tpu.memory_space<vmem_shared>>) offsets(%dma_start3A_102 : memref<128xi32, #tpu.memory_space<vmem>>) semaphore(%arg12 : memref<!tpu.dma_semaphore, #tpu.memory_space<semaphore_mem>>) {add = true}
      } else {
      }
      %add3A_78 = arith.constant 1 : i32
      %add3A_79 = arith.addi %mul3A_73, %add3A_78 : i32
      %lt3A_80 = arith.cmpi slt, %add3A_79, %select_n3A : i32
      %convert_element_type3A_81 = arith.extui %lt3A_80 : i1 to i32
      %cond3A_82 = arith.constant 0 : i32
      %cond3A_83 = arith.cmpi ne, %convert_element_type3A_81, %cond3A_82 : i32
      scf.if %cond3A_83 {
        %add3A_84 = arith.constant 1 : i32
        %add3A_85 = arith.addi %mul3A_73, %add3A_84 : i32
        %dma_wait3A_86 = arith.constant 0 : i32
        %dma_wait3A_87 = arith.constant 0 : i32
        %dma_wait3A_88 = tpu.memref_slice %arg2[%dma_wait3A_86, %dma_wait3A_87] : memref<160000x256xf32, #tpu.memory_space<hbm>> -> memref<128x128xf32, #tpu.memory_space<hbm>>
        %dma_wait3A_89 = arith.constant 0 : i32
        %dma_wait3A_90 = arith.constant 0 : i32
        %dma_wait3A_91 = tpu.memref_slice %arg2[%dma_wait3A_89, %dma_wait3A_90] : memref<160000x256xf32, #tpu.memory_space<hbm>> -> memref<128x128xf32, #tpu.memory_space<hbm>>
        tpu.wait_dma2 semaphore(%arg11 : memref<!tpu.dma_semaphore, #tpu.memory_space<semaphore_mem>>) src(%dma_wait3A_91 : memref<128x128xf32, #tpu.memory_space<hbm>>) dst(%arg9 : memref<128x128xf32, #tpu.memory_space<vmem>>)
        %ge3A = arith.constant 1 : i32
        %ge3A_92 = arith.cmpi sge, %add3A_85, %ge3A : i32
        %convert_element_type3A_93 = arith.extui %ge3A_92 : i1 to i32
        %cond3A_94 = arith.constant 0 : i32
        %cond3A_95 = arith.cmpi ne, %convert_element_type3A_93, %cond3A_94 : i32
        scf.if %cond3A_95 {
          %dma_wait3A_108 = arith.constant 0 : i32
          %dma_wait3A_109 = arith.constant 0 : i32
          %dma_wait3A_110 = tpu.memref_slice %arg7[%dma_wait3A_108, %dma_wait3A_109] : memref<80x128xi32, #tpu.memory_space<vmem>> -> memref<1x128xi32, #tpu.memory_space<vmem>>
          %dma_wait3A_111 = tpu.memref_squeeze %dma_wait3A_110 : memref<1x128xi32, #tpu.memory_space<vmem>> -> memref<128xi32, #tpu.memory_space<vmem>>
          %dma_wait3A_112 = arith.constant 0 : i32
          %dma_wait3A_113 = arith.constant 0 : i32
          %dma_wait3A_114 = tpu.memref_slice %arg10[%dma_wait3A_112, %dma_wait3A_113] : memref<5128x128xf32, #tpu.memory_space<vmem_shared>> -> memref<5128x128xf32, #tpu.memory_space<vmem_shared>>
          tpu.wait_indirect_dma semaphore(%arg12 : memref<!tpu.dma_semaphore, #tpu.memory_space<semaphore_mem>>) src(%arg9 : memref<128x128xf32, #tpu.memory_space<vmem>>) dst(%dma_wait3A_114 : memref<5128x128xf32, #tpu.memory_space<vmem_shared>>)
        } else {
        }
        %add3A_96 = arith.constant 1 : i32
        %add3A_97 = arith.addi %add3A_85, %add3A_96 : i32
        %lt3A_98 = arith.cmpi slt, %add3A_97, %select_n3A : i32
        %convert_element_type3A_99 = arith.extui %lt3A_98 : i1 to i32
        %cond3A_100 = arith.constant 0 : i32
        %cond3A_101 = arith.cmpi ne, %convert_element_type3A_99, %cond3A_100 : i32
        scf.if %cond3A_101 {
          %add3A_108 = arith.addi %mul3A_2, %add3A_85 : i32
          %add3A_109 = arith.constant 1 : i32
          %add3A_110 = arith.addi %add3A_108, %add3A_109 : i32
          %mul3A_111 = arith.constant 128 : i32
          %mul3A_112 = arith.muli %add3A_110, %mul3A_111 : i32
          %dma_start3A_113 = arith.constant 0 : i32
          %dma_start3A_114 = tpu.memref_slice %arg2[%mul3A_112, %dma_start3A_113] : memref<160000x256xf32, #tpu.memory_space<hbm>> -> memref<128x128xf32, #tpu.memory_space<hbm>>
          %dma_start3A_115 = arith.constant 0 : i32
          %dma_start3A_116 = tpu.memref_slice %arg2[%mul3A_112, %dma_start3A_115] : memref<160000x256xf32, #tpu.memory_space<hbm>> -> memref<128x128xf32, #tpu.memory_space<hbm>>
          tpu.enqueue_dma source(%dma_start3A_116 : memref<128x128xf32, #tpu.memory_space<hbm>>) target(%arg8 : memref<128x128xf32, #tpu.memory_space<vmem>>) target_semaphore(%arg11 : memref<!tpu.dma_semaphore, #tpu.memory_space<semaphore_mem>>)
        } else {
        }
        %dma_start3A_102 = arith.constant 0 : i32
        %dma_start3A_103 = tpu.memref_slice %arg7[%add3A_85, %dma_start3A_102] : memref<80x128xi32, #tpu.memory_space<vmem>> -> memref<1x128xi32, #tpu.memory_space<vmem>>
        %dma_start3A_104 = tpu.memref_squeeze %dma_start3A_103 : memref<1x128xi32, #tpu.memory_space<vmem>> -> memref<128xi32, #tpu.memory_space<vmem>>
        %dma_start3A_105 = arith.constant 0 : i32
        %dma_start3A_106 = arith.constant 0 : i32
        %dma_start3A_107 = tpu.memref_slice %arg10[%dma_start3A_105, %dma_start3A_106] : memref<5128x128xf32, #tpu.memory_space<vmem_shared>> -> memref<5128x128xf32, #tpu.memory_space<vmem_shared>>
        tpu.enqueue_indirect_dma source(%arg9 : memref<128x128xf32, #tpu.memory_space<vmem>>) target(%dma_start3A_107 : memref<5128x128xf32, #tpu.memory_space<vmem_shared>>) offsets(%dma_start3A_104 : memref<128xi32, #tpu.memory_space<vmem>>) semaphore(%arg12 : memref<!tpu.dma_semaphore, #tpu.memory_space<semaphore_mem>>) {add = true}
      } else {
      }
    }
    %scan3A_24 = arith.constant 40 : i32
    %dma_wait3A = arith.constant 0 : i32
    %dma_wait3A_25 = arith.constant 0 : i32
    %dma_wait3A_26 = tpu.memref_slice %arg7[%dma_wait3A, %dma_wait3A_25] : memref<80x128xi32, #tpu.memory_space<vmem>> -> memref<1x128xi32, #tpu.memory_space<vmem>>
    %dma_wait3A_27 = tpu.memref_squeeze %dma_wait3A_26 : memref<1x128xi32, #tpu.memory_space<vmem>> -> memref<128xi32, #tpu.memory_space<vmem>>
    %dma_wait3A_28 = arith.constant 0 : i32
    %dma_wait3A_29 = arith.constant 0 : i32
    %dma_wait3A_30 = tpu.memref_slice %arg10[%dma_wait3A_28, %dma_wait3A_29] : memref<5128x128xf32, #tpu.memory_space<vmem_shared>> -> memref<5128x128xf32, #tpu.memory_space<vmem_shared>>
    tpu.wait_indirect_dma semaphore(%arg12 : memref<!tpu.dma_semaphore, #tpu.memory_space<semaphore_mem>>) src(%arg8 : memref<128x128xf32, #tpu.memory_space<vmem>>) dst(%dma_wait3A_30 : memref<5128x128xf32, #tpu.memory_space<vmem_shared>>)
    %barrier3A_31 = arith.constant 0 : index
    tpu.barrier barrier_id(%barrier3A_31)
    %mul3A_32 = arith.constant 320 : i32
    %mul3A_33 = arith.muli %arg1, %mul3A_32 : i32
    %mul3A_34 = arith.constant 320 : i32
    %mul3A_35 = arith.muli %arg1, %mul3A_34 : i32
    %add3A = arith.addi %mul3A_0, %mul3A_35 : i32
    "tpu.region"() ({
      %run_scoped3A = tpu.sem_alloc : memref<!tpu.dma_semaphore, #tpu.memory_space<semaphore_mem>>
      %dma_start3A_71 = arith.constant 0 : i32
      %dma_start3A_72 = tpu.memref_slice %arg5[%add3A, %dma_start3A_71] : memref<10240x256xf32, #tpu.memory_space<hbm>> -> memref<320x128xf32, #tpu.memory_space<hbm>>
      %dma_start3A_73 = arith.constant 0 : i32
      %dma_start3A_74 = tpu.memref_slice %arg10[%mul3A_33, %dma_start3A_73] : memref<5128x128xf32, #tpu.memory_space<vmem_shared>> -> memref<320x128xf32, #tpu.memory_space<vmem_shared>>
      tpu.enqueue_dma source(%dma_start3A_74 : memref<320x128xf32, #tpu.memory_space<vmem_shared>>) target(%dma_start3A_72 : memref<320x128xf32, #tpu.memory_space<hbm>>) target_semaphore(%run_scoped3A : memref<!tpu.dma_semaphore, #tpu.memory_space<semaphore_mem>>)
      %dma_wait3A_75 = arith.constant 0 : i32
      %dma_wait3A_76 = tpu.memref_slice %arg5[%add3A, %dma_wait3A_75] : memref<10240x256xf32, #tpu.memory_space<hbm>> -> memref<320x128xf32, #tpu.memory_space<hbm>>
      %dma_wait3A_77 = arith.constant 0 : i32
      %dma_wait3A_78 = tpu.memref_slice %arg10[%mul3A_33, %dma_wait3A_77] : memref<5128x128xf32, #tpu.memory_space<vmem_shared>> -> memref<320x128xf32, #tpu.memory_space<vmem_shared>>
      tpu.wait_dma2 semaphore(%run_scoped3A : memref<!tpu.dma_semaphore, #tpu.memory_space<semaphore_mem>>) src(%dma_wait3A_78 : memref<320x128xf32, #tpu.memory_space<vmem_shared>>) dst(%dma_wait3A_76 : memref<320x128xf32, #tpu.memory_space<hbm>>)
      tpu.yield
    }) : () -> ()
    %barrier3A_36 = arith.constant 0 : index
    tpu.barrier barrier_id(%barrier3A_36)
    %mul3A_37 = arith.constant 320 : i32
    %mul3A_38 = arith.muli %arg1, %mul3A_37 : i32
    "tpu.region"() ({
      %run_scoped3A = tpu.sem_alloc : memref<!tpu.dma_semaphore, #tpu.memory_space<semaphore_mem>>
      %dma_start3A_71 = arith.constant 0 : i32
      %dma_start3A_72 = tpu.memref_slice %arg10[%mul3A_38, %dma_start3A_71] : memref<5128x128xf32, #tpu.memory_space<vmem_shared>> -> memref<320x128xf32, #tpu.memory_space<vmem_shared>>
      tpu.enqueue_dma source(%arg4 : memref<320x128xf32, #tpu.memory_space<hbm>>) target(%dma_start3A_72 : memref<320x128xf32, #tpu.memory_space<vmem_shared>>) target_semaphore(%run_scoped3A : memref<!tpu.dma_semaphore, #tpu.memory_space<semaphore_mem>>)
      %dma_wait3A_73 = arith.constant 0 : i32
      %dma_wait3A_74 = tpu.memref_slice %arg10[%mul3A_38, %dma_wait3A_73] : memref<5128x128xf32, #tpu.memory_space<vmem_shared>> -> memref<320x128xf32, #tpu.memory_space<vmem_shared>>
      tpu.wait_dma2 semaphore(%run_scoped3A : memref<!tpu.dma_semaphore, #tpu.memory_space<semaphore_mem>>) src(%arg4 : memref<320x128xf32, #tpu.memory_space<hbm>>) dst(%dma_wait3A_74 : memref<320x128xf32, #tpu.memory_space<vmem_shared>>)
      tpu.yield
    }) : () -> ()
    %eq3A_39 = arith.constant 0 : i32
    %eq3A_40 = arith.cmpi eq, %arg1, %eq3A_39 : i32
    %convert_element_type3A_41 = arith.extui %eq3A_40 : i1 to i32
    %cond3A_42 = arith.constant 0 : i32
    %cond3A_43 = arith.cmpi ne, %convert_element_type3A_41, %cond3A_42 : i32
    scf.if %cond3A_43 {
      "tpu.region"() ({
        %run_scoped3A = tpu.sem_alloc : memref<!tpu.dma_semaphore, #tpu.memory_space<semaphore_mem>>
        %dma_start3A_71 = arith.constant 5120 : i32
        %dma_start3A_72 = arith.constant 0 : i32
        %dma_start3A_73 = tpu.memref_slice %arg10[%dma_start3A_71, %dma_start3A_72] : memref<5128x128xf32, #tpu.memory_space<vmem_shared>> -> memref<8x128xf32, #tpu.memory_space<vmem_shared>>
        %dma_start3A_74 = arith.constant 0 : i32
        %dma_start3A_75 = arith.constant 0 : i32
        %dma_start3A_76 = tpu.memref_slice %arg4[%dma_start3A_74, %dma_start3A_75] : memref<320x128xf32, #tpu.memory_space<hbm>> -> memref<8x128xf32, #tpu.memory_space<hbm>>
        tpu.enqueue_dma source(%dma_start3A_76 : memref<8x128xf32, #tpu.memory_space<hbm>>) target(%dma_start3A_73 : memref<8x128xf32, #tpu.memory_space<vmem_shared>>) target_semaphore(%run_scoped3A : memref<!tpu.dma_semaphore, #tpu.memory_space<semaphore_mem>>)
        %dma_wait3A_77 = arith.constant 5120 : i32
        %dma_wait3A_78 = arith.constant 0 : i32
        %dma_wait3A_79 = tpu.memref_slice %arg10[%dma_wait3A_77, %dma_wait3A_78] : memref<5128x128xf32, #tpu.memory_space<vmem_shared>> -> memref<8x128xf32, #tpu.memory_space<vmem_shared>>
        %dma_wait3A_80 = arith.constant 0 : i32
        %dma_wait3A_81 = arith.constant 0 : i32
        %dma_wait3A_82 = tpu.memref_slice %arg4[%dma_wait3A_80, %dma_wait3A_81] : memref<320x128xf32, #tpu.memory_space<hbm>> -> memref<8x128xf32, #tpu.memory_space<hbm>>
        tpu.wait_dma2 semaphore(%run_scoped3A : memref<!tpu.dma_semaphore, #tpu.memory_space<semaphore_mem>>) src(%dma_wait3A_82 : memref<8x128xf32, #tpu.memory_space<hbm>>) dst(%dma_wait3A_79 : memref<8x128xf32, #tpu.memory_space<vmem_shared>>)
        tpu.yield
      }) : () -> ()
    } else {
    }
    %barrier3A_44 = arith.constant 0 : index
    tpu.barrier barrier_id(%barrier3A_44)
    %mul3A_45 = arith.constant 128 : i32
    %mul3A_46 = arith.muli %mul3A_2, %mul3A_45 : i32
    %dma_start3A_47 = arith.constant 128 : i32
    %dma_start3A_48 = tpu.memref_slice %arg2[%mul3A_46, %dma_start3A_47] : memref<160000x256xf32, #tpu.memory_space<hbm>> -> memref<128x128xf32, #tpu.memory_space<hbm>>
    %dma_start3A_49 = arith.constant 128 : i32
    %dma_start3A_50 = tpu.memref_slice %arg2[%mul3A_46, %dma_start3A_49] : memref<160000x256xf32, #tpu.memory_space<hbm>> -> memref<128x128xf32, #tpu.memory_space<hbm>>
    tpu.enqueue_dma source(%dma_start3A_50 : memref<128x128xf32, #tpu.memory_space<hbm>>) target(%arg8 : memref<128x128xf32, #tpu.memory_space<vmem>>) target_semaphore(%arg11 : memref<!tpu.dma_semaphore, #tpu.memory_space<semaphore_mem>>)
    %scan3A_51 = arith.constant 0 : i32
    %scan3A_52 = arith.constant 0 : i32
    %scan3A_53 = arith.constant 40 : i32
    %scan3A_54 = arith.addi %scan3A_52, %scan3A_53 : i32
    %scan3A_55 = arith.constant 1 : i32
    scf.for %scan3A_71 = %scan3A_52 to %scan3A_54 step %scan3A_55  : i32 {
      %mul3A_72 = arith.constant 2 : i32
      %mul3A_73 = arith.muli %mul3A_72, %scan3A_71 : i32
      %lt3A_74 = arith.cmpi slt, %mul3A_73, %select_n3A : i32
      %convert_element_type3A_75 = arith.extui %lt3A_74 : i1 to i32
      %cond3A_76 = arith.constant 0 : i32
      %cond3A_77 = arith.cmpi ne, %convert_element_type3A_75, %cond3A_76 : i32
      scf.if %cond3A_77 {
        %dma_wait3A_84 = arith.constant 0 : i32
        %dma_wait3A_85 = arith.constant 128 : i32
        %dma_wait3A_86 = tpu.memref_slice %arg2[%dma_wait3A_84, %dma_wait3A_85] : memref<160000x256xf32, #tpu.memory_space<hbm>> -> memref<128x128xf32, #tpu.memory_space<hbm>>
        %dma_wait3A_87 = arith.constant 0 : i32
        %dma_wait3A_88 = arith.constant 128 : i32
        %dma_wait3A_89 = tpu.memref_slice %arg2[%dma_wait3A_87, %dma_wait3A_88] : memref<160000x256xf32, #tpu.memory_space<hbm>> -> memref<128x128xf32, #tpu.memory_space<hbm>>
        tpu.wait_dma2 semaphore(%arg11 : memref<!tpu.dma_semaphore, #tpu.memory_space<semaphore_mem>>) src(%dma_wait3A_89 : memref<128x128xf32, #tpu.memory_space<hbm>>) dst(%arg8 : memref<128x128xf32, #tpu.memory_space<vmem>>)
        %ge3A = arith.constant 1 : i32
        %ge3A_90 = arith.cmpi sge, %mul3A_73, %ge3A : i32
        %convert_element_type3A_91 = arith.extui %ge3A_90 : i1 to i32
        %cond3A_92 = arith.constant 0 : i32
        %cond3A_93 = arith.cmpi ne, %convert_element_type3A_91, %cond3A_92 : i32
        scf.if %cond3A_93 {
          %dma_wait3A_106 = arith.constant 0 : i32
          %dma_wait3A_107 = arith.constant 0 : i32
          %dma_wait3A_108 = tpu.memref_slice %arg7[%dma_wait3A_106, %dma_wait3A_107] : memref<80x128xi32, #tpu.memory_space<vmem>> -> memref<1x128xi32, #tpu.memory_space<vmem>>
          %dma_wait3A_109 = tpu.memref_squeeze %dma_wait3A_108 : memref<1x128xi32, #tpu.memory_space<vmem>> -> memref<128xi32, #tpu.memory_space<vmem>>
          %dma_wait3A_110 = arith.constant 0 : i32
          %dma_wait3A_111 = arith.constant 0 : i32
          %dma_wait3A_112 = tpu.memref_slice %arg10[%dma_wait3A_110, %dma_wait3A_111] : memref<5128x128xf32, #tpu.memory_space<vmem_shared>> -> memref<5128x128xf32, #tpu.memory_space<vmem_shared>>
          tpu.wait_indirect_dma semaphore(%arg12 : memref<!tpu.dma_semaphore, #tpu.memory_space<semaphore_mem>>) src(%arg8 : memref<128x128xf32, #tpu.memory_space<vmem>>) dst(%dma_wait3A_112 : memref<5128x128xf32, #tpu.memory_space<vmem_shared>>)
        } else {
        }
        %add3A_94 = arith.constant 1 : i32
        %add3A_95 = arith.addi %mul3A_73, %add3A_94 : i32
        %lt3A_96 = arith.cmpi slt, %add3A_95, %select_n3A : i32
        %convert_element_type3A_97 = arith.extui %lt3A_96 : i1 to i32
        %cond3A_98 = arith.constant 0 : i32
        %cond3A_99 = arith.cmpi ne, %convert_element_type3A_97, %cond3A_98 : i32
        scf.if %cond3A_99 {
          %add3A_106 = arith.addi %mul3A_2, %mul3A_73 : i32
          %add3A_107 = arith.constant 1 : i32
          %add3A_108 = arith.addi %add3A_106, %add3A_107 : i32
          %mul3A_109 = arith.constant 128 : i32
          %mul3A_110 = arith.muli %add3A_108, %mul3A_109 : i32
          %dma_start3A_111 = arith.constant 128 : i32
          %dma_start3A_112 = tpu.memref_slice %arg2[%mul3A_110, %dma_start3A_111] : memref<160000x256xf32, #tpu.memory_space<hbm>> -> memref<128x128xf32, #tpu.memory_space<hbm>>
          %dma_start3A_113 = arith.constant 128 : i32
          %dma_start3A_114 = tpu.memref_slice %arg2[%mul3A_110, %dma_start3A_113] : memref<160000x256xf32, #tpu.memory_space<hbm>> -> memref<128x128xf32, #tpu.memory_space<hbm>>
          tpu.enqueue_dma source(%dma_start3A_114 : memref<128x128xf32, #tpu.memory_space<hbm>>) target(%arg9 : memref<128x128xf32, #tpu.memory_space<vmem>>) target_semaphore(%arg11 : memref<!tpu.dma_semaphore, #tpu.memory_space<semaphore_mem>>)
        } else {
        }
        %dma_start3A_100 = arith.constant 0 : i32
        %dma_start3A_101 = tpu.memref_slice %arg7[%mul3A_73, %dma_start3A_100] : memref<80x128xi32, #tpu.memory_space<vmem>> -> memref<1x128xi32, #tpu.memory_space<vmem>>
        %dma_start3A_102 = tpu.memref_squeeze %dma_start3A_101 : memref<1x128xi32, #tpu.memory_space<vmem>> -> memref<128xi32, #tpu.memory_space<vmem>>
        %dma_start3A_103 = arith.constant 0 : i32
        %dma_start3A_104 = arith.constant 0 : i32
        %dma_start3A_105 = tpu.memref_slice %arg10[%dma_start3A_103, %dma_start3A_104] : memref<5128x128xf32, #tpu.memory_space<vmem_shared>> -> memref<5128x128xf32, #tpu.memory_space<vmem_shared>>
        tpu.enqueue_indirect_dma source(%arg8 : memref<128x128xf32, #tpu.memory_space<vmem>>) target(%dma_start3A_105 : memref<5128x128xf32, #tpu.memory_space<vmem_shared>>) offsets(%dma_start3A_102 : memref<128xi32, #tpu.memory_space<vmem>>) semaphore(%arg12 : memref<!tpu.dma_semaphore, #tpu.memory_space<semaphore_mem>>) {add = true}
      } else {
      }
      %add3A_78 = arith.constant 1 : i32
      %add3A_79 = arith.addi %mul3A_73, %add3A_78 : i32
      %lt3A_80 = arith.cmpi slt, %add3A_79, %select_n3A : i32
      %convert_element_type3A_81 = arith.extui %lt3A_80 : i1 to i32
      %cond3A_82 = arith.constant 0 : i32
      %cond3A_83 = arith.cmpi ne, %convert_element_type3A_81, %cond3A_82 : i32
      scf.if %cond3A_83 {
        %add3A_84 = arith.constant 1 : i32
        %add3A_85 = arith.addi %mul3A_73, %add3A_84 : i32
        %dma_wait3A_86 = arith.constant 0 : i32
        %dma_wait3A_87 = arith.constant 128 : i32
        %dma_wait3A_88 = tpu.memref_slice %arg2[%dma_wait3A_86, %dma_wait3A_87] : memref<160000x256xf32, #tpu.memory_space<hbm>> -> memref<128x128xf32, #tpu.memory_space<hbm>>
        %dma_wait3A_89 = arith.constant 0 : i32
        %dma_wait3A_90 = arith.constant 128 : i32
        %dma_wait3A_91 = tpu.memref_slice %arg2[%dma_wait3A_89, %dma_wait3A_90] : memref<160000x256xf32, #tpu.memory_space<hbm>> -> memref<128x128xf32, #tpu.memory_space<hbm>>
        tpu.wait_dma2 semaphore(%arg11 : memref<!tpu.dma_semaphore, #tpu.memory_space<semaphore_mem>>) src(%dma_wait3A_91 : memref<128x128xf32, #tpu.memory_space<hbm>>) dst(%arg9 : memref<128x128xf32, #tpu.memory_space<vmem>>)
        %ge3A = arith.constant 1 : i32
        %ge3A_92 = arith.cmpi sge, %add3A_85, %ge3A : i32
        %convert_element_type3A_93 = arith.extui %ge3A_92 : i1 to i32
        %cond3A_94 = arith.constant 0 : i32
        %cond3A_95 = arith.cmpi ne, %convert_element_type3A_93, %cond3A_94 : i32
        scf.if %cond3A_95 {
          %dma_wait3A_108 = arith.constant 0 : i32
          %dma_wait3A_109 = arith.constant 0 : i32
          %dma_wait3A_110 = tpu.memref_slice %arg7[%dma_wait3A_108, %dma_wait3A_109] : memref<80x128xi32, #tpu.memory_space<vmem>> -> memref<1x128xi32, #tpu.memory_space<vmem>>
          %dma_wait3A_111 = tpu.memref_squeeze %dma_wait3A_110 : memref<1x128xi32, #tpu.memory_space<vmem>> -> memref<128xi32, #tpu.memory_space<vmem>>
          %dma_wait3A_112 = arith.constant 0 : i32
          %dma_wait3A_113 = arith.constant 0 : i32
          %dma_wait3A_114 = tpu.memref_slice %arg10[%dma_wait3A_112, %dma_wait3A_113] : memref<5128x128xf32, #tpu.memory_space<vmem_shared>> -> memref<5128x128xf32, #tpu.memory_space<vmem_shared>>
          tpu.wait_indirect_dma semaphore(%arg12 : memref<!tpu.dma_semaphore, #tpu.memory_space<semaphore_mem>>) src(%arg9 : memref<128x128xf32, #tpu.memory_space<vmem>>) dst(%dma_wait3A_114 : memref<5128x128xf32, #tpu.memory_space<vmem_shared>>)
        } else {
        }
        %add3A_96 = arith.constant 1 : i32
        %add3A_97 = arith.addi %add3A_85, %add3A_96 : i32
        %lt3A_98 = arith.cmpi slt, %add3A_97, %select_n3A : i32
        %convert_element_type3A_99 = arith.extui %lt3A_98 : i1 to i32
        %cond3A_100 = arith.constant 0 : i32
        %cond3A_101 = arith.cmpi ne, %convert_element_type3A_99, %cond3A_100 : i32
        scf.if %cond3A_101 {
          %add3A_108 = arith.addi %mul3A_2, %add3A_85 : i32
          %add3A_109 = arith.constant 1 : i32
          %add3A_110 = arith.addi %add3A_108, %add3A_109 : i32
          %mul3A_111 = arith.constant 128 : i32
          %mul3A_112 = arith.muli %add3A_110, %mul3A_111 : i32
          %dma_start3A_113 = arith.constant 128 : i32
          %dma_start3A_114 = tpu.memref_slice %arg2[%mul3A_112, %dma_start3A_113] : memref<160000x256xf32, #tpu.memory_space<hbm>> -> memref<128x128xf32, #tpu.memory_space<hbm>>
          %dma_start3A_115 = arith.constant 128 : i32
          %dma_start3A_116 = tpu.memref_slice %arg2[%mul3A_112, %dma_start3A_115] : memref<160000x256xf32, #tpu.memory_space<hbm>> -> memref<128x128xf32, #tpu.memory_space<hbm>>
          tpu.enqueue_dma source(%dma_start3A_116 : memref<128x128xf32, #tpu.memory_space<hbm>>) target(%arg8 : memref<128x128xf32, #tpu.memory_space<vmem>>) target_semaphore(%arg11 : memref<!tpu.dma_semaphore, #tpu.memory_space<semaphore_mem>>)
        } else {
        }
        %dma_start3A_102 = arith.constant 0 : i32
        %dma_start3A_103 = tpu.memref_slice %arg7[%add3A_85, %dma_start3A_102] : memref<80x128xi32, #tpu.memory_space<vmem>> -> memref<1x128xi32, #tpu.memory_space<vmem>>
        %dma_start3A_104 = tpu.memref_squeeze %dma_start3A_103 : memref<1x128xi32, #tpu.memory_space<vmem>> -> memref<128xi32, #tpu.memory_space<vmem>>
        %dma_start3A_105 = arith.constant 0 : i32
        %dma_start3A_106 = arith.constant 0 : i32
        %dma_start3A_107 = tpu.memref_slice %arg10[%dma_start3A_105, %dma_start3A_106] : memref<5128x128xf32, #tpu.memory_space<vmem_shared>> -> memref<5128x128xf32, #tpu.memory_space<vmem_shared>>
        tpu.enqueue_indirect_dma source(%arg9 : memref<128x128xf32, #tpu.memory_space<vmem>>) target(%dma_start3A_107 : memref<5128x128xf32, #tpu.memory_space<vmem_shared>>) offsets(%dma_start3A_104 : memref<128xi32, #tpu.memory_space<vmem>>) semaphore(%arg12 : memref<!tpu.dma_semaphore, #tpu.memory_space<semaphore_mem>>) {add = true}
      } else {
      }
    }
    %scan3A_56 = arith.constant 40 : i32
    %dma_wait3A_57 = arith.constant 0 : i32
    %dma_wait3A_58 = arith.constant 0 : i32
    %dma_wait3A_59 = tpu.memref_slice %arg7[%dma_wait3A_57, %dma_wait3A_58] : memref<80x128xi32, #tpu.memory_space<vmem>> -> memref<1x128xi32, #tpu.memory_space<vmem>>
    %dma_wait3A_60 = tpu.memref_squeeze %dma_wait3A_59 : memref<1x128xi32, #tpu.memory_space<vmem>> -> memref<128xi32, #tpu.memory_space<vmem>>
    %dma_wait3A_61 = arith.constant 0 : i32
    %dma_wait3A_62 = arith.constant 0 : i32
    %dma_wait3A_63 = tpu.memref_slice %arg10[%dma_wait3A_61, %dma_wait3A_62] : memref<5128x128xf32, #tpu.memory_space<vmem_shared>> -> memref<5128x128xf32, #tpu.memory_space<vmem_shared>>
    tpu.wait_indirect_dma semaphore(%arg12 : memref<!tpu.dma_semaphore, #tpu.memory_space<semaphore_mem>>) src(%arg8 : memref<128x128xf32, #tpu.memory_space<vmem>>) dst(%dma_wait3A_63 : memref<5128x128xf32, #tpu.memory_space<vmem_shared>>)
    %barrier3A_64 = arith.constant 0 : index
    tpu.barrier barrier_id(%barrier3A_64)
    %mul3A_65 = arith.constant 320 : i32
    %mul3A_66 = arith.muli %arg1, %mul3A_65 : i32
    %mul3A_67 = arith.constant 320 : i32
    %mul3A_68 = arith.muli %arg1, %mul3A_67 : i32
    %add3A_69 = arith.addi %mul3A_0, %mul3A_68 : i32
    "tpu.region"() ({
      %run_scoped3A = tpu.sem_alloc : memref<!tpu.dma_semaphore, #tpu.memory_space<semaphore_mem>>
      %dma_start3A_71 = arith.constant 128 : i32
      %dma_start3A_72 = tpu.memref_slice %arg5[%add3A_69, %dma_start3A_71] : memref<10240x256xf32, #tpu.memory_space<hbm>> -> memref<320x128xf32, #tpu.memory_space<hbm>>
      %dma_start3A_73 = arith.constant 0 : i32
      %dma_start3A_74 = tpu.memref_slice %arg10[%mul3A_66, %dma_start3A_73] : memref<5128x128xf32, #tpu.memory_space<vmem_shared>> -> memref<320x128xf32, #tpu.memory_space<vmem_shared>>
      tpu.enqueue_dma source(%dma_start3A_74 : memref<320x128xf32, #tpu.memory_space<vmem_shared>>) target(%dma_start3A_72 : memref<320x128xf32, #tpu.memory_space<hbm>>) target_semaphore(%run_scoped3A : memref<!tpu.dma_semaphore, #tpu.memory_space<semaphore_mem>>)
      %dma_wait3A_75 = arith.constant 128 : i32
      %dma_wait3A_76 = tpu.memref_slice %arg5[%add3A_69, %dma_wait3A_75] : memref<10240x256xf32, #tpu.memory_space<hbm>> -> memref<320x128xf32, #tpu.memory_space<hbm>>
      %dma_wait3A_77 = arith.constant 0 : i32
      %dma_wait3A_78 = tpu.memref_slice %arg10[%mul3A_66, %dma_wait3A_77] : memref<5128x128xf32, #tpu.memory_space<vmem_shared>> -> memref<320x128xf32, #tpu.memory_space<vmem_shared>>
      tpu.wait_dma2 semaphore(%run_scoped3A : memref<!tpu.dma_semaphore, #tpu.memory_space<semaphore_mem>>) src(%dma_wait3A_78 : memref<320x128xf32, #tpu.memory_space<vmem_shared>>) dst(%dma_wait3A_76 : memref<320x128xf32, #tpu.memory_space<hbm>>)
      tpu.yield
    }) : () -> ()
    %barrier3A_70 = arith.constant 0 : index
    tpu.barrier barrier_id(%barrier3A_70)
    return
  }
}

#map = affine_map<(d0, d1) -> (0, 0)>
module attributes {stable_mosaic.version = 14 : i64} {
  func.func @_sc_gather(%arg0: i32, %arg1: i32, %arg2: memref<10000x256xi32, #tpu.memory_space<hbm>>, %arg3: memref<10000x256xi32, #tpu.memory_space<hbm>>, %arg4: memref<1280x128xi32, #tpu.memory_space<hbm>>, %arg5: memref<1280x128xi32, #tpu.memory_space<hbm>>, %arg6: memref<160000x256xi32, #tpu.memory_space<hbm>>, %arg7: memref<160000x256xi32, #tpu.memory_space<hbm>>, %arg8: memref<40x128xi32, #tpu.memory_space<vmem>>, %arg9: memref<40x128xi32, #tpu.memory_space<vmem>>, %arg10: memref<128x256xi32, #tpu.memory_space<vmem>>, %arg11: memref<128x256xi32, #tpu.memory_space<vmem>>, %arg12: memref<!tpu.dma_semaphore, #tpu.memory_space<semaphore_mem>>, %arg13: memref<!tpu.dma_semaphore, #tpu.memory_space<semaphore_mem>>) attributes {dimension_semantics = [#tpu.dimension_semantics<core_parallel>, #tpu.dimension_semantics<subcore_parallel>], iteration_bounds = array<i64: 2, 16>, scalar_prefetch = 0 : i64, scratch_operands = 6 : i64, tpu.core_type = #tpu.core_type<sc_vector_subcore>, window_params = [{transform_indices = #map}, {transform_indices = #map}, {transform_indices = #map}, {transform_indices = #map}, {transform_indices = #map}, {transform_indices = #map}]} {
    %mul3A = arith.constant 2 : i32
    %mul3A_0 = arith.muli %arg1, %mul3A : i32
    %add3A = arith.addi %mul3A_0, %arg0 : i32
    %mul3A_1 = arith.constant 40 : i32
    %mul3A_2 = arith.muli %add3A, %mul3A_1 : i32
    %lt3A = arith.constant 31 : i32
    %lt3A_3 = arith.cmpi slt, %add3A, %lt3A : i32
    %jit3A = arith.constant 40 : i32
    %jit3A_4 = arith.constant 10 : i32
    %select_n3A = arith.select %lt3A_3, %jit3A, %jit3A_4 : i32
    "tpu.region"() ({
      %run_scoped3A = tpu.sem_alloc : memref<!tpu.dma_semaphore, #tpu.memory_space<semaphore_mem>>
      %dma_start3A_40 = arith.constant 0 : i32
      %dma_start3A_41 = tpu.memref_slice %arg4[%mul3A_2, %dma_start3A_40] : memref<1280x128xi32, #tpu.memory_space<hbm>> -> memref<40x128xi32, #tpu.memory_space<hbm>>
      %dma_start3A_42 = arith.constant 0 : i32
      %dma_start3A_43 = tpu.memref_slice %arg4[%mul3A_2, %dma_start3A_42] : memref<1280x128xi32, #tpu.memory_space<hbm>> -> memref<40x128xi32, #tpu.memory_space<hbm>>
      tpu.enqueue_dma source(%dma_start3A_43 : memref<40x128xi32, #tpu.memory_space<hbm>>) target(%arg8 : memref<40x128xi32, #tpu.memory_space<vmem>>) target_semaphore(%run_scoped3A : memref<!tpu.dma_semaphore, #tpu.memory_space<semaphore_mem>>)
      %dma_wait3A_44 = arith.constant 0 : i32
      %dma_wait3A_45 = tpu.memref_slice %arg4[%mul3A_2, %dma_wait3A_44] : memref<1280x128xi32, #tpu.memory_space<hbm>> -> memref<40x128xi32, #tpu.memory_space<hbm>>
      %dma_wait3A_46 = arith.constant 0 : i32
      %dma_wait3A_47 = tpu.memref_slice %arg4[%mul3A_2, %dma_wait3A_46] : memref<1280x128xi32, #tpu.memory_space<hbm>> -> memref<40x128xi32, #tpu.memory_space<hbm>>
      tpu.wait_dma2 semaphore(%run_scoped3A : memref<!tpu.dma_semaphore, #tpu.memory_space<semaphore_mem>>) src(%dma_wait3A_47 : memref<40x128xi32, #tpu.memory_space<hbm>>) dst(%arg8 : memref<40x128xi32, #tpu.memory_space<vmem>>)
      tpu.yield
    }) : () -> ()
    "tpu.region"() ({
      %run_scoped3A = tpu.sem_alloc : memref<!tpu.dma_semaphore, #tpu.memory_space<semaphore_mem>>
      %dma_start3A_40 = arith.constant 0 : i32
      %dma_start3A_41 = tpu.memref_slice %arg5[%mul3A_2, %dma_start3A_40] : memref<1280x128xi32, #tpu.memory_space<hbm>> -> memref<40x128xi32, #tpu.memory_space<hbm>>
      %dma_start3A_42 = arith.constant 0 : i32
      %dma_start3A_43 = tpu.memref_slice %arg5[%mul3A_2, %dma_start3A_42] : memref<1280x128xi32, #tpu.memory_space<hbm>> -> memref<40x128xi32, #tpu.memory_space<hbm>>
      tpu.enqueue_dma source(%dma_start3A_43 : memref<40x128xi32, #tpu.memory_space<hbm>>) target(%arg9 : memref<40x128xi32, #tpu.memory_space<vmem>>) target_semaphore(%run_scoped3A : memref<!tpu.dma_semaphore, #tpu.memory_space<semaphore_mem>>)
      %dma_wait3A_44 = arith.constant 0 : i32
      %dma_wait3A_45 = tpu.memref_slice %arg5[%mul3A_2, %dma_wait3A_44] : memref<1280x128xi32, #tpu.memory_space<hbm>> -> memref<40x128xi32, #tpu.memory_space<hbm>>
      %dma_wait3A_46 = arith.constant 0 : i32
      %dma_wait3A_47 = tpu.memref_slice %arg5[%mul3A_2, %dma_wait3A_46] : memref<1280x128xi32, #tpu.memory_space<hbm>> -> memref<40x128xi32, #tpu.memory_space<hbm>>
      tpu.wait_dma2 semaphore(%run_scoped3A : memref<!tpu.dma_semaphore, #tpu.memory_space<semaphore_mem>>) src(%dma_wait3A_47 : memref<40x128xi32, #tpu.memory_space<hbm>>) dst(%arg9 : memref<40x128xi32, #tpu.memory_space<vmem>>)
      tpu.yield
    }) : () -> ()
    %dma_start3A = arith.constant 0 : i32
    %dma_start3A_5 = arith.constant 0 : i32
    %dma_start3A_6 = tpu.memref_slice %arg8[%dma_start3A, %dma_start3A_5] : memref<40x128xi32, #tpu.memory_space<vmem>> -> memref<1x128xi32, #tpu.memory_space<vmem>>
    %dma_start3A_7 = tpu.memref_squeeze %dma_start3A_6 : memref<1x128xi32, #tpu.memory_space<vmem>> -> memref<128xi32, #tpu.memory_space<vmem>>
    %dma_start3A_8 = arith.constant 0 : i32
    %dma_start3A_9 = arith.constant 0 : i32
    %dma_start3A_10 = tpu.memref_slice %arg2[%dma_start3A_8, %dma_start3A_9] : memref<10000x256xi32, #tpu.memory_space<hbm>> -> memref<10000x256xi32, #tpu.memory_space<hbm>>
    tpu.enqueue_indirect_dma source(%dma_start3A_10 : memref<10000x256xi32, #tpu.memory_space<hbm>>) target(%arg10 : memref<128x256xi32, #tpu.memory_space<vmem>>) offsets(%dma_start3A_7 : memref<128xi32, #tpu.memory_space<vmem>>) semaphore(%arg12 : memref<!tpu.dma_semaphore, #tpu.memory_space<semaphore_mem>>)
    %scan3A = arith.constant 0 : i32
    %scan3A_11 = arith.constant 0 : i32
    %scan3A_12 = arith.constant 20 : i32
    %scan3A_13 = arith.addi %scan3A_11, %scan3A_12 : i32
    %scan3A_14 = arith.constant 1 : i32
    scf.for %scan3A_40 = %scan3A_11 to %scan3A_13 step %scan3A_14  : i32 {
      %mul3A_41 = arith.constant 2 : i32
      %mul3A_42 = arith.muli %mul3A_41, %scan3A_40 : i32
      %lt3A_43 = arith.cmpi slt, %mul3A_42, %select_n3A : i32
      %convert_element_type3A = arith.extui %lt3A_43 : i1 to i32
      %cond3A = arith.constant 0 : i32
      %cond3A_44 = arith.cmpi ne, %convert_element_type3A, %cond3A : i32
      scf.if %cond3A_44 {
        %dma_wait3A_51 = arith.constant 0 : i32
        %dma_wait3A_52 = arith.constant 0 : i32
        %dma_wait3A_53 = tpu.memref_slice %arg8[%dma_wait3A_51, %dma_wait3A_52] : memref<40x128xi32, #tpu.memory_space<vmem>> -> memref<1x128xi32, #tpu.memory_space<vmem>>
        %dma_wait3A_54 = tpu.memref_squeeze %dma_wait3A_53 : memref<1x128xi32, #tpu.memory_space<vmem>> -> memref<128xi32, #tpu.memory_space<vmem>>
        %dma_wait3A_55 = arith.constant 0 : i32
        %dma_wait3A_56 = arith.constant 0 : i32
        %dma_wait3A_57 = tpu.memref_slice %arg2[%dma_wait3A_55, %dma_wait3A_56] : memref<10000x256xi32, #tpu.memory_space<hbm>> -> memref<10000x256xi32, #tpu.memory_space<hbm>>
        tpu.wait_indirect_dma semaphore(%arg12 : memref<!tpu.dma_semaphore, #tpu.memory_space<semaphore_mem>>) src(%dma_wait3A_57 : memref<10000x256xi32, #tpu.memory_space<hbm>>) dst(%arg10 : memref<128x256xi32, #tpu.memory_space<vmem>>)
        %ge3A = arith.constant 1 : i32
        %ge3A_58 = arith.cmpi sge, %mul3A_42, %ge3A : i32
        %convert_element_type3A_59 = arith.extui %ge3A_58 : i1 to i32
        %cond3A_60 = arith.constant 0 : i32
        %cond3A_61 = arith.cmpi ne, %convert_element_type3A_59, %cond3A_60 : i32
        scf.if %cond3A_61 {
          %dma_wait3A_75 = arith.constant 0 : i32
          %dma_wait3A_76 = arith.constant 0 : i32
          %dma_wait3A_77 = tpu.memref_slice %arg6[%dma_wait3A_75, %dma_wait3A_76] : memref<160000x256xi32, #tpu.memory_space<hbm>> -> memref<128x256xi32, #tpu.memory_space<hbm>>
          %dma_wait3A_78 = arith.constant 0 : i32
          %dma_wait3A_79 = arith.constant 0 : i32
          %dma_wait3A_80 = tpu.memref_slice %arg6[%dma_wait3A_78, %dma_wait3A_79] : memref<160000x256xi32, #tpu.memory_space<hbm>> -> memref<128x256xi32, #tpu.memory_space<hbm>>
          tpu.wait_dma2 semaphore(%arg13 : memref<!tpu.dma_semaphore, #tpu.memory_space<semaphore_mem>>) src(%arg10 : memref<128x256xi32, #tpu.memory_space<vmem>>) dst(%dma_wait3A_80 : memref<128x256xi32, #tpu.memory_space<hbm>>)
        } else {
        }
        %add3A_62 = arith.constant 1 : i32
        %add3A_63 = arith.addi %mul3A_42, %add3A_62 : i32
        %lt3A_64 = arith.cmpi slt, %add3A_63, %select_n3A : i32
        %convert_element_type3A_65 = arith.extui %lt3A_64 : i1 to i32
        %cond3A_66 = arith.constant 0 : i32
        %cond3A_67 = arith.cmpi ne, %convert_element_type3A_65, %cond3A_66 : i32
        scf.if %cond3A_67 {
          %add3A_75 = arith.constant 1 : i32
          %add3A_76 = arith.addi %mul3A_42, %add3A_75 : i32
          %dma_start3A_77 = arith.constant 0 : i32
          %dma_start3A_78 = tpu.memref_slice %arg8[%add3A_76, %dma_start3A_77] : memref<40x128xi32, #tpu.memory_space<vmem>> -> memref<1x128xi32, #tpu.memory_space<vmem>>
          %dma_start3A_79 = tpu.memref_squeeze %dma_start3A_78 : memref<1x128xi32, #tpu.memory_space<vmem>> -> memref<128xi32, #tpu.memory_space<vmem>>
          %dma_start3A_80 = arith.constant 0 : i32
          %dma_start3A_81 = arith.constant 0 : i32
          %dma_start3A_82 = tpu.memref_slice %arg2[%dma_start3A_80, %dma_start3A_81] : memref<10000x256xi32, #tpu.memory_space<hbm>> -> memref<10000x256xi32, #tpu.memory_space<hbm>>
          tpu.enqueue_indirect_dma source(%dma_start3A_82 : memref<10000x256xi32, #tpu.memory_space<hbm>>) target(%arg11 : memref<128x256xi32, #tpu.memory_space<vmem>>) offsets(%dma_start3A_79 : memref<128xi32, #tpu.memory_space<vmem>>) semaphore(%arg12 : memref<!tpu.dma_semaphore, #tpu.memory_space<semaphore_mem>>)
        } else {
        }
        %add3A_68 = arith.addi %mul3A_2, %mul3A_42 : i32
        %mul3A_69 = arith.constant 128 : i32
        %mul3A_70 = arith.muli %add3A_68, %mul3A_69 : i32
        %dma_start3A_71 = arith.constant 0 : i32
        %dma_start3A_72 = tpu.memref_slice %arg6[%mul3A_70, %dma_start3A_71] : memref<160000x256xi32, #tpu.memory_space<hbm>> -> memref<128x256xi32, #tpu.memory_space<hbm>>
        %dma_start3A_73 = arith.constant 0 : i32
        %dma_start3A_74 = tpu.memref_slice %arg6[%mul3A_70, %dma_start3A_73] : memref<160000x256xi32, #tpu.memory_space<hbm>> -> memref<128x256xi32, #tpu.memory_space<hbm>>
        tpu.enqueue_dma source(%arg10 : memref<128x256xi32, #tpu.memory_space<vmem>>) target(%dma_start3A_74 : memref<128x256xi32, #tpu.memory_space<hbm>>) target_semaphore(%arg13 : memref<!tpu.dma_semaphore, #tpu.memory_space<semaphore_mem>>)
      } else {
      }
      %add3A_45 = arith.constant 1 : i32
      %add3A_46 = arith.addi %mul3A_42, %add3A_45 : i32
      %lt3A_47 = arith.cmpi slt, %add3A_46, %select_n3A : i32
      %convert_element_type3A_48 = arith.extui %lt3A_47 : i1 to i32
      %cond3A_49 = arith.constant 0 : i32
      %cond3A_50 = arith.cmpi ne, %convert_element_type3A_48, %cond3A_49 : i32
      scf.if %cond3A_50 {
        %add3A_51 = arith.constant 1 : i32
        %add3A_52 = arith.addi %mul3A_42, %add3A_51 : i32
        %dma_wait3A_53 = arith.constant 0 : i32
        %dma_wait3A_54 = arith.constant 0 : i32
        %dma_wait3A_55 = tpu.memref_slice %arg8[%dma_wait3A_53, %dma_wait3A_54] : memref<40x128xi32, #tpu.memory_space<vmem>> -> memref<1x128xi32, #tpu.memory_space<vmem>>
        %dma_wait3A_56 = tpu.memref_squeeze %dma_wait3A_55 : memref<1x128xi32, #tpu.memory_space<vmem>> -> memref<128xi32, #tpu.memory_space<vmem>>
        %dma_wait3A_57 = arith.constant 0 : i32
        %dma_wait3A_58 = arith.constant 0 : i32
        %dma_wait3A_59 = tpu.memref_slice %arg2[%dma_wait3A_57, %dma_wait3A_58] : memref<10000x256xi32, #tpu.memory_space<hbm>> -> memref<10000x256xi32, #tpu.memory_space<hbm>>
        tpu.wait_indirect_dma semaphore(%arg12 : memref<!tpu.dma_semaphore, #tpu.memory_space<semaphore_mem>>) src(%dma_wait3A_59 : memref<10000x256xi32, #tpu.memory_space<hbm>>) dst(%arg11 : memref<128x256xi32, #tpu.memory_space<vmem>>)
        %ge3A = arith.constant 1 : i32
        %ge3A_60 = arith.cmpi sge, %add3A_52, %ge3A : i32
        %convert_element_type3A_61 = arith.extui %ge3A_60 : i1 to i32
        %cond3A_62 = arith.constant 0 : i32
        %cond3A_63 = arith.cmpi ne, %convert_element_type3A_61, %cond3A_62 : i32
        scf.if %cond3A_63 {
          %dma_wait3A_77 = arith.constant 0 : i32
          %dma_wait3A_78 = arith.constant 0 : i32
          %dma_wait3A_79 = tpu.memref_slice %arg6[%dma_wait3A_77, %dma_wait3A_78] : memref<160000x256xi32, #tpu.memory_space<hbm>> -> memref<128x256xi32, #tpu.memory_space<hbm>>
          %dma_wait3A_80 = arith.constant 0 : i32
          %dma_wait3A_81 = arith.constant 0 : i32
          %dma_wait3A_82 = tpu.memref_slice %arg6[%dma_wait3A_80, %dma_wait3A_81] : memref<160000x256xi32, #tpu.memory_space<hbm>> -> memref<128x256xi32, #tpu.memory_space<hbm>>
          tpu.wait_dma2 semaphore(%arg13 : memref<!tpu.dma_semaphore, #tpu.memory_space<semaphore_mem>>) src(%arg11 : memref<128x256xi32, #tpu.memory_space<vmem>>) dst(%dma_wait3A_82 : memref<128x256xi32, #tpu.memory_space<hbm>>)
        } else {
        }
        %add3A_64 = arith.constant 1 : i32
        %add3A_65 = arith.addi %add3A_52, %add3A_64 : i32
        %lt3A_66 = arith.cmpi slt, %add3A_65, %select_n3A : i32
        %convert_element_type3A_67 = arith.extui %lt3A_66 : i1 to i32
        %cond3A_68 = arith.constant 0 : i32
        %cond3A_69 = arith.cmpi ne, %convert_element_type3A_67, %cond3A_68 : i32
        scf.if %cond3A_69 {
          %add3A_77 = arith.constant 1 : i32
          %add3A_78 = arith.addi %add3A_52, %add3A_77 : i32
          %dma_start3A_79 = arith.constant 0 : i32
          %dma_start3A_80 = tpu.memref_slice %arg8[%add3A_78, %dma_start3A_79] : memref<40x128xi32, #tpu.memory_space<vmem>> -> memref<1x128xi32, #tpu.memory_space<vmem>>
          %dma_start3A_81 = tpu.memref_squeeze %dma_start3A_80 : memref<1x128xi32, #tpu.memory_space<vmem>> -> memref<128xi32, #tpu.memory_space<vmem>>
          %dma_start3A_82 = arith.constant 0 : i32
          %dma_start3A_83 = arith.constant 0 : i32
          %dma_start3A_84 = tpu.memref_slice %arg2[%dma_start3A_82, %dma_start3A_83] : memref<10000x256xi32, #tpu.memory_space<hbm>> -> memref<10000x256xi32, #tpu.memory_space<hbm>>
          tpu.enqueue_indirect_dma source(%dma_start3A_84 : memref<10000x256xi32, #tpu.memory_space<hbm>>) target(%arg10 : memref<128x256xi32, #tpu.memory_space<vmem>>) offsets(%dma_start3A_81 : memref<128xi32, #tpu.memory_space<vmem>>) semaphore(%arg12 : memref<!tpu.dma_semaphore, #tpu.memory_space<semaphore_mem>>)
        } else {
        }
        %add3A_70 = arith.addi %mul3A_2, %add3A_52 : i32
        %mul3A_71 = arith.constant 128 : i32
        %mul3A_72 = arith.muli %add3A_70, %mul3A_71 : i32
        %dma_start3A_73 = arith.constant 0 : i32
        %dma_start3A_74 = tpu.memref_slice %arg6[%mul3A_72, %dma_start3A_73] : memref<160000x256xi32, #tpu.memory_space<hbm>> -> memref<128x256xi32, #tpu.memory_space<hbm>>
        %dma_start3A_75 = arith.constant 0 : i32
        %dma_start3A_76 = tpu.memref_slice %arg6[%mul3A_72, %dma_start3A_75] : memref<160000x256xi32, #tpu.memory_space<hbm>> -> memref<128x256xi32, #tpu.memory_space<hbm>>
        tpu.enqueue_dma source(%arg11 : memref<128x256xi32, #tpu.memory_space<vmem>>) target(%dma_start3A_76 : memref<128x256xi32, #tpu.memory_space<hbm>>) target_semaphore(%arg13 : memref<!tpu.dma_semaphore, #tpu.memory_space<semaphore_mem>>)
      } else {
      }
    }
    %scan3A_15 = arith.constant 20 : i32
    %dma_wait3A = arith.constant 0 : i32
    %dma_wait3A_16 = arith.constant 0 : i32
    %dma_wait3A_17 = tpu.memref_slice %arg6[%dma_wait3A, %dma_wait3A_16] : memref<160000x256xi32, #tpu.memory_space<hbm>> -> memref<128x256xi32, #tpu.memory_space<hbm>>
    %dma_wait3A_18 = arith.constant 0 : i32
    %dma_wait3A_19 = arith.constant 0 : i32
    %dma_wait3A_20 = tpu.memref_slice %arg6[%dma_wait3A_18, %dma_wait3A_19] : memref<160000x256xi32, #tpu.memory_space<hbm>> -> memref<128x256xi32, #tpu.memory_space<hbm>>
    tpu.wait_dma2 semaphore(%arg13 : memref<!tpu.dma_semaphore, #tpu.memory_space<semaphore_mem>>) src(%arg10 : memref<128x256xi32, #tpu.memory_space<vmem>>) dst(%dma_wait3A_20 : memref<128x256xi32, #tpu.memory_space<hbm>>)
    %dma_start3A_21 = arith.constant 0 : i32
    %dma_start3A_22 = arith.constant 0 : i32
    %dma_start3A_23 = tpu.memref_slice %arg9[%dma_start3A_21, %dma_start3A_22] : memref<40x128xi32, #tpu.memory_space<vmem>> -> memref<1x128xi32, #tpu.memory_space<vmem>>
    %dma_start3A_24 = tpu.memref_squeeze %dma_start3A_23 : memref<1x128xi32, #tpu.memory_space<vmem>> -> memref<128xi32, #tpu.memory_space<vmem>>
    %dma_start3A_25 = arith.constant 0 : i32
    %dma_start3A_26 = arith.constant 0 : i32
    %dma_start3A_27 = tpu.memref_slice %arg3[%dma_start3A_25, %dma_start3A_26] : memref<10000x256xi32, #tpu.memory_space<hbm>> -> memref<10000x256xi32, #tpu.memory_space<hbm>>
    tpu.enqueue_indirect_dma source(%dma_start3A_27 : memref<10000x256xi32, #tpu.memory_space<hbm>>) target(%arg10 : memref<128x256xi32, #tpu.memory_space<vmem>>) offsets(%dma_start3A_24 : memref<128xi32, #tpu.memory_space<vmem>>) semaphore(%arg12 : memref<!tpu.dma_semaphore, #tpu.memory_space<semaphore_mem>>)
    %scan3A_28 = arith.constant 0 : i32
    %scan3A_29 = arith.constant 0 : i32
    %scan3A_30 = arith.constant 20 : i32
    %scan3A_31 = arith.addi %scan3A_29, %scan3A_30 : i32
    %scan3A_32 = arith.constant 1 : i32
    scf.for %scan3A_40 = %scan3A_29 to %scan3A_31 step %scan3A_32  : i32 {
      %mul3A_41 = arith.constant 2 : i32
      %mul3A_42 = arith.muli %mul3A_41, %scan3A_40 : i32
      %lt3A_43 = arith.cmpi slt, %mul3A_42, %select_n3A : i32
      %convert_element_type3A = arith.extui %lt3A_43 : i1 to i32
      %cond3A = arith.constant 0 : i32
      %cond3A_44 = arith.cmpi ne, %convert_element_type3A, %cond3A : i32
      scf.if %cond3A_44 {
        %dma_wait3A_51 = arith.constant 0 : i32
        %dma_wait3A_52 = arith.constant 0 : i32
        %dma_wait3A_53 = tpu.memref_slice %arg9[%dma_wait3A_51, %dma_wait3A_52] : memref<40x128xi32, #tpu.memory_space<vmem>> -> memref<1x128xi32, #tpu.memory_space<vmem>>
        %dma_wait3A_54 = tpu.memref_squeeze %dma_wait3A_53 : memref<1x128xi32, #tpu.memory_space<vmem>> -> memref<128xi32, #tpu.memory_space<vmem>>
        %dma_wait3A_55 = arith.constant 0 : i32
        %dma_wait3A_56 = arith.constant 0 : i32
        %dma_wait3A_57 = tpu.memref_slice %arg3[%dma_wait3A_55, %dma_wait3A_56] : memref<10000x256xi32, #tpu.memory_space<hbm>> -> memref<10000x256xi32, #tpu.memory_space<hbm>>
        tpu.wait_indirect_dma semaphore(%arg12 : memref<!tpu.dma_semaphore, #tpu.memory_space<semaphore_mem>>) src(%dma_wait3A_57 : memref<10000x256xi32, #tpu.memory_space<hbm>>) dst(%arg10 : memref<128x256xi32, #tpu.memory_space<vmem>>)
        %ge3A = arith.constant 1 : i32
        %ge3A_58 = arith.cmpi sge, %mul3A_42, %ge3A : i32
        %convert_element_type3A_59 = arith.extui %ge3A_58 : i1 to i32
        %cond3A_60 = arith.constant 0 : i32
        %cond3A_61 = arith.cmpi ne, %convert_element_type3A_59, %cond3A_60 : i32
        scf.if %cond3A_61 {
          %dma_wait3A_75 = arith.constant 0 : i32
          %dma_wait3A_76 = arith.constant 0 : i32
          %dma_wait3A_77 = tpu.memref_slice %arg7[%dma_wait3A_75, %dma_wait3A_76] : memref<160000x256xi32, #tpu.memory_space<hbm>> -> memref<128x256xi32, #tpu.memory_space<hbm>>
          %dma_wait3A_78 = arith.constant 0 : i32
          %dma_wait3A_79 = arith.constant 0 : i32
          %dma_wait3A_80 = tpu.memref_slice %arg7[%dma_wait3A_78, %dma_wait3A_79] : memref<160000x256xi32, #tpu.memory_space<hbm>> -> memref<128x256xi32, #tpu.memory_space<hbm>>
          tpu.wait_dma2 semaphore(%arg13 : memref<!tpu.dma_semaphore, #tpu.memory_space<semaphore_mem>>) src(%arg10 : memref<128x256xi32, #tpu.memory_space<vmem>>) dst(%dma_wait3A_80 : memref<128x256xi32, #tpu.memory_space<hbm>>)
        } else {
        }
        %add3A_62 = arith.constant 1 : i32
        %add3A_63 = arith.addi %mul3A_42, %add3A_62 : i32
        %lt3A_64 = arith.cmpi slt, %add3A_63, %select_n3A : i32
        %convert_element_type3A_65 = arith.extui %lt3A_64 : i1 to i32
        %cond3A_66 = arith.constant 0 : i32
        %cond3A_67 = arith.cmpi ne, %convert_element_type3A_65, %cond3A_66 : i32
        scf.if %cond3A_67 {
          %add3A_75 = arith.constant 1 : i32
          %add3A_76 = arith.addi %mul3A_42, %add3A_75 : i32
          %dma_start3A_77 = arith.constant 0 : i32
          %dma_start3A_78 = tpu.memref_slice %arg9[%add3A_76, %dma_start3A_77] : memref<40x128xi32, #tpu.memory_space<vmem>> -> memref<1x128xi32, #tpu.memory_space<vmem>>
          %dma_start3A_79 = tpu.memref_squeeze %dma_start3A_78 : memref<1x128xi32, #tpu.memory_space<vmem>> -> memref<128xi32, #tpu.memory_space<vmem>>
          %dma_start3A_80 = arith.constant 0 : i32
          %dma_start3A_81 = arith.constant 0 : i32
          %dma_start3A_82 = tpu.memref_slice %arg3[%dma_start3A_80, %dma_start3A_81] : memref<10000x256xi32, #tpu.memory_space<hbm>> -> memref<10000x256xi32, #tpu.memory_space<hbm>>
          tpu.enqueue_indirect_dma source(%dma_start3A_82 : memref<10000x256xi32, #tpu.memory_space<hbm>>) target(%arg11 : memref<128x256xi32, #tpu.memory_space<vmem>>) offsets(%dma_start3A_79 : memref<128xi32, #tpu.memory_space<vmem>>) semaphore(%arg12 : memref<!tpu.dma_semaphore, #tpu.memory_space<semaphore_mem>>)
        } else {
        }
        %add3A_68 = arith.addi %mul3A_2, %mul3A_42 : i32
        %mul3A_69 = arith.constant 128 : i32
        %mul3A_70 = arith.muli %add3A_68, %mul3A_69 : i32
        %dma_start3A_71 = arith.constant 0 : i32
        %dma_start3A_72 = tpu.memref_slice %arg7[%mul3A_70, %dma_start3A_71] : memref<160000x256xi32, #tpu.memory_space<hbm>> -> memref<128x256xi32, #tpu.memory_space<hbm>>
        %dma_start3A_73 = arith.constant 0 : i32
        %dma_start3A_74 = tpu.memref_slice %arg7[%mul3A_70, %dma_start3A_73] : memref<160000x256xi32, #tpu.memory_space<hbm>> -> memref<128x256xi32, #tpu.memory_space<hbm>>
        tpu.enqueue_dma source(%arg10 : memref<128x256xi32, #tpu.memory_space<vmem>>) target(%dma_start3A_74 : memref<128x256xi32, #tpu.memory_space<hbm>>) target_semaphore(%arg13 : memref<!tpu.dma_semaphore, #tpu.memory_space<semaphore_mem>>)
      } else {
      }
      %add3A_45 = arith.constant 1 : i32
      %add3A_46 = arith.addi %mul3A_42, %add3A_45 : i32
      %lt3A_47 = arith.cmpi slt, %add3A_46, %select_n3A : i32
      %convert_element_type3A_48 = arith.extui %lt3A_47 : i1 to i32
      %cond3A_49 = arith.constant 0 : i32
      %cond3A_50 = arith.cmpi ne, %convert_element_type3A_48, %cond3A_49 : i32
      scf.if %cond3A_50 {
        %add3A_51 = arith.constant 1 : i32
        %add3A_52 = arith.addi %mul3A_42, %add3A_51 : i32
        %dma_wait3A_53 = arith.constant 0 : i32
        %dma_wait3A_54 = arith.constant 0 : i32
        %dma_wait3A_55 = tpu.memref_slice %arg9[%dma_wait3A_53, %dma_wait3A_54] : memref<40x128xi32, #tpu.memory_space<vmem>> -> memref<1x128xi32, #tpu.memory_space<vmem>>
        %dma_wait3A_56 = tpu.memref_squeeze %dma_wait3A_55 : memref<1x128xi32, #tpu.memory_space<vmem>> -> memref<128xi32, #tpu.memory_space<vmem>>
        %dma_wait3A_57 = arith.constant 0 : i32
        %dma_wait3A_58 = arith.constant 0 : i32
        %dma_wait3A_59 = tpu.memref_slice %arg3[%dma_wait3A_57, %dma_wait3A_58] : memref<10000x256xi32, #tpu.memory_space<hbm>> -> memref<10000x256xi32, #tpu.memory_space<hbm>>
        tpu.wait_indirect_dma semaphore(%arg12 : memref<!tpu.dma_semaphore, #tpu.memory_space<semaphore_mem>>) src(%dma_wait3A_59 : memref<10000x256xi32, #tpu.memory_space<hbm>>) dst(%arg11 : memref<128x256xi32, #tpu.memory_space<vmem>>)
        %ge3A = arith.constant 1 : i32
        %ge3A_60 = arith.cmpi sge, %add3A_52, %ge3A : i32
        %convert_element_type3A_61 = arith.extui %ge3A_60 : i1 to i32
        %cond3A_62 = arith.constant 0 : i32
        %cond3A_63 = arith.cmpi ne, %convert_element_type3A_61, %cond3A_62 : i32
        scf.if %cond3A_63 {
          %dma_wait3A_77 = arith.constant 0 : i32
          %dma_wait3A_78 = arith.constant 0 : i32
          %dma_wait3A_79 = tpu.memref_slice %arg7[%dma_wait3A_77, %dma_wait3A_78] : memref<160000x256xi32, #tpu.memory_space<hbm>> -> memref<128x256xi32, #tpu.memory_space<hbm>>
          %dma_wait3A_80 = arith.constant 0 : i32
          %dma_wait3A_81 = arith.constant 0 : i32
          %dma_wait3A_82 = tpu.memref_slice %arg7[%dma_wait3A_80, %dma_wait3A_81] : memref<160000x256xi32, #tpu.memory_space<hbm>> -> memref<128x256xi32, #tpu.memory_space<hbm>>
          tpu.wait_dma2 semaphore(%arg13 : memref<!tpu.dma_semaphore, #tpu.memory_space<semaphore_mem>>) src(%arg11 : memref<128x256xi32, #tpu.memory_space<vmem>>) dst(%dma_wait3A_82 : memref<128x256xi32, #tpu.memory_space<hbm>>)
        } else {
        }
        %add3A_64 = arith.constant 1 : i32
        %add3A_65 = arith.addi %add3A_52, %add3A_64 : i32
        %lt3A_66 = arith.cmpi slt, %add3A_65, %select_n3A : i32
        %convert_element_type3A_67 = arith.extui %lt3A_66 : i1 to i32
        %cond3A_68 = arith.constant 0 : i32
        %cond3A_69 = arith.cmpi ne, %convert_element_type3A_67, %cond3A_68 : i32
        scf.if %cond3A_69 {
          %add3A_77 = arith.constant 1 : i32
          %add3A_78 = arith.addi %add3A_52, %add3A_77 : i32
          %dma_start3A_79 = arith.constant 0 : i32
          %dma_start3A_80 = tpu.memref_slice %arg9[%add3A_78, %dma_start3A_79] : memref<40x128xi32, #tpu.memory_space<vmem>> -> memref<1x128xi32, #tpu.memory_space<vmem>>
          %dma_start3A_81 = tpu.memref_squeeze %dma_start3A_80 : memref<1x128xi32, #tpu.memory_space<vmem>> -> memref<128xi32, #tpu.memory_space<vmem>>
          %dma_start3A_82 = arith.constant 0 : i32
          %dma_start3A_83 = arith.constant 0 : i32
          %dma_start3A_84 = tpu.memref_slice %arg3[%dma_start3A_82, %dma_start3A_83] : memref<10000x256xi32, #tpu.memory_space<hbm>> -> memref<10000x256xi32, #tpu.memory_space<hbm>>
          tpu.enqueue_indirect_dma source(%dma_start3A_84 : memref<10000x256xi32, #tpu.memory_space<hbm>>) target(%arg10 : memref<128x256xi32, #tpu.memory_space<vmem>>) offsets(%dma_start3A_81 : memref<128xi32, #tpu.memory_space<vmem>>) semaphore(%arg12 : memref<!tpu.dma_semaphore, #tpu.memory_space<semaphore_mem>>)
        } else {
        }
        %add3A_70 = arith.addi %mul3A_2, %add3A_52 : i32
        %mul3A_71 = arith.constant 128 : i32
        %mul3A_72 = arith.muli %add3A_70, %mul3A_71 : i32
        %dma_start3A_73 = arith.constant 0 : i32
        %dma_start3A_74 = tpu.memref_slice %arg7[%mul3A_72, %dma_start3A_73] : memref<160000x256xi32, #tpu.memory_space<hbm>> -> memref<128x256xi32, #tpu.memory_space<hbm>>
        %dma_start3A_75 = arith.constant 0 : i32
        %dma_start3A_76 = tpu.memref_slice %arg7[%mul3A_72, %dma_start3A_75] : memref<160000x256xi32, #tpu.memory_space<hbm>> -> memref<128x256xi32, #tpu.memory_space<hbm>>
        tpu.enqueue_dma source(%arg11 : memref<128x256xi32, #tpu.memory_space<vmem>>) target(%dma_start3A_76 : memref<128x256xi32, #tpu.memory_space<hbm>>) target_semaphore(%arg13 : memref<!tpu.dma_semaphore, #tpu.memory_space<semaphore_mem>>)
      } else {
      }
    }
    %scan3A_33 = arith.constant 20 : i32
    %dma_wait3A_34 = arith.constant 0 : i32
    %dma_wait3A_35 = arith.constant 0 : i32
    %dma_wait3A_36 = tpu.memref_slice %arg7[%dma_wait3A_34, %dma_wait3A_35] : memref<160000x256xi32, #tpu.memory_space<hbm>> -> memref<128x256xi32, #tpu.memory_space<hbm>>
    %dma_wait3A_37 = arith.constant 0 : i32
    %dma_wait3A_38 = arith.constant 0 : i32
    %dma_wait3A_39 = tpu.memref_slice %arg7[%dma_wait3A_37, %dma_wait3A_38] : memref<160000x256xi32, #tpu.memory_space<hbm>> -> memref<128x256xi32, #tpu.memory_space<hbm>>
    tpu.wait_dma2 semaphore(%arg13 : memref<!tpu.dma_semaphore, #tpu.memory_space<semaphore_mem>>) src(%arg10 : memref<128x256xi32, #tpu.memory_space<vmem>>) dst(%dma_wait3A_39 : memref<128x256xi32, #tpu.memory_space<hbm>>)
    return
  }
}

module attributes {stable_mosaic.version = 14 : i64} {
  func.func @_tables_body(%arg0: i32, %arg1: memref<1000x256xf32, #tpu.memory_space<vmem>>, %arg2: memref<256x512xbf16, #tpu.memory_space<vmem>>, %arg3: memref<256x512xbf16, #tpu.memory_space<vmem>>, %arg4: memref<1000x256xi32, #tpu.memory_space<vmem>>, %arg5: memref<1000x256xi32, #tpu.memory_space<vmem>>) attributes {dimension_semantics = [#tpu.dimension_semantics<arbitrary>], iteration_bounds = array<i64: 10>, scalar_prefetch = 0 : i64, scratch_operands = 0 : i64, tpu.core_type = #tpu.core_type<tc>, window_params = [{transform_indices = @transform_0, window_bounds = array<i64: 1000, 256>}, {pipeline_mode = #tpu.pipeline_mode<synchronous>, transform_indices = @transform_1, window_bounds = array<i64: 256, 512>}, {pipeline_mode = #tpu.pipeline_mode<synchronous>, transform_indices = @transform_2, window_bounds = array<i64: 256, 512>}, {transform_indices = @transform_3, window_bounds = array<i64: 1000, 256>}, {transform_indices = @transform_4, window_bounds = array<i64: 1000, 256>}]} {
    %get3A = arith.constant 0 : index
    %get3A_0 = arith.constant 0 : index
    %get3A_1 = vector.load %arg1[%get3A, %get3A_0] : memref<1000x256xf32, #tpu.memory_space<vmem>>, vector<1000x256xf32>
    %convert_element_type3A = arith.truncf %get3A_1 : vector<1000x256xf32> to vector<1000x256xbf16>
    %get3A_2 = arith.constant 0 : index
    %get3A_3 = arith.constant 0 : index
    %get3A_4 = vector.load %arg2[%get3A_2, %get3A_3] : memref<256x512xbf16, #tpu.memory_space<vmem>>, vector<256x512xbf16>
    %dot_general3A = arith.constant dense<0.000000e+00> : vector<1000x512xf32>
    %dot_general3A_5 = tpu.matmul %convert_element_type3A, %get3A_4, %dot_general3A {dimension_numbers = #tpu.dot_dimension_numbers<[1], [0], [0], [1], [0, 0, 1, 1], [], []>, transpose_lhs_hint = false} : vector<1000x256xbf16>, vector<256x512xbf16>, vector<1000x512xf32> -> vector<1000x512xf32>
    %slice3A = vector.extract_strided_slice %dot_general3A_5 {offsets = [0, 0], sizes = [1000, 256], strides = [1, 1]} : vector<1000x512xf32> to vector<1000x256xf32>
    %convert_element_type3A_6 = arith.truncf %slice3A : vector<1000x256xf32> to vector<1000x256xbf16>
    %bitcast_convert_type3A = tpu.bitcast %convert_element_type3A_6 : vector<1000x256xbf16> -> vector<1000x256xi16>
    %slice3A_7 = vector.extract_strided_slice %dot_general3A_5 {offsets = [0, 256], sizes = [1000, 256], strides = [1, 1]} : vector<1000x512xf32> to vector<1000x256xf32>
    %convert_element_type3A_8 = arith.truncf %slice3A_7 : vector<1000x256xf32> to vector<1000x256xbf16>
    %bitcast_convert_type3A_9 = tpu.bitcast %convert_element_type3A_8 : vector<1000x256xbf16> -> vector<1000x256xi16>
    %convert_element_type3A_10 = arith.extui %bitcast_convert_type3A : vector<1000x256xi16> to vector<1000x256xi32>
    %convert_element_type3A_11 = arith.extui %bitcast_convert_type3A_9 : vector<1000x256xi16> to vector<1000x256xi32>
    %shift_left3A = arith.constant 16 : i32
    %shift_left3A_12 = vector.broadcast %shift_left3A : i32 to vector<1000x256xi32>
    %shift_left3A_13 = arith.shli %convert_element_type3A_11, %shift_left3A_12 : vector<1000x256xi32>
    %or3A = arith.ori %convert_element_type3A_10, %shift_left3A_13 : vector<1000x256xi32>
    %bitcast_convert_type3A_14 = tpu.bitcast %or3A : vector<1000x256xi32> -> vector<1000x256xi32>
    %swap3A = arith.constant 0 : index
    %swap3A_15 = arith.constant 0 : index
    %swap3A_16 = vector.load %arg4[%swap3A, %swap3A_15] : memref<1000x256xi32, #tpu.memory_space<vmem>>, vector<1000x256xi32>
    tpu.vector_store %arg4[%swap3A, %swap3A_15], %bitcast_convert_type3A_14 {strides = array<i32>} : memref<1000x256xi32, #tpu.memory_space<vmem>>, vector<1000x256xi32>,
    %get3A_17 = arith.constant 0 : index
    %get3A_18 = arith.constant 0 : index
    %get3A_19 = vector.load %arg3[%get3A_17, %get3A_18] : memref<256x512xbf16, #tpu.memory_space<vmem>>, vector<256x512xbf16>
    %dot_general3A_20 = arith.constant dense<0.000000e+00> : vector<1000x512xf32>
    %dot_general3A_21 = tpu.matmul %convert_element_type3A, %get3A_19, %dot_general3A_20 {dimension_numbers = #tpu.dot_dimension_numbers<[1], [0], [0], [1], [0, 0, 1, 1], [], []>, transpose_lhs_hint = false} : vector<1000x256xbf16>, vector<256x512xbf16>, vector<1000x512xf32> -> vector<1000x512xf32>
    %slice3A_22 = vector.extract_strided_slice %dot_general3A_21 {offsets = [0, 0], sizes = [1000, 256], strides = [1, 1]} : vector<1000x512xf32> to vector<1000x256xf32>
    %convert_element_type3A_23 = arith.truncf %slice3A_22 : vector<1000x256xf32> to vector<1000x256xbf16>
    %bitcast_convert_type3A_24 = tpu.bitcast %convert_element_type3A_23 : vector<1000x256xbf16> -> vector<1000x256xi16>
    %slice3A_25 = vector.extract_strided_slice %dot_general3A_21 {offsets = [0, 256], sizes = [1000, 256], strides = [1, 1]} : vector<1000x512xf32> to vector<1000x256xf32>
    %convert_element_type3A_26 = arith.truncf %slice3A_25 : vector<1000x256xf32> to vector<1000x256xbf16>
    %bitcast_convert_type3A_27 = tpu.bitcast %convert_element_type3A_26 : vector<1000x256xbf16> -> vector<1000x256xi16>
    %convert_element_type3A_28 = arith.extui %bitcast_convert_type3A_24 : vector<1000x256xi16> to vector<1000x256xi32>
    %convert_element_type3A_29 = arith.extui %bitcast_convert_type3A_27 : vector<1000x256xi16> to vector<1000x256xi32>
    %shift_left3A_30 = arith.constant 16 : i32
    %shift_left3A_31 = vector.broadcast %shift_left3A_30 : i32 to vector<1000x256xi32>
    %shift_left3A_32 = arith.shli %convert_element_type3A_29, %shift_left3A_31 : vector<1000x256xi32>
    %or3A_33 = arith.ori %convert_element_type3A_28, %shift_left3A_32 : vector<1000x256xi32>
    %bitcast_convert_type3A_34 = tpu.bitcast %or3A_33 : vector<1000x256xi32> -> vector<1000x256xi32>
    %swap3A_35 = arith.constant 0 : index
    %swap3A_36 = arith.constant 0 : index
    %swap3A_37 = vector.load %arg5[%swap3A_35, %swap3A_36] : memref<1000x256xi32, #tpu.memory_space<vmem>>, vector<1000x256xi32>
    tpu.vector_store %arg5[%swap3A_35, %swap3A_36], %bitcast_convert_type3A_34 {strides = array<i32>} : memref<1000x256xi32, #tpu.memory_space<vmem>>, vector<1000x256xi32>,
    return
  }
  func.func @transform_0(%arg0: i32) -> (i32, i32) {
    %c0_i32 = arith.constant 0 : i32
    %c0_i32_0 = arith.constant 0 : i32
    return %arg0, %c0_i32 : i32, i32
  }
  func.func @transform_1(%arg0: i32) -> (i32, i32) {
    %c0_i32 = arith.constant 0 : i32
    %c0_i32_0 = arith.constant 0 : i32
    %c0_i32_1 = arith.constant 0 : i32
    return %c0_i32, %c0_i32_0 : i32, i32
  }
  func.func @transform_2(%arg0: i32) -> (i32, i32) {
    %c0_i32 = arith.constant 0 : i32
    %c0_i32_0 = arith.constant 0 : i32
    %c0_i32_1 = arith.constant 0 : i32
    return %c0_i32, %c0_i32_0 : i32, i32
  }
  func.func @transform_3(%arg0: i32) -> (i32, i32) {
    %c0_i32 = arith.constant 0 : i32
    %c0_i32_0 = arith.constant 0 : i32
    return %arg0, %c0_i32 : i32, i32
  }
  func.func @transform_4(%arg0: i32) -> (i32, i32) {
    %c0_i32 = arith.constant 0 : i32
    %c0_i32_0 = arith.constant 0 : i32
    return %arg0, %c0_i32 : i32, i32
  }
}

module attributes {stable_mosaic.version = 14 : i64} {
  func.func @_pass1_body(%arg0: i32, %arg1: memref<1280x256xi32, #tpu.memory_space<vmem>>, %arg2: memref<1280x256xi32, #tpu.memory_space<vmem>>, %arg3: memref<1280x256xf32, #tpu.memory_space<vmem>>, %arg4: memref<256x256xbf16, #tpu.memory_space<vmem>>, %arg5: memref<256x256xbf16, #tpu.memory_space<vmem>>, %arg6: memref<256x256xbf16, #tpu.memory_space<vmem>>, %arg7: memref<256x256xbf16, #tpu.memory_space<vmem>>, %arg8: memref<8x256xf32, #tpu.memory_space<vmem>>, %arg9: memref<1280x256xbf16, #tpu.memory_space<vmem>>, %arg10: memref<1280x256xbf16, #tpu.memory_space<vmem>>, %arg11: memref<2x256xf32, #tpu.memory_space<vmem>>, %arg12: memref<1x256xf32, #tpu.memory_space<vmem>>, %arg13: memref<1x256xf32, #tpu.memory_space<vmem>>) attributes {dimension_semantics = [#tpu.dimension_semantics<arbitrary>], iteration_bounds = array<i64: 125>, scalar_prefetch = 0 : i64, scratch_operands = 2 : i64, tpu.core_type = #tpu.core_type<tc>, window_params = [{transform_indices = @transform_0, window_bounds = array<i64: 1280, 256>}, {transform_indices = @transform_1, window_bounds = array<i64: 1280, 256>}, {transform_indices = @transform_2, window_bounds = array<i64: 1280, 256>}, {pipeline_mode = #tpu.pipeline_mode<synchronous>, transform_indices = @transform_3, window_bounds = array<i64: 256, 256>}, {pipeline_mode = #tpu.pipeline_mode<synchronous>, transform_indices = @transform_4, window_bounds = array<i64: 256, 256>}, {pipeline_mode = #tpu.pipeline_mode<synchronous>, transform_indices = @transform_5, window_bounds = array<i64: 256, 256>}, {pipeline_mode = #tpu.pipeline_mode<synchronous>, transform_indices = @transform_6, window_bounds = array<i64: 256, 256>}, {pipeline_mode = #tpu.pipeline_mode<synchronous>, transform_indices = @transform_7, window_bounds = array<i64: 8, 256>}, {transform_indices = @transform_8, window_bounds = array<i64: 1280, 256>}, {transform_indices = @transform_9, window_bounds = array<i64: 1280, 256>}, {pipeline_mode = #tpu.pipeline_mode<synchronous>, transform_indices = @transform_10, window_bounds = array<i64: 2, 256>}]} {
    %eq3A = arith.constant 0 : i32
    %eq3A_0 = arith.cmpi eq, %arg0, %eq3A : i32
    %convert_element_type3A = arith.extui %eq3A_0 : i1 to i32
    %cond3A = arith.constant 0 : i32
    %cond3A_1 = arith.cmpi ne, %convert_element_type3A, %cond3A : i32
    scf.if %cond3A_1 {
      %broadcast_in_dim3A_114 = arith.constant 0.000000e+00 : f32
      %broadcast_in_dim3A_115 = vector.broadcast %broadcast_in_dim3A_114 : f32 to vector<1x256xf32>
      %swap3A_116 = arith.constant 0 : index
      %swap3A_117 = arith.constant 0 : index
      %swap3A_118 = vector.load %arg12[%swap3A_116, %swap3A_117] : memref<1x256xf32, #tpu.memory_space<vmem>>, vector<1x256xf32>
      tpu.vector_store %arg12[%swap3A_116, %swap3A_117], %broadcast_in_dim3A_115 {strides = array<i32>} : memref<1x256xf32, #tpu.memory_space<vmem>>, vector<1x256xf32>,
      %broadcast_in_dim3A_119 = arith.constant 0.000000e+00 : f32
      %broadcast_in_dim3A_120 = vector.broadcast %broadcast_in_dim3A_119 : f32 to vector<1x256xf32>
      %swap3A_121 = arith.constant 0 : index
      %swap3A_122 = arith.constant 0 : index
      %swap3A_123 = vector.load %arg13[%swap3A_121, %swap3A_122] : memref<1x256xf32, #tpu.memory_space<vmem>>, vector<1x256xf32>
      tpu.vector_store %arg13[%swap3A_121, %swap3A_122], %broadcast_in_dim3A_120 {strides = array<i32>} : memref<1x256xf32, #tpu.memory_space<vmem>>, vector<1x256xf32>,
    } else {
    }
    %get3A = arith.constant 0 : index
    %get3A_2 = arith.constant 0 : index
    %get3A_3 = vector.load %arg1[%get3A, %get3A_2] : memref<1280x256xi32, #tpu.memory_space<vmem>>, vector<1280x256xi32>
    %bitcast_convert_type3A = tpu.bitcast %get3A_3 : vector<1280x256xi32> -> vector<1280x256xi32>
    %convert_element_type3A_4 = arith.trunci %bitcast_convert_type3A : vector<1280x256xi32> to vector<1280x256xi16>
    %bitcast_convert_type3A_5 = tpu.bitcast %convert_element_type3A_4 : vector<1280x256xi16> -> vector<1280x256xbf16>
    %shift_right_logical3A = arith.constant 16 : i32
    %shift_right_logical3A_6 = vector.broadcast %shift_right_logical3A : i32 to vector<1280x256xi32>
    %shift_right_logical3A_7 = arith.shrui %bitcast_convert_type3A, %shift_right_logical3A_6 : vector<1280x256xi32>
    %convert_element_type3A_8 = arith.trunci %shift_right_logical3A_7 : vector<1280x256xi32> to vector<1280x256xi16>
    %bitcast_convert_type3A_9 = tpu.bitcast %convert_element_type3A_8 : vector<1280x256xi16> -> vector<1280x256xbf16>
    %get3A_10 = arith.constant 0 : index
    %get3A_11 = arith.constant 0 : index
    %get3A_12 = vector.load %arg2[%get3A_10, %get3A_11] : memref<1280x256xi32, #tpu.memory_space<vmem>>, vector<1280x256xi32>
    %bitcast_convert_type3A_13 = tpu.bitcast %get3A_12 : vector<1280x256xi32> -> vector<1280x256xi32>
    %convert_element_type3A_14 = arith.trunci %bitcast_convert_type3A_13 : vector<1280x256xi32> to vector<1280x256xi16>
    %bitcast_convert_type3A_15 = tpu.bitcast %convert_element_type3A_14 : vector<1280x256xi16> -> vector<1280x256xbf16>
    %shift_right_logical3A_16 = arith.constant 16 : i32
    %shift_right_logical3A_17 = vector.broadcast %shift_right_logical3A_16 : i32 to vector<1280x256xi32>
    %shift_right_logical3A_18 = arith.shrui %bitcast_convert_type3A_13, %shift_right_logical3A_17 : vector<1280x256xi32>
    %convert_element_type3A_19 = arith.trunci %shift_right_logical3A_18 : vector<1280x256xi32> to vector<1280x256xi16>
    %bitcast_convert_type3A_20 = tpu.bitcast %convert_element_type3A_19 : vector<1280x256xi16> -> vector<1280x256xbf16>
    %get3A_21 = arith.constant 0 : index
    %get3A_22 = arith.constant 0 : index
    %get3A_23 = vector.load %arg3[%get3A_21, %get3A_22] : memref<1280x256xf32, #tpu.memory_space<vmem>>, vector<1280x256xf32>
    %convert_element_type3A_24 = arith.truncf %get3A_23 : vector<1280x256xf32> to vector<1280x256xbf16>
    %add3A = arith.addf %bitcast_convert_type3A_5, %bitcast_convert_type3A_15 : vector<1280x256xbf16>
    %convert_element_type3A_25 = arith.extf %add3A : vector<1280x256xbf16> to vector<1280x256xf32>
    %get3A_26 = arith.constant 0 : index
    %get3A_27 = arith.constant 0 : index
    %get3A_28 = vector.load %arg4[%get3A_26, %get3A_27] : memref<256x256xbf16, #tpu.memory_space<vmem>>, vector<256x256xbf16>
    %dot_general3A = arith.constant dense<0.000000e+00> : vector<1280x256xf32>
    %dot_general3A_29 = tpu.matmul %convert_element_type3A_24, %get3A_28, %dot_general3A {dimension_numbers = #tpu.dot_dimension_numbers<[1], [0], [0], [1], [0, 0, 1, 1], [], []>, transpose_lhs_hint = false} : vector<1280x256xbf16>, vector<256x256xbf16>, vector<1280x256xf32> -> vector<1280x256xf32>
    %add3A_30 = arith.addf %convert_element_type3A_25, %dot_general3A_29 : vector<1280x256xf32>
    %get3A_31 = arith.constant 0 : index
    %get3A_32 = arith.constant 0 : index
    %get3A_33 = vector.load %arg8[%get3A_31, %get3A_32] : memref<8x256xf32, #tpu.memory_space<vmem>>, vector<1x256xf32>
    %add3A_34 = vector.broadcast %get3A_33 : vector<1x256xf32> to vector<1280x256xf32>
    %add3A_35 = arith.addf %add3A_30, %add3A_34 : vector<1280x256xf32>
    %add3A_36 = arith.addf %bitcast_convert_type3A_9, %bitcast_convert_type3A_20 : vector<1280x256xbf16>
    %convert_element_type3A_37 = arith.extf %add3A_36 : vector<1280x256xbf16> to vector<1280x256xf32>
    %get3A_38 = arith.constant 0 : index
    %get3A_39 = arith.constant 0 : index
    %get3A_40 = vector.load %arg5[%get3A_38, %get3A_39] : memref<256x256xbf16, #tpu.memory_space<vmem>>, vector<256x256xbf16>
    %dot_general3A_41 = arith.constant dense<0.000000e+00> : vector<1280x256xf32>
    %dot_general3A_42 = tpu.matmul %convert_element_type3A_24, %get3A_40, %dot_general3A_41 {dimension_numbers = #tpu.dot_dimension_numbers<[1], [0], [0], [1], [0, 0, 1, 1], [], []>, transpose_lhs_hint = false} : vector<1280x256xbf16>, vector<256x256xbf16>, vector<1280x256xf32> -> vector<1280x256xf32>
    %add3A_43 = arith.addf %convert_element_type3A_37, %dot_general3A_42 : vector<1280x256xf32>
    %get3A_44 = arith.constant 1 : index
    %get3A_45 = arith.constant 0 : index
    %get3A_46 = vector.load %arg8[%get3A_44, %get3A_45] : memref<8x256xf32, #tpu.memory_space<vmem>>, vector<1x256xf32>
    %add3A_47 = vector.broadcast %get3A_46 : vector<1x256xf32> to vector<1280x256xf32>
    %add3A_48 = arith.addf %add3A_43, %add3A_47 : vector<1280x256xf32>
    %logistic3A = arith.negf %add3A_35 : vector<1280x256xf32>
    %logistic3A_49 = math.exp %logistic3A : vector<1280x256xf32>
    %logistic3A_50 = arith.constant 1.000000e+00 : f32
    %logistic3A_51 = vector.broadcast %logistic3A_50 : f32 to vector<1280x256xf32>
    %logistic3A_52 = arith.addf %logistic3A_51, %logistic3A_49 : vector<1280x256xf32>
    %logistic3A_53 = arith.divf %logistic3A_51, %logistic3A_52 : vector<1280x256xf32>
    %mul3A = arith.mulf %add3A_35, %logistic3A_53 : vector<1280x256xf32>
    %convert_element_type3A_54 = arith.truncf %mul3A : vector<1280x256xf32> to vector<1280x256xbf16>
    %logistic3A_55 = arith.negf %add3A_48 : vector<1280x256xf32>
    %logistic3A_56 = math.exp %logistic3A_55 : vector<1280x256xf32>
    %logistic3A_57 = arith.constant 1.000000e+00 : f32
    %logistic3A_58 = vector.broadcast %logistic3A_57 : f32 to vector<1280x256xf32>
    %logistic3A_59 = arith.addf %logistic3A_58, %logistic3A_56 : vector<1280x256xf32>
    %logistic3A_60 = arith.divf %logistic3A_58, %logistic3A_59 : vector<1280x256xf32>
    %mul3A_61 = arith.mulf %add3A_48, %logistic3A_60 : vector<1280x256xf32>
    %convert_element_type3A_62 = arith.truncf %mul3A_61 : vector<1280x256xf32> to vector<1280x256xbf16>
    %get3A_63 = arith.constant 0 : index
    %get3A_64 = arith.constant 0 : index
    %get3A_65 = vector.load %arg6[%get3A_63, %get3A_64] : memref<256x256xbf16, #tpu.memory_space<vmem>>, vector<256x256xbf16>
    %dot_general3A_66 = arith.constant dense<0.000000e+00> : vector<1280x256xf32>
    %dot_general3A_67 = tpu.matmul %convert_element_type3A_54, %get3A_65, %dot_general3A_66 {dimension_numbers = #tpu.dot_dimension_numbers<[1], [0], [0], [1], [0, 0, 1, 1], [], []>, transpose_lhs_hint = false} : vector<1280x256xbf16>, vector<256x256xbf16>, vector<1280x256xf32> -> vector<1280x256xf32>
    %get3A_68 = arith.constant 2 : index
    %get3A_69 = arith.constant 0 : index
    %get3A_70 = vector.load %arg8[%get3A_68, %get3A_69] : memref<8x256xf32, #tpu.memory_space<vmem>>, vector<1x256xf32>
    %add3A_71 = vector.broadcast %get3A_70 : vector<1x256xf32> to vector<1280x256xf32>
    %add3A_72 = arith.addf %dot_general3A_67, %add3A_71 : vector<1280x256xf32>
    %get3A_73 = arith.constant 0 : index
    %get3A_74 = arith.constant 0 : index
    %get3A_75 = vector.load %arg7[%get3A_73, %get3A_74] : memref<256x256xbf16, #tpu.memory_space<vmem>>, vector<256x256xbf16>
    %dot_general3A_76 = arith.constant dense<0.000000e+00> : vector<1280x256xf32>
    %dot_general3A_77 = tpu.matmul %convert_element_type3A_62, %get3A_75, %dot_general3A_76 {dimension_numbers = #tpu.dot_dimension_numbers<[1], [0], [0], [1], [0, 0, 1, 1], [], []>, transpose_lhs_hint = false} : vector<1280x256xbf16>, vector<256x256xbf16>, vector<1280x256xf32> -> vector<1280x256xf32>
    %get3A_78 = arith.constant 3 : index
    %get3A_79 = arith.constant 0 : index
    %get3A_80 = vector.load %arg8[%get3A_78, %get3A_79] : memref<8x256xf32, #tpu.memory_space<vmem>>, vector<1x256xf32>
    %add3A_81 = vector.broadcast %get3A_80 : vector<1x256xf32> to vector<1280x256xf32>
    %add3A_82 = arith.addf %dot_general3A_77, %add3A_81 : vector<1280x256xf32>
    %get3A_83 = arith.constant 0 : index
    %get3A_84 = arith.constant 0 : index
    %get3A_85 = vector.load %arg12[%get3A_83, %get3A_84] : memref<1x256xf32, #tpu.memory_space<vmem>>, vector<1x256xf32>
    %reduce_sum3A = arith.constant dense<0.000000e+00> : vector<256xf32>
    %reduce_sum3A_86 = vector.multi_reduction <add>, %add3A_72, %reduce_sum3A [0] : vector<1280x256xf32> to vector<256xf32>
    %broadcast_in_dim3A = vector.shape_cast %reduce_sum3A_86 : vector<256xf32> to vector<1x256xf32>
    %add3A_87 = arith.addf %get3A_85, %broadcast_in_dim3A : vector<1x256xf32>
    %swap3A = arith.constant 0 : index
    %swap3A_88 = arith.constant 0 : index
    %swap3A_89 = vector.load %arg12[%swap3A, %swap3A_88] : memref<1x256xf32, #tpu.memory_space<vmem>>, vector<1x256xf32>
    tpu.vector_store %arg12[%swap3A, %swap3A_88], %add3A_87 {strides = array<i32>} : memref<1x256xf32, #tpu.memory_space<vmem>>, vector<1x256xf32>,
    %get3A_90 = arith.constant 0 : index
    %get3A_91 = arith.constant 0 : index
    %get3A_92 = vector.load %arg13[%get3A_90, %get3A_91] : memref<1x256xf32, #tpu.memory_space<vmem>>, vector<1x256xf32>
    %mul3A_93 = arith.mulf %add3A_72, %add3A_72 : vector<1280x256xf32>
    %reduce_sum3A_94 = arith.constant dense<0.000000e+00> : vector<256xf32>
    %reduce_sum3A_95 = vector.multi_reduction <add>, %mul3A_93, %reduce_sum3A_94 [0] : vector<1280x256xf32> to vector<256xf32>
    %broadcast_in_dim3A_96 = vector.shape_cast %reduce_sum3A_95 : vector<256xf32> to vector<1x256xf32>
    %add3A_97 = arith.addf %get3A_92, %broadcast_in_dim3A_96 : vector<1x256xf32>
    %swap3A_98 = arith.constant 0 : index
    %swap3A_99 = arith.constant 0 : index
    %swap3A_100 = vector.load %arg13[%swap3A_98, %swap3A_99] : memref<1x256xf32, #tpu.memory_space<vmem>>, vector<1x256xf32>
    tpu.vector_store %arg13[%swap3A_98, %swap3A_99], %add3A_97 {strides = array<i32>} : memref<1x256xf32, #tpu.memory_space<vmem>>, vector<1x256xf32>,
    %convert_element_type3A_101 = arith.truncf %add3A_72 : vector<1280x256xf32> to vector<1280x256xbf16>
    %swap3A_102 = arith.constant 0 : index
    %swap3A_103 = arith.constant 0 : index
    %swap3A_104 = vector.load %arg9[%swap3A_102, %swap3A_103] : memref<1280x256xbf16, #tpu.memory_space<vmem>>, vector<1280x256xbf16>
    tpu.vector_store %arg9[%swap3A_102, %swap3A_103], %convert_element_type3A_101 {strides = array<i32>} : memref<1280x256xbf16, #tpu.memory_space<vmem>>, vector<1280x256xbf16>,
    %convert_element_type3A_105 = arith.truncf %add3A_82 : vector<1280x256xf32> to vector<1280x256xbf16>
    %swap3A_106 = arith.constant 0 : index
    %swap3A_107 = arith.constant 0 : index
    %swap3A_108 = vector.load %arg10[%swap3A_106, %swap3A_107] : memref<1280x256xbf16, #tpu.memory_space<vmem>>, vector<1280x256xbf16>
    tpu.vector_store %arg10[%swap3A_106, %swap3A_107], %convert_element_type3A_105 {strides = array<i32>} : memref<1280x256xbf16, #tpu.memory_space<vmem>>, vector<1280x256xbf16>,
    %eq3A_109 = arith.constant 124 : i32
    %eq3A_110 = arith.cmpi eq, %arg0, %eq3A_109 : i32
    %convert_element_type3A_111 = arith.extui %eq3A_110 : i1 to i32
    %cond3A_112 = arith.constant 0 : i32
    %cond3A_113 = arith.cmpi ne, %convert_element_type3A_111, %cond3A_112 : i32
    scf.if %cond3A_113 {
      %get3A_114 = arith.constant 0 : index
      %get3A_115 = arith.constant 0 : index
      %get3A_116 = vector.load %arg12[%get3A_114, %get3A_115] : memref<1x256xf32, #tpu.memory_space<vmem>>, vector<1x256xf32>
      %div3A = arith.constant 1.600000e+05 : f32
      %div3A_117 = vector.broadcast %div3A : f32 to vector<1x256xf32>
      %div3A_118 = arith.divf %get3A_116, %div3A_117 : vector<1x256xf32>
      %get3A_119 = arith.constant 0 : index
      %get3A_120 = arith.constant 0 : index
      %get3A_121 = vector.load %arg13[%get3A_119, %get3A_120] : memref<1x256xf32, #tpu.memory_space<vmem>>, vector<1x256xf32>
      %div3A_122 = arith.constant 1.600000e+05 : f32
      %div3A_123 = vector.broadcast %div3A_122 : f32 to vector<1x256xf32>
      %div3A_124 = arith.divf %get3A_121, %div3A_123 : vector<1x256xf32>
      %mul3A_125 = arith.mulf %div3A_118, %div3A_118 : vector<1x256xf32>
      %sub3A = arith.subf %div3A_124, %mul3A_125 : vector<1x256xf32>
      %get3A_126 = arith.constant 4 : index
      %get3A_127 = arith.constant 0 : index
      %get3A_128 = vector.load %arg8[%get3A_126, %get3A_127] : memref<8x256xf32, #tpu.memory_space<vmem>>, vector<1x256xf32>
      %add3A_129 = arith.constant 9.99999974E-6 : f32
      %add3A_130 = vector.broadcast %add3A_129 : f32 to vector<1x256xf32>
      %add3A_131 = arith.addf %sub3A, %add3A_130 : vector<1x256xf32>
      %rsqrt3A = math.rsqrt %add3A_131 : vector<1x256xf32>
      %mul3A_132 = arith.mulf %get3A_128, %rsqrt3A : vector<1x256xf32>
      %get3A_133 = arith.constant 5 : index
      %get3A_134 = arith.constant 0 : index
      %get3A_135 = vector.load %arg8[%get3A_133, %get3A_134] : memref<8x256xf32, #tpu.memory_space<vmem>>, vector<1x256xf32>
      %mul3A_136 = arith.mulf %div3A_118, %mul3A_132 : vector<1x256xf32>
      %sub3A_137 = arith.subf %get3A_135, %mul3A_136 : vector<1x256xf32>
      %concatenate3A = tpu.concatenate %mul3A_132, %sub3A_137 in 0 : vector<1x256xf32>, vector<1x256xf32> -> vector<2x256xf32>
      %swap3A_138 = arith.constant 0 : index
      %swap3A_139 = arith.constant 0 : index
      %swap3A_140 = vector.load %arg11[%swap3A_138, %swap3A_139] : memref<2x256xf32, #tpu.memory_space<vmem>>, vector<2x256xf32>
      tpu.vector_store %arg11[%swap3A_138, %swap3A_139], %concatenate3A {strides = array<i32>} : memref<2x256xf32, #tpu.memory_space<vmem>>, vector<2x256xf32>,
    } else {
    }
    return
  }
  func.func @transform_0(%arg0: i32) -> (i32, i32) {
    %c0_i32 = arith.constant 0 : i32
    %c0_i32_0 = arith.constant 0 : i32
    return %arg0, %c0_i32 : i32, i32
  }
  func.func @transform_1(%arg0: i32) -> (i32, i32) {
    %c0_i32 = arith.constant 0 : i32
    %c0_i32_0 = arith.constant 0 : i32
    return %arg0, %c0_i32 : i32, i32
  }
  func.func @transform_2(%arg0: i32) -> (i32, i32) {
    %c0_i32 = arith.constant 0 : i32
    %c0_i32_0 = arith.constant 0 : i32
    return %arg0, %c0_i32 : i32, i32
  }
  func.func @transform_3(%arg0: i32) -> (i32, i32) {
    %c0_i32 = arith.constant 0 : i32
    %c0_i32_0 = arith.constant 0 : i32
    %c0_i32_1 = arith.constant 0 : i32
    return %c0_i32, %c0_i32_0 : i32, i32
  }
  func.func @transform_4(%arg0: i32) -> (i32, i32) {
    %c0_i32 = arith.constant 0 : i32
    %c0_i32_0 = arith.constant 0 : i32
    %c0_i32_1 = arith.constant 0 : i32
    return %c0_i32, %c0_i32_0 : i32, i32
  }
  func.func @transform_5(%arg0: i32) -> (i32, i32) {
    %c0_i32 = arith.constant 0 : i32
    %c0_i32_0 = arith.constant 0 : i32
    %c0_i32_1 = arith.constant 0 : i32
    return %c0_i32, %c0_i32_0 : i32, i32
  }
  func.func @transform_6(%arg0: i32) -> (i32, i32) {
    %c0_i32 = arith.constant 0 : i32
    %c0_i32_0 = arith.constant 0 : i32
    %c0_i32_1 = arith.constant 0 : i32
    return %c0_i32, %c0_i32_0 : i32, i32
  }
  func.func @transform_7(%arg0: i32) -> (i32, i32) {
    %c0_i32 = arith.constant 0 : i32
    %c0_i32_0 = arith.constant 0 : i32
    %c0_i32_1 = arith.constant 0 : i32
    return %c0_i32, %c0_i32_0 : i32, i32
  }
  func.func @transform_8(%arg0: i32) -> (i32, i32) {
    %c0_i32 = arith.constant 0 : i32
    %c0_i32_0 = arith.constant 0 : i32
    return %arg0, %c0_i32 : i32, i32
  }
  func.func @transform_9(%arg0: i32) -> (i32, i32) {
    %c0_i32 = arith.constant 0 : i32
    %c0_i32_0 = arith.constant 0 : i32
    return %arg0, %c0_i32 : i32, i32
  }
  func.func @transform_10(%arg0: i32) -> (i32, i32) {
    %c0_i32 = arith.constant 0 : i32
    %c0_i32_0 = arith.constant 0 : i32
    %c0_i32_1 = arith.constant 0 : i32
    return %c0_i32, %c0_i32_0 : i32, i32
  }
}

module attributes {stable_mosaic.version = 14 : i64} {
  func.func @_pass2_body(%arg0: i32, %arg1: memref<1280x256xbf16, #tpu.memory_space<vmem>>, %arg2: memref<1280x256xbf16, #tpu.memory_space<vmem>>, %arg3: memref<2x256xf32, #tpu.memory_space<vmem>>, %arg4: memref<1280x256xf32, #tpu.memory_space<vmem>>) attributes {dimension_semantics = [#tpu.dimension_semantics<arbitrary>], iteration_bounds = array<i64: 125>, scalar_prefetch = 0 : i64, scratch_operands = 0 : i64, tpu.core_type = #tpu.core_type<tc>, window_params = [{transform_indices = @transform_0, window_bounds = array<i64: 1280, 256>}, {transform_indices = @transform_1, window_bounds = array<i64: 1280, 256>}, {pipeline_mode = #tpu.pipeline_mode<synchronous>, transform_indices = @transform_2, window_bounds = array<i64: 2, 256>}, {transform_indices = @transform_3, window_bounds = array<i64: 1280, 256>}]} {
    %get3A = arith.constant 0 : index
    %get3A_0 = arith.constant 0 : index
    %get3A_1 = vector.load %arg1[%get3A, %get3A_0] : memref<1280x256xbf16, #tpu.memory_space<vmem>>, vector<1280x256xbf16>
    %convert_element_type3A = arith.extf %get3A_1 : vector<1280x256xbf16> to vector<1280x256xf32>
    %get3A_2 = arith.constant 0 : index
    %get3A_3 = arith.constant 0 : index
    %get3A_4 = vector.load %arg3[%get3A_2, %get3A_3] : memref<2x256xf32, #tpu.memory_space<vmem>>, vector<1x256xf32>
    %mul3A = vector.broadcast %get3A_4 : vector<1x256xf32> to vector<1280x256xf32>
    %mul3A_5 = arith.mulf %convert_element_type3A, %mul3A : vector<1280x256xf32>
    %get3A_6 = arith.constant 1 : index
    %get3A_7 = arith.constant 0 : index
    %get3A_8 = vector.load %arg3[%get3A_6, %get3A_7] : memref<2x256xf32, #tpu.memory_space<vmem>>, vector<1x256xf32>
    %add3A = vector.broadcast %get3A_8 : vector<1x256xf32> to vector<1280x256xf32>
    %add3A_9 = arith.addf %mul3A_5, %add3A : vector<1280x256xf32>
    %logistic3A = arith.negf %add3A_9 : vector<1280x256xf32>
    %logistic3A_10 = math.exp %logistic3A : vector<1280x256xf32>
    %logistic3A_11 = arith.constant 1.000000e+00 : f32
    %logistic3A_12 = vector.broadcast %logistic3A_11 : f32 to vector<1280x256xf32>
    %logistic3A_13 = arith.addf %logistic3A_12, %logistic3A_10 : vector<1280x256xf32>
    %logistic3A_14 = arith.divf %logistic3A_12, %logistic3A_13 : vector<1280x256xf32>
    %get3A_15 = arith.constant 0 : index
    %get3A_16 = arith.constant 0 : index
    %get3A_17 = vector.load %arg2[%get3A_15, %get3A_16] : memref<1280x256xbf16, #tpu.memory_space<vmem>>, vector<1280x256xbf16>
    %convert_element_type3A_18 = arith.extf %get3A_17 : vector<1280x256xbf16> to vector<1280x256xf32>
    %mul3A_19 = arith.mulf %logistic3A_14, %convert_element_type3A_18 : vector<1280x256xf32>
    %swap3A = arith.constant 0 : index
    %swap3A_20 = arith.constant 0 : index
    %swap3A_21 = vector.load %arg4[%swap3A, %swap3A_20] : memref<1280x256xf32, #tpu.memory_space<vmem>>, vector<1280x256xf32>
    tpu.vector_store %arg4[%swap3A, %swap3A_20], %mul3A_19 {strides = array<i32>} : memref<1280x256xf32, #tpu.memory_space<vmem>>, vector<1280x256xf32>,
    return
  }
  func.func @transform_0(%arg0: i32) -> (i32, i32) {
    %c0_i32 = arith.constant 0 : i32
    %c0_i32_0 = arith.constant 0 : i32
    return %arg0, %c0_i32 : i32, i32
  }
  func.func @transform_1(%arg0: i32) -> (i32, i32) {
    %c0_i32 = arith.constant 0 : i32
    %c0_i32_0 = arith.constant 0 : i32
    return %arg0, %c0_i32 : i32, i32
  }
  func.func @transform_2(%arg0: i32) -> (i32, i32) {
    %c0_i32 = arith.constant 0 : i32
    %c0_i32_0 = arith.constant 0 : i32
    %c0_i32_1 = arith.constant 0 : i32
    return %c0_i32, %c0_i32_0 : i32, i32
  }
  func.func @transform_3(%arg0: i32) -> (i32, i32) {
    %c0_i32 = arith.constant 0 : i32
    %c0_i32_0 = arith.constant 0 : i32
    return %arg0, %c0_i32 : i32, i32
  }
}

module attributes {stable_mosaic.version = 14 : i64} {
  func.func @_node_bn_body(%arg0: i32, %arg1: memref<1000x256xf32, #tpu.memory_space<vmem>>, %arg2: memref<1000x256xf32, #tpu.memory_space<vmem>>, %arg3: memref<2x256xf32, #tpu.memory_space<vmem>>, %arg4: memref<1000x256xf32, #tpu.memory_space<vmem>>, %arg5: memref<1x256xf32, #tpu.memory_space<vmem>>, %arg6: memref<1x256xf32, #tpu.memory_space<vmem>>, %arg7: memref<2x256xf32, #tpu.memory_space<vmem>>) attributes {dimension_semantics = [#tpu.dimension_semantics<arbitrary>], iteration_bounds = array<i64: 20>, scalar_prefetch = 0 : i64, scratch_operands = 3 : i64, tpu.core_type = #tpu.core_type<tc>, window_params = [{transform_indices = @transform_0, window_bounds = array<i64: 1000, 256>}, {transform_indices = @transform_1, window_bounds = array<i64: 1000, 256>}, {pipeline_mode = #tpu.pipeline_mode<synchronous>, transform_indices = @transform_2, window_bounds = array<i64: 2, 256>}, {transform_indices = @transform_3, window_bounds = array<i64: 1000, 256>}]} {
    %eq3A = arith.constant 0 : i32
    %eq3A_0 = arith.cmpi eq, %arg0, %eq3A : i32
    %convert_element_type3A = arith.extui %eq3A_0 : i1 to i32
    %cond3A = arith.constant 0 : i32
    %cond3A_1 = arith.cmpi ne, %convert_element_type3A, %cond3A : i32
    scf.if %cond3A_1 {
      %broadcast_in_dim3A = arith.constant 0.000000e+00 : f32
      %broadcast_in_dim3A_15 = vector.broadcast %broadcast_in_dim3A : f32 to vector<1x256xf32>
      %swap3A = arith.constant 0 : index
      %swap3A_16 = arith.constant 0 : index
      %swap3A_17 = vector.load %arg5[%swap3A, %swap3A_16] : memref<1x256xf32, #tpu.memory_space<vmem>>, vector<1x256xf32>
      tpu.vector_store %arg5[%swap3A, %swap3A_16], %broadcast_in_dim3A_15 {strides = array<i32>} : memref<1x256xf32, #tpu.memory_space<vmem>>, vector<1x256xf32>,
      %broadcast_in_dim3A_18 = arith.constant 0.000000e+00 : f32
      %broadcast_in_dim3A_19 = vector.broadcast %broadcast_in_dim3A_18 : f32 to vector<1x256xf32>
      %swap3A_20 = arith.constant 0 : index
      %swap3A_21 = arith.constant 0 : index
      %swap3A_22 = vector.load %arg6[%swap3A_20, %swap3A_21] : memref<1x256xf32, #tpu.memory_space<vmem>>, vector<1x256xf32>
      tpu.vector_store %arg6[%swap3A_20, %swap3A_21], %broadcast_in_dim3A_19 {strides = array<i32>} : memref<1x256xf32, #tpu.memory_space<vmem>>, vector<1x256xf32>,
    } else {
    }
    %lt3A = arith.constant 10 : i32
    %lt3A_2 = arith.cmpi slt, %arg0, %lt3A : i32
    %convert_element_type3A_3 = arith.extui %lt3A_2 : i1 to i32
    %cond3A_4 = arith.constant 0 : i32
    %cond3A_5 = arith.cmpi ne, %convert_element_type3A_3, %cond3A_4 : i32
    scf.if %cond3A_5 {
      %get3A = arith.constant 0 : index
      %get3A_15 = arith.constant 0 : index
      %get3A_16 = vector.load %arg2[%get3A, %get3A_15] : memref<1000x256xf32, #tpu.memory_space<vmem>>, vector<1000x256xf32>
      %get3A_17 = arith.constant 0 : index
      %get3A_18 = arith.constant 0 : index
      %get3A_19 = vector.load %arg5[%get3A_17, %get3A_18] : memref<1x256xf32, #tpu.memory_space<vmem>>, vector<1x256xf32>
      %reduce_sum3A = arith.constant dense<0.000000e+00> : vector<256xf32>
      %reduce_sum3A_20 = vector.multi_reduction <add>, %get3A_16, %reduce_sum3A [0] : vector<1000x256xf32> to vector<256xf32>
      %broadcast_in_dim3A = vector.shape_cast %reduce_sum3A_20 : vector<256xf32> to vector<1x256xf32>
      %add3A = arith.addf %get3A_19, %broadcast_in_dim3A : vector<1x256xf32>
      %swap3A = arith.constant 0 : index
      %swap3A_21 = arith.constant 0 : index
      %swap3A_22 = vector.load %arg5[%swap3A, %swap3A_21] : memref<1x256xf32, #tpu.memory_space<vmem>>, vector<1x256xf32>
      tpu.vector_store %arg5[%swap3A, %swap3A_21], %add3A {strides = array<i32>} : memref<1x256xf32, #tpu.memory_space<vmem>>, vector<1x256xf32>,
      %get3A_23 = arith.constant 0 : index
      %get3A_24 = arith.constant 0 : index
      %get3A_25 = vector.load %arg6[%get3A_23, %get3A_24] : memref<1x256xf32, #tpu.memory_space<vmem>>, vector<1x256xf32>
      %mul3A = arith.mulf %get3A_16, %get3A_16 : vector<1000x256xf32>
      %reduce_sum3A_26 = arith.constant dense<0.000000e+00> : vector<256xf32>
      %reduce_sum3A_27 = vector.multi_reduction <add>, %mul3A, %reduce_sum3A_26 [0] : vector<1000x256xf32> to vector<256xf32>
      %broadcast_in_dim3A_28 = vector.shape_cast %reduce_sum3A_27 : vector<256xf32> to vector<1x256xf32>
      %add3A_29 = arith.addf %get3A_25, %broadcast_in_dim3A_28 : vector<1x256xf32>
      %swap3A_30 = arith.constant 0 : index
      %swap3A_31 = arith.constant 0 : index
      %swap3A_32 = vector.load %arg6[%swap3A_30, %swap3A_31] : memref<1x256xf32, #tpu.memory_space<vmem>>, vector<1x256xf32>
      tpu.vector_store %arg6[%swap3A_30, %swap3A_31], %add3A_29 {strides = array<i32>} : memref<1x256xf32, #tpu.memory_space<vmem>>, vector<1x256xf32>,
      %swap3A_33 = arith.constant 0 : index
      %swap3A_34 = arith.constant 0 : index
      %swap3A_35 = vector.load %arg4[%swap3A_33, %swap3A_34] : memref<1000x256xf32, #tpu.memory_space<vmem>>, vector<1000x256xf32>
      tpu.vector_store %arg4[%swap3A_33, %swap3A_34], %get3A_16 {strides = array<i32>} : memref<1000x256xf32, #tpu.memory_space<vmem>>, vector<1000x256xf32>,
    } else {
    }
    %eq3A_6 = arith.constant 9 : i32
    %eq3A_7 = arith.cmpi eq, %arg0, %eq3A_6 : i32
    %convert_element_type3A_8 = arith.extui %eq3A_7 : i1 to i32
    %cond3A_9 = arith.constant 0 : i32
    %cond3A_10 = arith.cmpi ne, %convert_element_type3A_8, %cond3A_9 : i32
    scf.if %cond3A_10 {
      %get3A = arith.constant 0 : index
      %get3A_15 = arith.constant 0 : index
      %get3A_16 = vector.load %arg5[%get3A, %get3A_15] : memref<1x256xf32, #tpu.memory_space<vmem>>, vector<1x256xf32>
      %div3A = arith.constant 1.000000e+04 : f32
      %div3A_17 = vector.broadcast %div3A : f32 to vector<1x256xf32>
      %div3A_18 = arith.divf %get3A_16, %div3A_17 : vector<1x256xf32>
      %get3A_19 = arith.constant 0 : index
      %get3A_20 = arith.constant 0 : index
      %get3A_21 = vector.load %arg6[%get3A_19, %get3A_20] : memref<1x256xf32, #tpu.memory_space<vmem>>, vector<1x256xf32>
      %div3A_22 = arith.constant 1.000000e+04 : f32
      %div3A_23 = vector.broadcast %div3A_22 : f32 to vector<1x256xf32>
      %div3A_24 = arith.divf %get3A_21, %div3A_23 : vector<1x256xf32>
      %mul3A = arith.mulf %div3A_18, %div3A_18 : vector<1x256xf32>
      %sub3A = arith.subf %div3A_24, %mul3A : vector<1x256xf32>
      %get3A_25 = arith.constant 0 : index
      %get3A_26 = arith.constant 0 : index
      %get3A_27 = vector.load %arg3[%get3A_25, %get3A_26] : memref<2x256xf32, #tpu.memory_space<vmem>>, vector<1x256xf32>
      %add3A = arith.constant 9.99999974E-6 : f32
      %add3A_28 = vector.broadcast %add3A : f32 to vector<1x256xf32>
      %add3A_29 = arith.addf %sub3A, %add3A_28 : vector<1x256xf32>
      %rsqrt3A = math.rsqrt %add3A_29 : vector<1x256xf32>
      %mul3A_30 = arith.mulf %get3A_27, %rsqrt3A : vector<1x256xf32>
      %get3A_31 = arith.constant 1 : index
      %get3A_32 = arith.constant 0 : index
      %get3A_33 = vector.load %arg3[%get3A_31, %get3A_32] : memref<2x256xf32, #tpu.memory_space<vmem>>, vector<1x256xf32>
      %mul3A_34 = arith.mulf %div3A_18, %mul3A_30 : vector<1x256xf32>
      %sub3A_35 = arith.subf %get3A_33, %mul3A_34 : vector<1x256xf32>
      %concatenate3A = tpu.concatenate %mul3A_30, %sub3A_35 in 0 : vector<1x256xf32>, vector<1x256xf32> -> vector<2x256xf32>
      %swap3A = arith.constant 0 : index
      %swap3A_36 = arith.constant 0 : index
      %swap3A_37 = vector.load %arg7[%swap3A, %swap3A_36] : memref<2x256xf32, #tpu.memory_space<vmem>>, vector<2x256xf32>
      tpu.vector_store %arg7[%swap3A, %swap3A_36], %concatenate3A {strides = array<i32>} : memref<2x256xf32, #tpu.memory_space<vmem>>, vector<2x256xf32>,
    } else {
    }
    %ge3A = arith.constant 10 : i32
    %ge3A_11 = arith.cmpi sge, %arg0, %ge3A : i32
    %convert_element_type3A_12 = arith.extui %ge3A_11 : i1 to i32
    %cond3A_13 = arith.constant 0 : i32
    %cond3A_14 = arith.cmpi ne, %convert_element_type3A_12, %cond3A_13 : i32
    scf.if %cond3A_14 {
      %get3A = arith.constant 0 : index
      %get3A_15 = arith.constant 0 : index
      %get3A_16 = vector.load %arg1[%get3A, %get3A_15] : memref<1000x256xf32, #tpu.memory_space<vmem>>, vector<1000x256xf32>
      %get3A_17 = arith.constant 0 : index
      %get3A_18 = arith.constant 0 : index
      %get3A_19 = vector.load %arg2[%get3A_17, %get3A_18] : memref<1000x256xf32, #tpu.memory_space<vmem>>, vector<1000x256xf32>
      %get3A_20 = arith.constant 0 : index
      %get3A_21 = arith.constant 0 : index
      %get3A_22 = vector.load %arg7[%get3A_20, %get3A_21] : memref<2x256xf32, #tpu.memory_space<vmem>>, vector<1x256xf32>
      %mul3A = vector.broadcast %get3A_22 : vector<1x256xf32> to vector<1000x256xf32>
      %mul3A_23 = arith.mulf %get3A_19, %mul3A : vector<1000x256xf32>
      %add3A = arith.addf %get3A_16, %mul3A_23 : vector<1000x256xf32>
      %get3A_24 = arith.constant 1 : index
      %get3A_25 = arith.constant 0 : index
      %get3A_26 = vector.load %arg7[%get3A_24, %get3A_25] : memref<2x256xf32, #tpu.memory_space<vmem>>, vector<1x256xf32>
      %add3A_27 = vector.broadcast %get3A_26 : vector<1x256xf32> to vector<1000x256xf32>
      %add3A_28 = arith.addf %add3A, %add3A_27 : vector<1000x256xf32>
      %max3A = arith.constant 0.000000e+00 : f32
      %max3A_29 = vector.broadcast %max3A : f32 to vector<1000x256xf32>
      %max3A_30 = arith.maximumf %add3A_28, %max3A_29 : vector<1000x256xf32>
      %swap3A = arith.constant 0 : index
      %swap3A_31 = arith.constant 0 : index
      %swap3A_32 = vector.load %arg4[%swap3A, %swap3A_31] : memref<1000x256xf32, #tpu.memory_space<vmem>>, vector<1000x256xf32>
      tpu.vector_store %arg4[%swap3A, %swap3A_31], %max3A_30 {strides = array<i32>} : memref<1000x256xf32, #tpu.memory_space<vmem>>, vector<1000x256xf32>,
    } else {
    }
    return
  }
  func.func @transform_0(%arg0: i32) -> (i32, i32) {
    %jit3A = arith.constant 10 : i32
    %eq3A = arith.constant 0 : i32
    %eq3A_0 = arith.cmpi eq, %jit3A, %eq3A : i32
    %jit3A_1 = arith.constant 1 : i32
    %select_n3A = arith.select %eq3A_0, %jit3A_1, %jit3A : i32
    %rem3A = arith.remsi %arg0, %select_n3A : i32
    %ne3A = arith.constant 0 : i32
    %ne3A_2 = arith.cmpi ne, %rem3A, %ne3A : i32
    %lt3A = arith.constant 0 : i32
    %lt3A_3 = arith.cmpi slt, %rem3A, %lt3A : i32
    %lt3A_4 = arith.constant 0 : i32
    %lt3A_5 = arith.cmpi slt, %select_n3A, %lt3A_4 : i32
    %ne3A_6 = arith.xori %lt3A_3, %lt3A_5 : i1
    %and3A = arith.andi %ne3A_6, %ne3A_2 : i1
    %add3A = arith.addi %rem3A, %select_n3A : i32
    %select_n3A_7 = arith.select %and3A, %add3A, %rem3A : i32
    %c0_i32 = arith.constant 0 : i32
    %c0_i32_8 = arith.constant 0 : i32
    return %select_n3A_7, %c0_i32 : i32, i32
  }
  func.func @transform_1(%arg0: i32) -> (i32, i32) {
    %jit3A = arith.constant 10 : i32
    %eq3A = arith.constant 0 : i32
    %eq3A_0 = arith.cmpi eq, %jit3A, %eq3A : i32
    %jit3A_1 = arith.constant 1 : i32
    %select_n3A = arith.select %eq3A_0, %jit3A_1, %jit3A : i32
    %rem3A = arith.remsi %arg0, %select_n3A : i32
    %ne3A = arith.constant 0 : i32
    %ne3A_2 = arith.cmpi ne, %rem3A, %ne3A : i32
    %lt3A = arith.constant 0 : i32
    %lt3A_3 = arith.cmpi slt, %rem3A, %lt3A : i32
    %lt3A_4 = arith.constant 0 : i32
    %lt3A_5 = arith.cmpi slt, %select_n3A, %lt3A_4 : i32
    %ne3A_6 = arith.xori %lt3A_3, %lt3A_5 : i1
    %and3A = arith.andi %ne3A_6, %ne3A_2 : i1
    %add3A = arith.addi %rem3A, %select_n3A : i32
    %select_n3A_7 = arith.select %and3A, %add3A, %rem3A : i32
    %c0_i32 = arith.constant 0 : i32
    %c0_i32_8 = arith.constant 0 : i32
    return %select_n3A_7, %c0_i32 : i32, i32
  }
  func.func @transform_2(%arg0: i32) -> (i32, i32) {
    %c0_i32 = arith.constant 0 : i32
    %c0_i32_0 = arith.constant 0 : i32
    %c0_i32_1 = arith.constant 0 : i32
    return %c0_i32, %c0_i32_0 : i32, i32
  }
  func.func @transform_3(%arg0: i32) -> (i32, i32) {
    %jit3A = arith.constant 10 : i32
    %eq3A = arith.constant 0 : i32
    %eq3A_0 = arith.cmpi eq, %jit3A, %eq3A : i32
    %jit3A_1 = arith.constant 1 : i32
    %select_n3A = arith.select %eq3A_0, %jit3A_1, %jit3A : i32
    %rem3A = arith.remsi %arg0, %select_n3A : i32
    %ne3A = arith.constant 0 : i32
    %ne3A_2 = arith.cmpi ne, %rem3A, %ne3A : i32
    %lt3A = arith.constant 0 : i32
    %lt3A_3 = arith.cmpi slt, %rem3A, %lt3A : i32
    %lt3A_4 = arith.constant 0 : i32
    %lt3A_5 = arith.cmpi slt, %select_n3A, %lt3A_4 : i32
    %ne3A_6 = arith.xori %lt3A_3, %lt3A_5 : i1
    %and3A = arith.andi %ne3A_6, %ne3A_2 : i1
    %add3A = arith.addi %rem3A, %select_n3A : i32
    %select_n3A_7 = arith.select %and3A, %add3A, %rem3A : i32
    %c0_i32 = arith.constant 0 : i32
    %c0_i32_8 = arith.constant 0 : i32
    return %select_n3A_7, %c0_i32 : i32, i32
  }
}

</mosaic_0001>

<sc_bundles>
// kernel: kernel.11.cloned.1.call-start
scs
__scs_entry_jumppad:
0x0: {  	(pc) =	sbr.rel $0x88, $3  }
0x1: {  	(tag) =	ssettag $0x0;
	lr =	simm.s32 $0x1  }
0x2: {  	[smem:$0x3F92] =	sst lr;
	_ =	strace $0xD0000000  }
0x3: {  	_ = 	snop  }
0x4: {  	_ = 	snop  }
0x5: {  	_ = 	snop  }
0x6: {  	_ = 	snop  }
0x7: {  	_ = 	snop  }
__scs_overlays_trampoline_lowered:
0x8: {  	[smem:$0x3FA1] =	sst s0  }
0x9: {  	[smem:$0x3FA2] =	sst s1  }
0xa: {  	[smem:$0x3FA3] =	sst s2  }
0xb: {  	[smem:$0x3FA4] =	sst s3  }
0xc: {  	[smem:$0x3FA5] =	sst s4  }
0xd: {  	[smem:$0x3FA6] =	sst s5  }
0xe: {  	[smem:$0x3FA7] =	sst s6  }
0xf: {  	[smem:$0x3FA8] =	sst s7  }
0x10: {  	[smem:$0x3FA9] =	sst s8  }
0x11: {  	[smem:$0x3FAA] =	sst s9;
	s0 =	simm.s32 @!p0 $0x0  }
0x12: {  	s1 =	sld [smem:$0x3F90];
	s0 =	simm.s32 @p0 $0x1  }
0x13: {  	[smem:$0x3FAB] =	sst s0;
	s0 =	simm.s32 @!p1 $0x0  }
0x14: {  	s2 =	sld [smem:$0x3F8F];
	s0 =	simm.s32 @p1 $0x1  }
0x15: {  	[smem:$0x3FAC] =	sst s0;
	s0 =	simm.s32 @!p2 $0x0  }
0x16: {  	s3 =	sld [smem:$0x3FDB];
	s0 =	simm.s32 @p2 $0x1  }
0x17: {  	s4 =	simm.s32 $0x1BF5;
	[smem:$0x3FAE] =	sst s0  }
0x18: {  	s0 =	sld [smem:$0x3F91];
	_ =	swait.ge [sflag:s4], $0x0  }
0x19: {  	s7 =	sld [smem:$0x3F92]  }
0x1a: {  	s8 =	sadd.s32 $0xFFFFE003, lr  }
0x1b: {  	s9 =	sadd.s32 $0xFFFFFEF7, lr;
	s5 =	simm.s32 $0xFFFFFFFF;
	p2 =	slt.u32 s8, $0xFFFFF086  }
0x1c: {  	p1 =	slt.u32 s9, $0xF7A;
	s5 =	simm.s32 @!p2 $0x0  }
0x1d: {  	s5 =	simm.s32 @p1 $0x1;
	p0 =	seq.s32 s7, s2  }
0x1e: {  	s7 =	smul.u32 @!p0 $0xF7A, s2;
	p2 =	seq.s32 @!p0 s5, $0x0  }
0x1f: {  	s9 =	smul.u32 $0xF7A, s1;
	s8 =	simm.s32 @!p0 $0x1BF5;
	p2 =	por !p2, p0  }
0x20: {  	[sflag:s8] =	ssyncset.s32 @!p0 $0xFFFFF086;
	s6 =	sadd.s32 @!p0 s3, s7;
	s7 =	simm.s32 @!p0 $0x108  }
0x21: {  	s3 =	sadd.s32 s3, s9;
	s6 =	sadd.s32 @!p0 $0x88, s6;
	s7 =	simm.s32 @p2 $0x1082  }
0x22: {  	[simem:s7], [sflag:s8] =	dma.local @!p0 [hbm:s6], $0xF7A  }
0x23: {  	s9 =	sor.u32 $0xD0000000, s2;
	s6 =	simm.s32 $0x108;
	_ =	swait.ge @!p0 [sflag:s8], $0x0  }
0x24: {  	s3 =	sadd.s32 $0x88, s3;
	s6 =	simm.s32 @!p1 $0x1082;
	[sflag:s4] =	ssyncset.s32 $0xFFFFF086  }
0x25: {  	[simem:s6], [sflag:s4] =	dma.local [hbm:s3], $0xF7A  }
0x26: {  	[smem:$0x3F92] =	sst s1;
	(tag) =	ssettag s2;
	_ =	strace s9  }
0x27: {  	s1 =	sld [smem:$0x3FA2]  }
0x28: {  	s2 =	sld [smem:$0x3FA3]  }
0x29: {  	s4 =	sld [smem:$0x3FA5]  }
0x2a: {  	p0 =	seq.s32 s5, $0x0;
	s5 =	sld [smem:$0x3FA6]  }
0x2b: {  	s6 =	sld [smem:$0x3FA7]  }
0x2c: {  	s7 =	sld [smem:$0x3FA8]  }
0x2d: {  	s3 =	simm.s32 $0x108;
	s8 =	sld [smem:$0x3FA9]  }
0x2e: {  	s3 =	simm.s32 @!p0 $0x1082;
	s9 =	sld [smem:$0x3FAA]  }
0x2f: {  	lr =	sadd.s32 s0, s3;
	s0 =	sld [smem:$0x3FA1]  }
0x30: {  	s3 =	sld [smem:$0x3FA4]  }
0x31: {  	[smem:$0x3FAD] =	sst s10  }
0x32: {  	s10 =	sld [smem:$0x3FAB];
	_ =	sdelay $0x3  }
0x33: {  	p0 =	seq.s32 s10, $0x1;
	s10 =	sld [smem:$0x3FAD];
	_ =	sdelay $0x3  }
0x34: {  	[smem:$0x3FAD] =	sst s10  }
0x35: {  	s10 =	sld [smem:$0x3FAC];
	_ =	sdelay $0x3  }
0x36: {  	p1 =	seq.s32 s10, $0x1;
	s10 =	sld [smem:$0x3FAD];
	_ =	sdelay $0x3  }
0x37: {  	[smem:$0x3FAD] =	sst s10  }
0x38: {  	s10 =	sld [smem:$0x3FAE]  }
0x39: {  	_ = 	snop;
	(pc) =	sbr.ind lr, $3  }
0x3a: {  	_ = 	snop  }
0x3b: {  	_ = 	snop  }
0x3c: {  	p2 =	seq.s32 s10, $0x1;
	s10 =	sld [smem:$0x3FAD]  }
0x3d: {  	_ =	shalt  }
0x3e: {  	_ =	shalt  }
0x3f: {  	_ =	shalt  }
0x40: {  	_ =	shalt  }
0x41: {  	_ =	shalt  }
0x42: {  	_ =	shalt  }
0x43: {  	_ =	shalt  }
0x44: {  	_ =	shalt  }
0x45: {  	_ =	shalt  }
0x46: {  	_ =	shalt  }
0x47: {  	_ =	shalt  }
0x48: {  	_ =	shalt  }
0x49: {  	_ =	shalt  }
0x4a: {  	_ =	shalt  }
0x4b: {  	_ =	shalt  }
0x4c: {  	_ =	shalt  }
0x4d: {  	_ =	shalt  }
0x4e: {  	_ =	shalt  }
0x4f: {  	_ =	shalt  }
0x50: {  	_ =	shalt  }
0x51: {  	_ =	shalt  }
0x52: {  	_ =	shalt  }
0x53: {  	_ =	shalt  }
0x54: {  	_ =	shalt  }
0x55: {  	_ =	shalt  }
0x56: {  	_ =	shalt  }
0x57: {  	_ =	shalt  }
0x58: {  	_ =	shalt  }
0x59: {  	_ =	shalt  }
0x5a: {  	_ =	shalt  }
0x5b: {  	_ =	shalt  }
0x5c: {  	_ =	shalt  }
0x5d: {  	_ =	shalt  }
0x5e: {  	_ =	shalt  }
0x5f: {  	_ =	shalt  }
0x60: {  	_ =	shalt  }
0x61: {  	_ =	shalt  }
0x62: {  	_ =	shalt  }
0x63: {  	_ =	shalt  }
0x64: {  	_ =	shalt  }
0x65: {  	_ =	shalt  }
0x66: {  	_ =	shalt  }
0x67: {  	_ =	shalt  }
0x68: {  	_ =	shalt  }
0x69: {  	_ =	shalt  }
0x6a: {  	_ =	shalt  }
0x6b: {  	_ =	shalt  }
0x6c: {  	_ =	shalt  }
0x6d: {  	_ =	shalt  }
0x6e: {  	_ =	shalt  }
0x6f: {  	_ =	shalt  }
0x70: {  	_ =	shalt  }
0x71: {  	_ =	shalt  }
0x72: {  	_ =	shalt  }
0x73: {  	_ =	shalt  }
0x74: {  	_ =	shalt  }
0x75: {  	_ =	shalt  }
0x76: {  	_ =	shalt  }
0x77: {  	_ =	shalt  }
0x78: {  	_ =	shalt  }
0x79: {  	_ =	shalt  }
0x7a: {  	_ =	shalt  }
0x7b: {  	_ =	shalt  }
0x7c: {  	_ =	shalt  }
0x7d: {  	_ =	shalt  }
0x7e: {  	_ =	shalt  }
0x7f: {  	_ =	shalt  }
0x80: {  	_ =	shalt  }
0x81: {  	_ =	shalt  }
0x82: {  	_ =	shalt  }
0x83: {  	_ =	shalt  }
0x84: {  	_ =	shalt  }
0x85: {  	_ =	shalt  }
0x86: {  	_ =	shalt  }
0x87: {  	_ =	shalt  }
.Lfunc_end0:
.L_simem_size_0:
called_computation.1_lowered:
.L_overlay_start_0:
0x88: {  	s2 =	sld [smem:$0x3FD9]  }
0x89: {  	s3 =	sld [smem:$0x3FFE];
	_ =	sdelay $0x1  }
0x8a: {  	s1 =	srdreg.scid  }
0x8b: {  	s0 =	sand.u32 $0x1, s1  }
0x8c: {  	s17 =	sshll.u32 s0, $0xA;
	s2 =	sadd.s32 s3, s2  }
0x8d: {  	s2 =	sadd.s32 s2, s17  }
0x8e: {  	[smem:$0x3FB9] =	sst s2  }
0x8f: {  	_ = 	snop  }
0x90: {  	s2 =	sld [smem:$0x3FD0];
	(tm) =	ssettm $0x1  }
0x91: {  	s18 =	sld [smem:$0x3FFB];
	_ =	sdelay $0x3  }
0x92: {  	_ =	strace s18  }
0x93: {  	s3 =	sld [smem:$0x3FFC];
	_ =	sdelay $0x3  }
0x94: {  	_ =	strace s3  }
0x95: {  	s3 =	sld [smem:$0x3FFD];
	_ =	sdelay $0x3  }
0x96: {  	_ =	strace s3  }
0x97: {  	_ =	strace $0x8FFFFFFF  }
0x98: {  	s19 =	sld [smem:$0x3FDB];
	_ =	sdelay $0x1  }
0x99: {  	s4 =	simm.s32 $_scs_section_size  }
0x9a: {  	s5 =	simm.s32 $_size__tile_overlayer_lowered;
	s6 =	simm.s32 $_tile_overlayer_lowered  }
0x9b: {  	s22 =	simm.s32 $0x1BFF;
	s21 =	sshll.u32 s6, $0x1;
	s3 =	sadd.s32 s4, s19  }
0x9c: {  	s7 =	simm.s32 $0x0;
	s20 =	sshll.u32 s5, $0x1;
	s5 =	sadd.s32 s21, s3  }
0x9d: {  	[timem:s7], [sflag:s22] =	dma.local [hbm:s5], s20  }
0x9e: {  	_ =	swait.ge [sflag:s22], s20  }
0x9f: {  	s4 =	ssub.s32 $0x0, s20;
	[sflag:s22] =	ssyncset.done $0x0  }
0xa0: {  	[sflag:s22] =	ssyncadd.s32 s4;
	_ =	sdelay $0x1  }
0xa1: {  	s23 =	simm.s32 $0x1B8B  }
0xa2: {  	_ =	swait.ge [sflag:s23], $0x1  }
0xa3: {  	[sflag:s23] =	ssyncset.done $0x0  }
0xa4: {  	s25 =	simm.s32 $0x1B8E;
	s24 =	sld [smem:$0x3FFE];
	[sflag:s23] =	ssyncadd.s32 $0xFFFFFFFF  }
0xa5: {  	s26 =	simm.s32 $execute0_lowered;
	[smem:$0x3FD2] =	sst s25  }
0xa6: {  	s5 =	sshll.u32 s26, $0x1;
	_ =	strace $0x80000049;
	[dreg:$0x1] =	wrdreg $0xFFFFFFFF  }
0xa7: {  	s28 =	simm.s32 $_size_execute0_lowered;
	s3 =	sadd.s32 s3, s5;
	[dreg:$0x0] =	wrdreg $0x0  }
0xa8: {  	s5 =	sshll.u32 s28, $0x1;
	[dreg:$0x2] =	wrdreg s3  }
0xa9: {  	[dreg:$0x3] =	wrdreg s5  }
0xaa: {  	[dreg:$0x4] =	wrdreg $0xC0  }
0xab: {  	_ =	task [dreg:s7], $0x5FFFF  }
0xac: {  	[dreg:$0x1] =	wrdreg $0xFFFFFFFF  }
0xad: {  	[dreg:$0x0] =	wrdreg $0x60  }
0xae: {  	[dreg:$0x2] =	wrdreg s24  }
0xaf: {  	[dreg:$0x3] =	wrdreg s2  }
0xb0: {  	[dreg:$0x4] =	wrdreg $0xD0000  }
0xb1: {  	[dreg:$0x5] =	wrdreg $0x9  }
0xb2: {  	_ =	task.clear_ibuf [dreg:s7], $0x6FFFF;
	_ =	strace $0x90000049  }
0xb3: {  	s29 =	simm.s32 $0x9;
	_ =	strace $0x8000004B  }
0xb4: {  	_ =	swait.ge [sflag:s29], $0x1  }
0xb5: {  	[sflag:s29] =	ssyncadd.s32 $0xFFFFFFFF  }
0xb6: {  	_ =	strace $0x9000004B  }
0xb7: {  	_ =	sfence  }
0xb8: {  	s30 =	sld [smem:$0x0];
	_ =	sdelay $0x2  }
0xb9: {  	s31 =	sshll.u32 s1, $0xD;
	s1 =	sshrl.u32 s1, $0x2  }
0xba: {  	s3 =	sand.u32 $0x4000, s31;
	s1 =	sadd.s32 s1, s30  }
0xbb: {  	s0 =	sor.u32 s3, s0;
	s1 =	sshll.u32 s1, $0x11  }
0xbc: {  	s0 =	sor.u32 s1, s0  }
0xbd: {  	s0 =	sadd.s32 $0x8F2B, s0  }
0xbe: {  	[sflag:s0] =	ssyncadd.remote.s32 $0x1  }
0xbf: {  	_ =	sfence.sel $0xFFFF  }
0xc0: {  	[dreg:$0x0] =	wrdreg $0xFFFFFFFF;
	(pc) =	sbr.abs _section_cstart, $3  }
0xc1: {  	[dreg:$0x1] =	wrdreg $0xFFFFFFFF  }
0xc2: {  	_ =	task.clear_ibuf [dreg:s7], $0x2FFFF;
	_ =	strace $0x9FFFFFFF  }
0xc3: {  	(tm) =	ssettm $0x7FFFFFFF  }
tec
execute0_lowered:
.L_overlay_start_1:
0x0: {  	(tag) =	ssettag $0x1  }
0x1: {  	s0 =	rddreg [dreg:$0x0];
	s2 =	stileid.u32  }
0x2: {  	s1 =	srdreg.scid;
	s30 =	rddreg [dreg:$0x1]  }
0x3: {  	s3 =	rddreg [dreg:$0x2];
	s4 =	smul.u32 $0x50000, s2  }
0x4: {  	s7 =	simm.s32 $0x0;
	s29 =	simm.s32 $0x80;
	s5 =	smul.u32 $0x140, s2  }
0x5: {  	s31 =	simm.s32 $0x2;
	s1 =	sand.u32 $0x1, s1;
	s18 =	smul.u32 $0x500, s2  }
0x6: {  	[smem:$0x7FF] =	sst s7;
	s10 =	smul.u32 $0x28000, s2;
	p0 =	seq.s32 s2, $0xF  }
0x7: {  	s20 =	sadd.s32 $0xA0000, s3;
	s22 =	sadd.s32 $0x8A00, s0;
	s6 =	smul.u32 $0x1400, s1  }
0x8: {  	_ =	strace $0x8000004A;
	s1 =	ssub.s32 $0x2, s1;
	[dreg:$0x6] =	wrdreg s20  }
0x9: {  	s8 =	sadd.s32 s4, s0;
	s7 =	sadd.s32 s18, s0;
	s11 =	sshrl.u32 s1, $0x1  }
0xa: {  	s10 =	sshrl.u32 s10, $0x2;
	s24 =	sor.u32 $0x1000, s4;
	s25 =	sadd.s32 s4, s22  }
0xb: {  	s5 =	sadd.s32 s5, s6;
	s1 =	ssub.s32 s1, s11;
	s7 =	sadd.s32 $0x2A00, s7  }
0xc: {  	s19 =	sadd.s32 s10, s3;
	s21 =	sadd.s32 $0x7A00, s8;
	[dreg:$0xc] =	wrdreg s25  }
0xd: {  	s23 =	sadd.s32 $0x7A80, s8;
	s26 =	sadd.s32 s24, s22;
	[dreg:$0x4] =	wrdreg s7  }
0xe: {  	s20 =	sadd.s32 $0xAA00, s8;
	s22 =	simm.s32 $0x3;
	[dreg:$0x5] =	wrdreg s19  }
0xf: {  	s25 =	simm.s32 $0x5000;
	v0 =	vmov s6;
	s6 =	simm.s32 $0x0;
	[dreg:$0x7] =	wrdreg s21  }
0x10: {  	s5 =	sshll.u32 s5, $0x5;
	[dreg:$0x9] =	wrdreg s23;
	s1 =	smax.u32 s1, $0x1  }
0x11: {  	[dreg:$0xd] =	wrdreg s26;
	s21 =	sadd.s32 $0xAA80, s8;
	s23 =	simm.s32 $0x400  }
0x12: {  	s26 =	simm.s32 $0x1;
	s9 =	sadd.s32 s5, s0;
	s5 =	simm.s32 $0x32  }
0x13: {  	s0 =	sadd.s32 $0x8A80, s0;
	[dreg:$0xb] =	wrdreg s1;
	s12 =	sadd.s32 $0x4E9A00, s9  }
0x14: {  	s5 =	simm.s32 @!p0 $0x50;
	s9 =	sadd.s32 $0x4E9A80, s9;
	[dreg:$0x8] =	wrdreg s12  }
0x15: {  	s28 =	sadd.s32 s4, s0;
	s0 =	sadd.s32 s24, s0;
	[dreg:$0xa] =	wrdreg s9  }
0x16: {  	p0 =	sne.s32 s2, $0x0;
	s24 =	simm.s32 $0x800;
	[dreg:$0xe] =	wrdreg s28  }
0x17: {  	s10 =	sadd.s32 $0xFFFFFFFF, s5;
	s11 =	sadd.s32 $0xFFFFFFFE, s5;
	[dreg:$0xf] =	wrdreg s0  }
.LBB2_1:
0x18: {  	s0 =	simm.s32 $0x0;
	s1 =	rddreg [dreg:$0x4]  }
0x19: {  	[tilespmem:s0], [sflag:$0x3] =	stream.linear.gather [hbm4b:s1+s0], $0x2800, $0x38;
	[tilespmem:$0x17040] =	vst v63  }
0x1a: {  	_ =	swait.ge [sflag:s22], $0x2800  }
0x1b: {  	[sflag:s22] =	ssyncset.done $0x0  }
0x1c: {  	s7 =	simm.s32 $0x40;
	p1 =	sle.u32 s5, $0x0;
	[sflag:s22] =	ssyncadd.s32 $0xFFFFD800  }
0x1d: {  	v1 =	vld @!p1 [tilespmem:s7+$0xFFFFFFC0];
	_ =	sdelay $0x4  }
0x1e: {  	v1 =	vsub.s32 @!p1 v1, v0  }
0x1f: {  	s8 =	simm.s32 $0x2840;
	v1 =	vmin.u32 @!p1 v1, $0x1400  }
0x20: {  	[tilespmem:s8+$0xFFFFFFC0] =	vst @!p1 v1  }
0x21: {  	v1 =	vld @!p1 [tilespmem:s7+$0xFFFFFFD0];
	_ =	sdelay $0x4  }
0x22: {  	v1 =	vsub.s32 @!p1 v1, v0  }
0x23: {  	v1 =	vmin.u32 @!p1 v1, $0x1400  }
0x24: {  	[tilespmem:s8+$0xFFFFFFD0] =	vst @!p1 v1  }
0x25: {  	v1 =	vld @!p1 [tilespmem:s7+$0xFFFFFFE0];
	_ =	sdelay $0x4  }
0x26: {  	v1 =	vsub.s32 @!p1 v1, v0  }
0x27: {  	v1 =	vmin.u32 @!p1 v1, $0x1400  }
0x28: {  	[tilespmem:s8+$0xFFFFFFE0] =	vst @!p1 v1  }
0x29: {  	v1 =	vld @!p1 [tilespmem:s7+$0xFFFFFFF0];
	_ =	sdelay $0x4  }
0x2a: {  	v1 =	vsub.s32 @!p1 v1, v0  }
0x2b: {  	v1 =	vmin.u32 @!p1 v1, $0x1400  }
0x2c: {  	[tilespmem:s8+$0xFFFFFFF0] =	vst @!p1 v1  }
0x2d: {  	v1 =	vld @!p1 [tilespmem:s7+$0x0];
	_ =	sdelay $0x4  }
0x2e: {  	v1 =	vsub.s32 @!p1 v1, v0  }
0x2f: {  	v1 =	vmin.u32 @!p1 v1, $0x1400  }
0x30: {  	[tilespmem:s8+$0x0] =	vst @!p1 v1  }
0x31: {  	v1 =	vld @!p1 [tilespmem:s7+$0x10];
	_ =	sdelay $0x4  }
0x32: {  	v1 =	vsub.s32 @!p1 v1, v0  }
0x33: {  	v1 =	vmin.u32 @!p1 v1, $0x1400  }
0x34: {  	[tilespmem:s8+$0x10] =	vst @!p1 v1  }
0x35: {  	v1 =	vld @!p1 [tilespmem:s7+$0x20];
	_ =	sdelay $0x4  }
0x36: {  	v1 =	vsub.s32 @!p1 v1, v0  }
0x37: {  	v1 =	vmin.u32 @!p1 v1, $0x1400  }
0x38: {  	[tilespmem:s8+$0x20] =	vst @!p1 v1  }
0x39: {  	v1 =	vld @!p1 [tilespmem:s7+$0x30];
	_ =	sdelay $0x4  }
0x3a: {  	v1 =	vsub.s32 @!p1 v1, v0  }
0x3b: {  	s9 =	simm.s32 $0x1;
	v1 =	vmin.u32 @!p1 v1, $0x1400  }
.LBB2_2:
0x3c: {  	[tilespmem:s8+$0x30] =	vst @!p1 v1;
	p1 =	sge.u32 s9, s5;
	s9 =	sadd.s32 $0x1, s9;
	s7 =	sadd.s32 $0x80, s7  }
0x3d: {  	v1 =	vld @!p1 [tilespmem:s7+$0xFFFFFFC0];
	p2 =	sne.s32 s9, $0x50;
	_ =	sdelay $0x4  }
0x3e: {  	v1 =	vsub.s32 @!p1 v1, v0  }
0x3f: {  	s8 =	sadd.s32 $0x80, s8;
	v1 =	vmin.u32 @!p1 v1, $0x1400  }
0x40: {  	[tilespmem:s8+$0xFFFFFFC0] =	vst @!p1 v1  }
0x41: {  	v1 =	vld @!p1 [tilespmem:s7+$0xFFFFFFD0];
	_ =	sdelay $0x4  }
0x42: {  	v1 =	vsub.s32 @!p1 v1, v0  }
0x43: {  	v1 =	vmin.u32 @!p1 v1, $0x1400  }
0x44: {  	[tilespmem:s8+$0xFFFFFFD0] =	vst @!p1 v1  }
0x45: {  	v1 =	vld @!p1 [tilespmem:s7+$0xFFFFFFE0];
	_ =	sdelay $0x4  }
0x46: {  	v1 =	vsub.s32 @!p1 v1, v0  }
0x47: {  	v1 =	vmin.u32 @!p1 v1, $0x1400  }
0x48: {  	[tilespmem:s8+$0xFFFFFFE0] =	vst @!p1 v1  }
0x49: {  	v1 =	vld @!p1 [tilespmem:s7+$0xFFFFFFF0];
	_ =	sdelay $0x4  }
0x4a: {  	v1 =	vsub.s32 @!p1 v1, v0  }
0x4b: {  	v1 =	vmin.u32 @!p1 v1, $0x1400  }
0x4c: {  	[tilespmem:s8+$0xFFFFFFF0] =	vst @!p1 v1  }
0x4d: {  	v1 =	vld @!p1 [tilespmem:s7+$0x0];
	_ =	sdelay $0x4  }
0x4e: {  	v1 =	vsub.s32 @!p1 v1, v0  }
0x4f: {  	v1 =	vmin.u32 @!p1 v1, $0x1400  }
0x50: {  	[tilespmem:s8+$0x0] =	vst @!p1 v1  }
0x51: {  	v1 =	vld @!p1 [tilespmem:s7+$0x10];
	_ =	sdelay $0x4  }
0x52: {  	v1 =	vsub.s32 @!p1 v1, v0  }
0x53: {  	v1 =	vmin.u32 @!p1 v1, $0x1400  }
0x54: {  	[tilespmem:s8+$0x10] =	vst @!p1 v1  }
0x55: {  	v1 =	vld @!p1 [tilespmem:s7+$0x20];
	_ =	sdelay $0x4  }
0x56: {  	v1 =	vsub.s32 @!p1 v1, v0  }
0x57: {  	v1 =	vmin.u32 @!p1 v1, $0x1400  }
0x58: {  	[tilespmem:s8+$0x20] =	vst @!p1 v1  }
0x59: {  	v1 =	vld @!p1 [tilespmem:s7+$0x30];
	_ =	sdelay $0x1  }
.Ltmp0:
0x5a: {  	(pc) =	sbr.rel @p2 .LBB2_2-.Ltmp0, $3  }
0x5b: {  	_ =	sdelay $0x1  }
0x5c: {  	v1 =	vsub.s32 @!p1 v1, v0  }
0x5d: {  	v1 =	vmin.u32 @!p1 v1, $0x1400  }
0x5e: {  	s0 =	stileid.u32  }
0x5f: {  	s14 =	rddreg [dreg:$0x5];
	s0 =	sshll.u32 s0, $0x6  }
0x60: {  	[tilespmem:s8+$0x30] =	vst @!p1 v1;
	s8 =	sshrl.u32 s14, $0x3;
	s7 =	sor.u32 $0x1C03, s0  }
0x61: {  	[spmem:s8], [sflag:s7] =	dma.local [hbm:s30], $0x1400  }
0x62: {  	_ =	swait.ge [sflag:s22], $0x1400  }
0x63: {  	[sflag:s22] =	ssyncset.done $0x0;
	s0 =	rddreg [dreg:$0x6]  }
0x64: {  	[sflag:s22] =	ssyncadd.s32 $0xFFFFEC00;
	s9 =	sshrl.u32 @!p0 s0, $0x3;
	s0 =	simm.s32 @!p0 $0x3  }
0x65: {  	[spmem:s9], [sflag:s7] =	dma.local @!p0 [hbm:s30], $0x80  }
0x66: {  	_ =	swait.ge @!p0 [sflag:s0], $0x80  }
0x67: {  	[sflag:s0] =	ssyncset.done @!p0 $0x0  }
0x68: {  	[sflag:s0] =	ssyncadd.s32 @!p0 $0xFFFFFF80  }
0x69: {  	[bflag:$0x0] =	sbarrier.arrive $0xFFFF  }
0x6a: {  	s15 =	rddreg [dreg:$0x7]  }
0x6b: {  	[tilespmem:s25], [sflag:$0x1] =	stream.strided.gather [hbm4b:s15+s23], $0x4000, s24, s23, $0x38;
	[tilespmem:$0x17040] =	vst v63  }
0x6c: {  	_ =	swait.ge [sflag:s26], $0x4000  }
0x6d: {  	[sflag:s26] =	ssyncset.done $0x0  }
0x6e: {  	s1 =	simm.s32 $0x9000;
	s16 =	rddreg [dreg:$0xc];
	[sflag:s26] =	ssyncadd.s32 $0xFFFFC000  }
0x6f: {  	[tilespmem:s1], [sflag:$0x1] =	stream.strided.gather [hbm4b:s16+s23], $0x4000, s24, s23, $0x38;
	[tilespmem:$0x17040] =	vst v63  }
0x70: {  	s17 =	simm.s32 $0x2800  }
0x71: {  	[spmem:s3] =	stream.indirect.scatter.add.f32 [tilespmem:s25], [sflag:$0x2], $0x80, s17, s29, $0xb8;
	[tilespmem:$0x17040] =	vst v63  }
0x72: {  	_ =	swait.ge [sflag:s26], $0x4000  }
0x73: {  	[sflag:s26] =	ssyncset.done $0x0  }
0x74: {  	[sflag:s26] =	ssyncadd.s32 $0xFFFFC000  }
0x75: {  	_ =	swait.ge [sflag:s31], $0x4000  }
0x76: {  	[sflag:s31] =	ssyncset.done $0x0  }
0x77: {  	p2 =	sle.u32 s5, $0x2;
	s18 =	rddreg [dreg:$0xd];
	[sflag:s31] =	ssyncadd.s32 $0xFFFFC000  }
0x78: {  	[tilespmem:s25], [sflag:$0x1] =	stream.strided.gather [hbm4b:s18+s23], $0x4000, s24, s23, $0x38;
	[tilespmem:$0x17040] =	vst v63  }
0x79: {  	s19 =	simm.s32 $0x2880;
	s0 =	simm.s32 @!p2 $0x1  }
0x7a: {  	[spmem:s3] =	stream.indirect.scatter.add.f32 [tilespmem:s1], [sflag:$0x2], $0x80, s19, s29, $0xb8;
	[tilespmem:$0x17040] =	vst v63  }
0x7b: {  	_ =	swait.ge @!p2 [sflag:s0], $0x4000  }
0x7c: {  	s28 =	smov.u32 s30;
	[sflag:s0] =	ssyncset.done @!p2 $0x0  }
0x7d: {  	p1 =	sle.u32 @!p2 s10, $0x2;
	[sflag:s0] =	ssyncadd.s32 @!p2 $0xFFFFC000;
	s0 =	simm.s32 @!p2 $0x2  }
0x7e: {  	s13 =	sadd.s32 $0x2000, s20;
	p1 =	por p1, p2;
	_ =	swait.ge @!p2 [sflag:s0], $0x4000  }
0x7f: {  	s4 =	simm.s32 @!p1 $0x800;
	s15 =	simm.s32 $0x2900;
	[sflag:s0] =	ssyncset.done @!p2 $0x0  }
0x80: {  	s1 =	simm.s32 @!p1 $0x9000;
	[sflag:s0] =	ssyncadd.s32 @!p2 $0xFFFFC000;
	s0 =	simm.s32 @!p1 $0x400  }
0x81: {  	[tilespmem:s1], [sflag:$0x1] =	stream.strided.gather @!p1 [hbm4b:s20+s0], $0x4000, s4, s0, $0x38;
	[tilespmem:$0x17040] =	vst v63  }
0x82: {  	s0 =	simm.s32 @!p2 $0x80;
	s1 =	simm.s32 @!p2 $0x5000;
	p1 =	sle.u32 s5, $0x3  }
0x83: {  	[spmem:s3] =	stream.indirect.scatter.add.f32 @!p2 [tilespmem:s1], [sflag:$0x2], $0x80, s15, s0, $0xb8;
	[tilespmem:$0x17040] =	vst v63  }
0x84: {  	s12 =	simm.s32 $0x2A00;
	s14 =	simm.s32 $0x5;
	s0 =	simm.s32 @!p1 $0x1  }
0x85: {  	s16 =	simm.s32 $0x7;
	s17 =	simm.s32 $0x4;
	_ =	swait.ge @!p1 [sflag:s0], $0x4000  }
0x86: {  	s18 =	simm.s32 @!p1 $0x9000;
	s19 =	simm.s32 @!p1 $0x80;
	[sflag:s0] =	ssyncset.done @!p1 $0x0  }
0x87: {  	p2 =	sle.u32 @!p1 s11, $0x2;
	[sflag:s0] =	ssyncadd.s32 @!p1 $0xFFFFC000;
	s0 =	simm.s32 @!p1 $0x2  }
0x88: {  	p4 =	por p2, p1;
	p2 =	sle.u32 s5, $0x4;
	_ =	swait.ge @!p1 [sflag:s0], $0x4000  }
0x89: {  	s30 =	simm.s32 @!p4 $0x800;
	s1 =	simm.s32 @!p4 $0x5000;
	[sflag:s0] =	ssyncset.done @!p1 $0x0  }
0x8a: {  	s4 =	simm.s32 @!p4 $0x400;
	[sflag:s0] =	ssyncadd.s32 @!p1 $0xFFFFC000;
	s0 =	sadd.s32 @!p4 $0x1000, s20  }
.LBB2_4:
0x8b: {  	[tilespmem:s1], [sflag:$0x1] =	stream.strided.gather @!p4 [hbm4b:s0+s4], $0x4000, s30, s4, $0x38;
	[tilespmem:$0x17040] =	vst v63  }
0x8c: {  	s0 =	smov.u32 s16;
	s2 =	smov.u32 s13  }
0x8d: {  	s1 =	simm.s32 @!p2 $0x1;
	p3 =	sge.u32 @!p2 s17, s10;
	s4 =	sadd.s32 @!p1 $0x80, s15  }
0x8e: {  	[spmem:s3] =	stream.indirect.scatter.add.f32 @!p1 [tilespmem:s18], [sflag:$0x2], $0x80, s4, s19, $0xb8;
	[tilespmem:$0x17040] =	vst v63  }
0x8f: {  	s16 =	sadd.s32 $0x2, s16;
	p1 =	por p3, p2;
	_ =	swait.ge @!p2 [sflag:s1], $0x4000  }
0x90: {  	s15 =	smov.u32 s12;
	p3 =	sne.s32 s16, $0x51;
	[sflag:s1] =	ssyncset.done @!p2 $0x0  }
0x91: {  	[sflag:s1] =	ssyncadd.s32 @!p2 $0xFFFFC000;
	s1 =	simm.s32 @!p2 $0x2  }
0x92: {  	_ =	swait.ge @!p2 [sflag:s1], $0x4000  }
0x93: {  	s4 =	simm.s32 @!p1 $0x9000;
	[sflag:s1] =	ssyncset.done @!p2 $0x0  }
0x94: {  	s18 =	simm.s32 @!p1 $0x800;
	[sflag:s1] =	ssyncadd.s32 @!p2 $0xFFFFC000;
	s1 =	simm.s32 @!p1 $0x400  }
0x95: {  	[tilespmem:s4], [sflag:$0x1] =	stream.strided.gather @!p1 [hbm4b:s13+s1], $0x4000, s18, s1, $0x38;
	[tilespmem:$0x17040] =	vst v63  }
0x96: {  	s1 =	simm.s32 @!p2 $0x80  }
0x97: {  	s4 =	simm.s32 @!p2 $0x5000;
	p1 =	sge.u32 s14, s5;
	s14 =	smov.u32 s0  }
0x98: {  	[spmem:s3] =	stream.indirect.scatter.add.f32 @!p2 [tilespmem:s4], [sflag:$0x2], $0x80, s12, s1, $0xb8;
	[tilespmem:$0x17040] =	vst v63  }
0x99: {  	s13 =	sadd.s32 $0x2000, s13;
	s1 =	simm.s32 @!p1 $0x1;
	p2 =	sge.u32 @!p1 s17, s11  }
0x9a: {  	s18 =	simm.s32 @!p1 $0x9000;
	p4 =	por p2, p1;
	_ =	swait.ge @!p1 [sflag:s1], $0x4000  }
.Ltmp1:
0x9b: {  	s12 =	sadd.s32 $0x100, s12;
	[sflag:s1] =	ssyncset.done @!p1 $0x0;
	(pc) =	sbr.rel @p3 .LBB2_4-.Ltmp1, $4  }
0x9c: {  	s0 =	simm.s32 @!p1 $0x2;
	s19 =	simm.s32 @!p1 $0x80;
	[sflag:s1] =	ssyncadd.s32 @!p1 $0xFFFFC000  }
0x9d: {  	s30 =	simm.s32 @!p4 $0x800;
	s1 =	simm.s32 @!p4 $0x5000;
	_ =	swait.ge @!p1 [sflag:s0], $0x4000  }
0x9e: {  	s17 =	sadd.s32 $0xFFFFFFFF, s14;
	s4 =	simm.s32 @!p4 $0x400;
	[sflag:s0] =	ssyncset.done @!p1 $0x0  }
0x9f: {  	p2 =	sge.u32 s17, s5;
	[sflag:s0] =	ssyncadd.s32 @!p1 $0xFFFFC000;
	s0 =	sadd.s32 @!p4 $0x1000, s2  }
0xa0: {  	[tilespmem:s1], [sflag:$0x1] =	stream.strided.gather @!p4 [hbm4b:s0+s4], $0x4000, s30, s4, $0x38;
	[tilespmem:$0x17040] =	vst v63  }
0xa1: {  	s0 =	simm.s32 @!p2 $0x1;
	s1 =	sadd.s32 @!p1 $0x80, s15  }
0xa2: {  	[spmem:s3] =	stream.indirect.scatter.add.f32 @!p1 [tilespmem:s18], [sflag:$0x2], $0x80, s1, s19, $0xb8;
	[tilespmem:$0x17040] =	vst v63  }
0xa3: {  	_ =	swait.ge @!p2 [sflag:s0], $0x4000  }
0xa4: {  	[sflag:s0] =	ssyncset.done @!p2 $0x0  }
0xa5: {  	p1 =	sge.u32 @!p2 s17, s10;
	[sflag:s0] =	ssyncadd.s32 @!p2 $0xFFFFC000;
	s0 =	simm.s32 @!p2 $0x2  }
0xa6: {  	p1 =	por p1, p2;
	_ =	swait.ge @!p2 [sflag:s0], $0x4000  }
0xa7: {  	s1 =	simm.s32 @!p1 $0x9000;
	[sflag:s0] =	ssyncset.done @!p2 $0x0  }
0xa8: {  	s2 =	simm.s32 @!p1 $0x800;
	[sflag:s0] =	ssyncadd.s32 @!p2 $0xFFFFC000;
	s0 =	simm.s32 @!p1 $0x400  }
0xa9: {  	[tilespmem:s1], [sflag:$0x1] =	stream.strided.gather @!p1 [hbm4b:s13+s0], $0x4000, s2, s0, $0x38;
	[tilespmem:$0x17040] =	vst v63  }
0xaa: {  	s0 =	simm.s32 @!p2 $0x80;
	s1 =	simm.s32 @!p2 $0x5000;
	p1 =	sge.u32 s14, s5  }
0xab: {  	[spmem:s3] =	stream.indirect.scatter.add.f32 @!p2 [tilespmem:s1], [sflag:$0x2], $0x80, s12, s0, $0xb8;
	[tilespmem:$0x17040] =	vst v63  }
0xac: {  	s0 =	simm.s32 @!p1 $0x1  }
0xad: {  	_ =	swait.ge @!p1 [sflag:s0], $0x4000  }
0xae: {  	[sflag:s0] =	ssyncset.done @!p1 $0x0  }
0xaf: {  	p2 =	sge.u32 @!p1 s17, s11;
	[sflag:s0] =	ssyncadd.s32 @!p1 $0xFFFFC000;
	s0 =	simm.s32 @!p1 $0x2  }
0xb0: {  	p2 =	por p2, p1;
	_ =	swait.ge @!p1 [sflag:s0], $0x4000  }
0xb1: {  	s1 =	simm.s32 @!p2 $0x800;
	s2 =	simm.s32 @!p2 $0x5000;
	[sflag:s0] =	ssyncset.done @!p1 $0x0  }
0xb2: {  	s4 =	simm.s32 @!p2 $0x400;
	[sflag:s0] =	ssyncadd.s32 @!p1 $0xFFFFC000;
	s0 =	sadd.s32 @!p2 $0x1000, s13  }
0xb3: {  	[tilespmem:s2], [sflag:$0x1] =	stream.strided.gather @!p2 [hbm4b:s0+s4], $0x4000, s1, s4, $0x38;
	[tilespmem:$0x17040] =	vst v63  }
0xb4: {  	s0 =	simm.s32 @!p1 $0x9000;
	s1 =	simm.s32 @!p1 $0x80;
	s2 =	sadd.s32 @!p1 $0x80, s12  }
0xb5: {  	[spmem:s3] =	stream.indirect.scatter.add.f32 @!p1 [tilespmem:s0], [sflag:$0x2], $0x80, s2, s1, $0xb8;
	[tilespmem:$0x17040] =	vst v63  }
0xb6: {  	_ =	swait.ge [sflag:s31], $0x4000  }
0xb7: {  	[sflag:s31] =	ssyncset.done $0x0  }
0xb8: {  	[sflag:s31] =	ssyncadd.s32 $0xFFFFC000  }
0xb9: {  	[bflag:$0x0] =	sbarrier.arrive $0xFFFF  }
0xba: {  	s14 =	simm.s32 $0x100;
	s13 =	simm.s32 $0x8;
	s12 =	rddreg [dreg:$0x8]  }
0xbb: {  	[hbm:s12@s14], [sflag:s7] =	dma.strided [spmem:s8@s29], $0x1400, s13, $0x10   }
0xbc: {  	_ =	swait.ge [sflag:s22], $0x1400  }
0xbd: {  	[sflag:s22] =	ssyncset.done $0x0  }
0xbe: {  	[sflag:s22] =	ssyncadd.s32 $0xFFFFEC00  }
0xbf: {  	[bflag:$0x0] =	sbarrier.arrive $0xFFFF  }
0xc0: {  	[spmem:s8], [sflag:s7] =	dma.local [hbm:s28], $0x1400  }
0xc1: {  	_ =	swait.ge [sflag:s22], $0x1400  }
0xc2: {  	[sflag:s22] =	ssyncset.done $0x0  }
0xc3: {  	s0 =	simm.s32 @!p0 $0x3;
	[sflag:s22] =	ssyncadd.s32 $0xFFFFEC00  }
0xc4: {  	[spmem:s9], [sflag:s7] =	dma.local @!p0 [hbm:s28], $0x80  }
0xc5: {  	_ =	swait.ge @!p0 [sflag:s0], $0x80  }
0xc6: {  	[sflag:s0] =	ssyncset.done @!p0 $0x0  }
0xc7: {  	[sflag:s0] =	ssyncadd.s32 @!p0 $0xFFFFFF80  }
0xc8: {  	[bflag:$0x0] =	sbarrier.arrive $0xFFFF  }
0xc9: {  	s15 =	rddreg [dreg:$0x9]  }
0xca: {  	[tilespmem:s25], [sflag:$0x1] =	stream.strided.gather [hbm4b:s15+s23], $0x4000, s24, s23, $0x38;
	[tilespmem:$0x17040] =	vst v63  }
0xcb: {  	_ =	swait.ge [sflag:s26], $0x4000  }
0xcc: {  	[sflag:s26] =	ssyncset.done $0x0  }
0xcd: {  	s17 =	simm.s32 $0x9000;
	s16 =	rddreg [dreg:$0xe];
	[sflag:s26] =	ssyncadd.s32 $0xFFFFC000  }
0xce: {  	[tilespmem:s17], [sflag:$0x1] =	stream.strided.gather [hbm4b:s16+s23], $0x4000, s24, s23, $0x38;
	[tilespmem:$0x17040] =	vst v63  }
0xcf: {  	s18 =	simm.s32 $0x2800  }
0xd0: {  	[spmem:s3] =	stream.indirect.scatter.add.f32 [tilespmem:s25], [sflag:$0x2], $0x80, s18, s29, $0xb8;
	[tilespmem:$0x17040] =	vst v63  }
0xd1: {  	_ =	swait.ge [sflag:s26], $0x4000  }
0xd2: {  	[sflag:s26] =	ssyncset.done $0x0  }
0xd3: {  	[sflag:s26] =	ssyncadd.s32 $0xFFFFC000  }
0xd4: {  	_ =	swait.ge [sflag:s31], $0x4000  }
0xd5: {  	[sflag:s31] =	ssyncset.done $0x0  }
0xd6: {  	p2 =	sle.u32 s5, $0x2;
	s19 =	rddreg [dreg:$0xf];
	[sflag:s31] =	ssyncadd.s32 $0xFFFFC000  }
0xd7: {  	[tilespmem:s25], [sflag:$0x1] =	stream.strided.gather [hbm4b:s19+s23], $0x4000, s24, s23, $0x38;
	[tilespmem:$0x17040] =	vst v63  }
0xd8: {  	s30 =	smov.u32 s28;
	s28 =	simm.s32 $0x2880;
	s0 =	simm.s32 @!p2 $0x1  }
0xd9: {  	[spmem:s3] =	stream.indirect.scatter.add.f32 [tilespmem:s17], [sflag:$0x2], $0x80, s28, s29, $0xb8;
	[tilespmem:$0x17040] =	vst v63  }
0xda: {  	_ =	swait.ge @!p2 [sflag:s0], $0x4000  }
0xdb: {  	p1 =	sle.u32 @!p2 s10, $0x2;
	[sflag:s0] =	ssyncset.done @!p2 $0x0  }
0xdc: {  	p1 =	por p1, p2;
	[sflag:s0] =	ssyncadd.s32 @!p2 $0xFFFFC000;
	s0 =	simm.s32 @!p2 $0x2  }
0xdd: {  	s1 =	simm.s32 @!p1 $0x9000;
	_ =	swait.ge @!p2 [sflag:s0], $0x4000  }
0xde: {  	s2 =	simm.s32 @!p1 $0x800;
	s14 =	simm.s32 $0x2900;
	[sflag:s0] =	ssyncset.done @!p2 $0x0  }
0xdf: {  	s13 =	simm.s32 $0x5;
	[sflag:s0] =	ssyncadd.s32 @!p2 $0xFFFFC000;
	s0 =	simm.s32 @!p1 $0x400  }
0xe0: {  	[tilespmem:s1], [sflag:$0x1] =	stream.strided.gather @!p1 [hbm4b:s21+s0], $0x4000, s2, s0, $0x38;
	[tilespmem:$0x17040] =	vst v63  }
0xe1: {  	s0 =	simm.s32 @!p2 $0x80;
	s1 =	simm.s32 @!p2 $0x5000;
	p1 =	sle.u32 s5, $0x3  }
0xe2: {  	[spmem:s3] =	stream.indirect.scatter.add.f32 @!p2 [tilespmem:s1], [sflag:$0x2], $0x80, s14, s0, $0xb8;
	[tilespmem:$0x17040] =	vst v63  }
0xe3: {  	s12 =	sadd.s32 $0x2000, s21;
	s9 =	simm.s32 $0x2A00;
	s0 =	simm.s32 @!p1 $0x1  }
0xe4: {  	s15 =	simm.s32 $0x7;
	s16 =	simm.s32 $0x4;
	_ =	swait.ge @!p1 [sflag:s0], $0x4000  }
0xe5: {  	s17 =	simm.s32 @!p1 $0x9000;
	s18 =	simm.s32 @!p1 $0x80;
	[sflag:s0] =	ssyncset.done @!p1 $0x0  }
0xe6: {  	p2 =	sle.u32 @!p1 s11, $0x2;
	[sflag:s0] =	ssyncadd.s32 @!p1 $0xFFFFC000;
	s0 =	simm.s32 @!p1 $0x2  }
0xe7: {  	p4 =	por p2, p1;
	p2 =	sle.u32 s5, $0x4;
	_ =	swait.ge @!p1 [sflag:s0], $0x4000  }
0xe8: {  	s19 =	simm.s32 @!p4 $0x800;
	s1 =	simm.s32 @!p4 $0x5000;
	[sflag:s0] =	ssyncset.done @!p1 $0x0  }
0xe9: {  	s4 =	simm.s32 @!p4 $0x400;
	[sflag:s0] =	ssyncadd.s32 @!p1 $0xFFFFC000;
	s0 =	sadd.s32 @!p4 $0x1000, s21  }
.LBB2_6:
0xea: {  	[tilespmem:s1], [sflag:$0x1] =	stream.strided.gather @!p4 [hbm4b:s0+s4], $0x4000, s19, s4, $0x38;
	[tilespmem:$0x17040] =	vst v63  }
0xeb: {  	s0 =	smov.u32 s15;
	s2 =	smov.u32 s12  }
0xec: {  	s1 =	simm.s32 @!p2 $0x1;
	p3 =	sge.u32 @!p2 s16, s10;
	s4 =	sadd.s32 @!p1 $0x80, s14  }
0xed: {  	[spmem:s3] =	stream.indirect.scatter.add.f32 @!p1 [tilespmem:s17], [sflag:$0x2], $0x80, s4, s18, $0xb8;
	[tilespmem:$0x17040] =	vst v63  }
0xee: {  	s15 =	sadd.s32 $0x2, s15;
	p1 =	por p3, p2;
	_ =	swait.ge @!p2 [sflag:s1], $0x4000  }
0xef: {  	s14 =	smov.u32 s9;
	p3 =	sne.s32 s15, $0x51;
	[sflag:s1] =	ssyncset.done @!p2 $0x0  }
0xf0: {  	[sflag:s1] =	ssyncadd.s32 @!p2 $0xFFFFC000;
	s1 =	simm.s32 @!p2 $0x2  }
0xf1: {  	_ =	swait.ge @!p2 [sflag:s1], $0x4000  }
0xf2: {  	s4 =	simm.s32 @!p1 $0x9000;
	[sflag:s1] =	ssyncset.done @!p2 $0x0  }
0xf3: {  	s17 =	simm.s32 @!p1 $0x800;
	[sflag:s1] =	ssyncadd.s32 @!p2 $0xFFFFC000;
	s1 =	simm.s32 @!p1 $0x400  }
0xf4: {  	[tilespmem:s4], [sflag:$0x1] =	stream.strided.gather @!p1 [hbm4b:s12+s1], $0x4000, s17, s1, $0x38;
	[tilespmem:$0x17040] =	vst v63  }
0xf5: {  	s1 =	simm.s32 @!p2 $0x80  }
0xf6: {  	s4 =	simm.s32 @!p2 $0x5000;
	p1 =	sge.u32 s13, s5;
	s13 =	smov.u32 s0  }
0xf7: {  	[spmem:s3] =	stream.indirect.scatter.add.f32 @!p2 [tilespmem:s4], [sflag:$0x2], $0x80, s9, s1, $0xb8;
	[tilespmem:$0x17040] =	vst v63  }
0xf8: {  	s12 =	sadd.s32 $0x2000, s12;
	s1 =	simm.s32 @!p1 $0x1;
	p2 =	sge.u32 @!p1 s16, s11  }
0xf9: {  	s17 =	simm.s32 @!p1 $0x9000;
	p4 =	por p2, p1;
	_ =	swait.ge @!p1 [sflag:s1], $0x4000  }
.Ltmp2:
0xfa: {  	s9 =	sadd.s32 $0x100, s9;
	[sflag:s1] =	ssyncset.done @!p1 $0x0;
	(pc) =	sbr.rel @p3 .LBB2_6-.Ltmp2, $4  }
0xfb: {  	s0 =	simm.s32 @!p1 $0x2;
	s18 =	simm.s32 @!p1 $0x80;
	[sflag:s1] =	ssyncadd.s32 @!p1 $0xFFFFC000  }
0xfc: {  	s19 =	simm.s32 @!p4 $0x800;
	s1 =	simm.s32 @!p4 $0x5000;
	_ =	swait.ge @!p1 [sflag:s0], $0x4000  }
0xfd: {  	s16 =	sadd.s32 $0xFFFFFFFF, s13;
	s4 =	simm.s32 @!p4 $0x400;
	[sflag:s0] =	ssyncset.done @!p1 $0x0  }
0xfe: {  	p2 =	sge.u32 s16, s5;
	[sflag:s0] =	ssyncadd.s32 @!p1 $0xFFFFC000;
	s0 =	sadd.s32 @!p4 $0x1000, s2  }
0xff: {  	[tilespmem:s1], [sflag:$0x1] =	stream.strided.gather @!p4 [hbm4b:s0+s4], $0x4000, s19, s4, $0x38;
	[tilespmem:$0x17040] =	vst v63  }
0x100: {  	s0 =	simm.s32 @!p2 $0x1;
	s1 =	sadd.s32 @!p1 $0x80, s14  }
0x101: {  	[spmem:s3] =	stream.indirect.scatter.add.f32 @!p1 [tilespmem:s17], [sflag:$0x2], $0x80, s1, s18, $0xb8;
	[tilespmem:$0x17040] =	vst v63  }
0x102: {  	_ =	swait.ge @!p2 [sflag:s0], $0x4000  }
0x103: {  	[sflag:s0] =	ssyncset.done @!p2 $0x0  }
0x104: {  	p1 =	sge.u32 @!p2 s16, s10;
	[sflag:s0] =	ssyncadd.s32 @!p2 $0xFFFFC000;
	s0 =	simm.s32 @!p2 $0x2  }
0x105: {  	p1 =	por p1, p2;
	_ =	swait.ge @!p2 [sflag:s0], $0x4000  }
0x106: {  	s1 =	simm.s32 @!p1 $0x9000;
	[sflag:s0] =	ssyncset.done @!p2 $0x0  }
0x107: {  	s2 =	simm.s32 @!p1 $0x800;
	[sflag:s0] =	ssyncadd.s32 @!p2 $0xFFFFC000;
	s0 =	simm.s32 @!p1 $0x400  }
0x108: {  	[tilespmem:s1], [sflag:$0x1] =	stream.strided.gather @!p1 [hbm4b:s12+s0], $0x4000, s2, s0, $0x38;
	[tilespmem:$0x17040] =	vst v63  }
0x109: {  	s0 =	simm.s32 @!p2 $0x80;
	s1 =	simm.s32 @!p2 $0x5000;
	p1 =	sge.u32 s13, s5  }
0x10a: {  	[spmem:s3] =	stream.indirect.scatter.add.f32 @!p2 [tilespmem:s1], [sflag:$0x2], $0x80, s9, s0, $0xb8;
	[tilespmem:$0x17040] =	vst v63  }
0x10b: {  	s0 =	simm.s32 @!p1 $0x1  }
0x10c: {  	_ =	swait.ge @!p1 [sflag:s0], $0x4000  }
0x10d: {  	[sflag:s0] =	ssyncset.done @!p1 $0x0  }
0x10e: {  	p2 =	sge.u32 @!p1 s16, s11;
	[sflag:s0] =	ssyncadd.s32 @!p1 $0xFFFFC000;
	s0 =	simm.s32 @!p1 $0x2  }
0x10f: {  	p2 =	por p2, p1;
	_ =	swait.ge @!p1 [sflag:s0], $0x4000  }
0x110: {  	s1 =	simm.s32 @!p2 $0x800;
	s2 =	simm.s32 @!p2 $0x5000;
	[sflag:s0] =	ssyncset.done @!p1 $0x0  }
0x111: {  	s4 =	simm.s32 @!p2 $0x400;
	[sflag:s0] =	ssyncadd.s32 @!p1 $0xFFFFC000;
	s0 =	sadd.s32 @!p2 $0x1000, s12  }
0x112: {  	[tilespmem:s2], [sflag:$0x1] =	stream.strided.gather @!p2 [hbm4b:s0+s4], $0x4000, s1, s4, $0x38;
	[tilespmem:$0x17040] =	vst v63  }
0x113: {  	s0 =	simm.s32 @!p1 $0x9000;
	s1 =	simm.s32 @!p1 $0x80;
	s2 =	sadd.s32 @!p1 $0x80, s9  }
0x114: {  	[spmem:s3] =	stream.indirect.scatter.add.f32 @!p1 [tilespmem:s0], [sflag:$0x2], $0x80, s2, s1, $0xb8;
	[tilespmem:$0x17040] =	vst v63  }
0x115: {  	_ =	swait.ge [sflag:s31], $0x4000  }
0x116: {  	[sflag:s31] =	ssyncset.done $0x0  }
0x117: {  	[sflag:s31] =	ssyncadd.s32 $0xFFFFC000  }
0x118: {  	[bflag:$0x0] =	sbarrier.arrive $0xFFFF  }
0x119: {  	s19 =	simm.s32 $0x100;
	s18 =	simm.s32 $0x8;
	s17 =	rddreg [dreg:$0xa]  }
0x11a: {  	[hbm:s17@s19], [sflag:s7] =	dma.strided [spmem:s8@s29], $0x1400, s18, $0x10   }
0x11b: {  	_ =	swait.ge [sflag:s22], $0x1400  }
0x11c: {  	s6 =	sadd.s32 $0x1, s6;
	s28 =	rddreg [dreg:$0xb]  }
0x11d: {  	p1 =	sne.s32 s6, s28  }
.Ltmp3:
0x11e: {  	_ = 	snop;
	(pc) =	sbr.rel @p1 .LBB2_1-.Ltmp3, $3  }
0x11f: {  	[sflag:s22] =	ssyncset.done $0x0  }
0x120: {  	[sflag:s22] =	ssyncadd.s32 $0xFFFFEC00  }
0x121: {  	[bflag:$0x0] =	sbarrier.arrive $0xFFFF;
	_ =	sdelay $0x1  }
0x122: {  	_ =	sfence.sel $0x180000  }
0x123: {  	[bflag:$0x0] =	sbarrier.arrive $0xFFFF  }
0x124: {  	_ =	strace $0x9000004A  }
0x125: {  	[bflag:$0x2] =	sbarrier.arrive $0xFFFF  }
0x126: {  	s0 =	rddreg [dreg:$0x3]  }
0x127: {  	s0 =	sadd.s32 @!p0 $0x100000, s0  }
0x128: {  	[sflag:s0] =	ssyncadd.tile.s32 @!p0 $0x1;
	_ =	shalt  }
.Lfunc_end2:
_tile_overlayer_lowered:
.L_overlay_start_2:
0x129: {  	(tag) =	ssettag $0x2  }
0x12a: {  	s0 =	rddreg [dreg:$0x0];
	s2 =	stileid.u32  }
0x12b: {  	s1 =	rddreg [dreg:$0x1];
	p0 =	sne.s32 s2, $0x0  }
0x12c: {  	s3 =	rddreg [dreg:$0x2];
	[bflag:$0x3] =	sbarrier.arrive $0xFFFF;
	s2 =	simm.s32 @!p0 $0x1C03  }
0x12d: {  	[timem:s3], [sflag:s2] =	dma.local @!p0 [hbm:s0], s1  }
0x12e: {  	s0 =	simm.s32 @!p0 $0x3  }
0x12f: {  	_ =	swait.ge @!p0 [sflag:s0], s1  }
0x130: {  	s1 =	ssub.s32 @!p0 $0x0, s1;
	[sflag:s0] =	ssyncset.done @!p0 $0x0  }
0x131: {  	[sflag:s0] =	ssyncadd.s32 @!p0 s1  }
0x132: {  	[bflag:$0x3] =	sbarrier.arrive $0xFFFF  }
0x133: {  	_ =	shalt  }

// kernel: kernel.8.cloned.1.call-start
scs
__scs_entry_jumppad:
0x0: {  	(pc) =	sbr.rel $0x88, $3  }
0x1: {  	(tag) =	ssettag $0x0;
	lr =	simm.s32 $0x1  }
0x2: {  	[smem:$0x3F92] =	sst lr;
	_ =	strace $0xD0000000  }
0x3: {  	_ = 	snop  }
0x4: {  	_ = 	snop  }
0x5: {  	_ = 	snop  }
0x6: {  	_ = 	snop  }
0x7: {  	_ = 	snop  }
__scs_overlays_trampoline_lowered:
0x8: {  	[smem:$0x3FA1] =	sst s0  }
0x9: {  	[smem:$0x3FA2] =	sst s1  }
0xa: {  	[smem:$0x3FA3] =	sst s2  }
0xb: {  	[smem:$0x3FA4] =	sst s3  }
0xc: {  	[smem:$0x3FA5] =	sst s4  }
0xd: {  	[smem:$0x3FA6] =	sst s5  }
0xe: {  	[smem:$0x3FA7] =	sst s6  }
0xf: {  	[smem:$0x3FA8] =	sst s7  }
0x10: {  	[smem:$0x3FA9] =	sst s8  }
0x11: {  	[smem:$0x3FAA] =	sst s9;
	s0 =	simm.s32 @!p0 $0x0  }
0x12: {  	s1 =	sld [smem:$0x3F90];
	s0 =	simm.s32 @p0 $0x1  }
0x13: {  	[smem:$0x3FAB] =	sst s0;
	s0 =	simm.s32 @!p1 $0x0  }
0x14: {  	s2 =	sld [smem:$0x3F8F];
	s0 =	simm.s32 @p1 $0x1  }
0x15: {  	[smem:$0x3FAC] =	sst s0;
	s0 =	simm.s32 @!p2 $0x0  }
0x16: {  	s3 =	sld [smem:$0x3FDB];
	s0 =	simm.s32 @p2 $0x1  }
0x17: {  	s4 =	simm.s32 $0x1BF5;
	[smem:$0x3FAE] =	sst s0  }
0x18: {  	s0 =	sld [smem:$0x3F91];
	_ =	swait.ge [sflag:s4], $0x0  }
0x19: {  	s7 =	sld [smem:$0x3F92]  }
0x1a: {  	s8 =	sadd.s32 $0xFFFFE003, lr  }
0x1b: {  	s9 =	sadd.s32 $0xFFFFFEF7, lr;
	s5 =	simm.s32 $0xFFFFFFFF;
	p2 =	slt.u32 s8, $0xFFFFF086  }
0x1c: {  	p1 =	slt.u32 s9, $0xF7A;
	s5 =	simm.s32 @!p2 $0x0  }
0x1d: {  	s5 =	simm.s32 @p1 $0x1;
	p0 =	seq.s32 s7, s2  }
0x1e: {  	s7 =	smul.u32 @!p0 $0xF7A, s2;
	p2 =	seq.s32 @!p0 s5, $0x0  }
0x1f: {  	s9 =	smul.u32 $0xF7A, s1;
	s8 =	simm.s32 @!p0 $0x1BF5;
	p2 =	por !p2, p0  }
0x20: {  	[sflag:s8] =	ssyncset.s32 @!p0 $0xFFFFF086;
	s6 =	sadd.s32 @!p0 s3, s7;
	s7 =	simm.s32 @!p0 $0x108  }
0x21: {  	s3 =	sadd.s32 s3, s9;
	s6 =	sadd.s32 @!p0 $0x88, s6;
	s7 =	simm.s32 @p2 $0x1082  }
0x22: {  	[simem:s7], [sflag:s8] =	dma.local @!p0 [hbm:s6], $0xF7A  }
0x23: {  	s9 =	sor.u32 $0xD0000000, s2;
	s6 =	simm.s32 $0x108;
	_ =	swait.ge @!p0 [sflag:s8], $0x0  }
0x24: {  	s3 =	sadd.s32 $0x88, s3;
	s6 =	simm.s32 @!p1 $0x1082;
	[sflag:s4] =	ssyncset.s32 $0xFFFFF086  }
0x25: {  	[simem:s6], [sflag:s4] =	dma.local [hbm:s3], $0xF7A  }
0x26: {  	[smem:$0x3F92] =	sst s1;
	(tag) =	ssettag s2;
	_ =	strace s9  }
0x27: {  	s1 =	sld [smem:$0x3FA2]  }
0x28: {  	s2 =	sld [smem:$0x3FA3]  }
0x29: {  	s4 =	sld [smem:$0x3FA5]  }
0x2a: {  	p0 =	seq.s32 s5, $0x0;
	s5 =	sld [smem:$0x3FA6]  }
0x2b: {  	s6 =	sld [smem:$0x3FA7]  }
0x2c: {  	s7 =	sld [smem:$0x3FA8]  }
0x2d: {  	s3 =	simm.s32 $0x108;
	s8 =	sld [smem:$0x3FA9]  }
0x2e: {  	s3 =	simm.s32 @!p0 $0x1082;
	s9 =	sld [smem:$0x3FAA]  }
0x2f: {  	lr =	sadd.s32 s0, s3;
	s0 =	sld [smem:$0x3FA1]  }
0x30: {  	s3 =	sld [smem:$0x3FA4]  }
0x31: {  	[smem:$0x3FAD] =	sst s10  }
0x32: {  	s10 =	sld [smem:$0x3FAB];
	_ =	sdelay $0x3  }
0x33: {  	p0 =	seq.s32 s10, $0x1;
	s10 =	sld [smem:$0x3FAD];
	_ =	sdelay $0x3  }
0x34: {  	[smem:$0x3FAD] =	sst s10  }
0x35: {  	s10 =	sld [smem:$0x3FAC];
	_ =	sdelay $0x3  }
0x36: {  	p1 =	seq.s32 s10, $0x1;
	s10 =	sld [smem:$0x3FAD];
	_ =	sdelay $0x3  }
0x37: {  	[smem:$0x3FAD] =	sst s10  }
0x38: {  	s10 =	sld [smem:$0x3FAE]  }
0x39: {  	_ = 	snop;
	(pc) =	sbr.ind lr, $3  }
0x3a: {  	_ = 	snop  }
0x3b: {  	_ = 	snop  }
0x3c: {  	p2 =	seq.s32 s10, $0x1;
	s10 =	sld [smem:$0x3FAD]  }
0x3d: {  	_ =	shalt  }
0x3e: {  	_ =	shalt  }
0x3f: {  	_ =	shalt  }
0x40: {  	_ =	shalt  }
0x41: {  	_ =	shalt  }
0x42: {  	_ =	shalt  }
0x43: {  	_ =	shalt  }
0x44: {  	_ =	shalt  }
0x45: {  	_ =	shalt  }
0x46: {  	_ =	shalt  }
0x47: {  	_ =	shalt  }
0x48: {  	_ =	shalt  }
0x49: {  	_ =	shalt  }
0x4a: {  	_ =	shalt  }
0x4b: {  	_ =	shalt  }
0x4c: {  	_ =	shalt  }
0x4d: {  	_ =	shalt  }
0x4e: {  	_ =	shalt  }
0x4f: {  	_ =	shalt  }
0x50: {  	_ =	shalt  }
0x51: {  	_ =	shalt  }
0x52: {  	_ =	shalt  }
0x53: {  	_ =	shalt  }
0x54: {  	_ =	shalt  }
0x55: {  	_ =	shalt  }
0x56: {  	_ =	shalt  }
0x57: {  	_ =	shalt  }
0x58: {  	_ =	shalt  }
0x59: {  	_ =	shalt  }
0x5a: {  	_ =	shalt  }
0x5b: {  	_ =	shalt  }
0x5c: {  	_ =	shalt  }
0x5d: {  	_ =	shalt  }
0x5e: {  	_ =	shalt  }
0x5f: {  	_ =	shalt  }
0x60: {  	_ =	shalt  }
0x61: {  	_ =	shalt  }
0x62: {  	_ =	shalt  }
0x63: {  	_ =	shalt  }
0x64: {  	_ =	shalt  }
0x65: {  	_ =	shalt  }
0x66: {  	_ =	shalt  }
0x67: {  	_ =	shalt  }
0x68: {  	_ =	shalt  }
0x69: {  	_ =	shalt  }
0x6a: {  	_ =	shalt  }
0x6b: {  	_ =	shalt  }
0x6c: {  	_ =	shalt  }
0x6d: {  	_ =	shalt  }
0x6e: {  	_ =	shalt  }
0x6f: {  	_ =	shalt  }
0x70: {  	_ =	shalt  }
0x71: {  	_ =	shalt  }
0x72: {  	_ =	shalt  }
0x73: {  	_ =	shalt  }
0x74: {  	_ =	shalt  }
0x75: {  	_ =	shalt  }
0x76: {  	_ =	shalt  }
0x77: {  	_ =	shalt  }
0x78: {  	_ =	shalt  }
0x79: {  	_ =	shalt  }
0x7a: {  	_ =	shalt  }
0x7b: {  	_ =	shalt  }
0x7c: {  	_ =	shalt  }
0x7d: {  	_ =	shalt  }
0x7e: {  	_ =	shalt  }
0x7f: {  	_ =	shalt  }
0x80: {  	_ =	shalt  }
0x81: {  	_ =	shalt  }
0x82: {  	_ =	shalt  }
0x83: {  	_ =	shalt  }
0x84: {  	_ =	shalt  }
0x85: {  	_ =	shalt  }
0x86: {  	_ =	shalt  }
0x87: {  	_ =	shalt  }
.Lfunc_end0:
.L_simem_size_0:
called_computation_lowered:
.L_overlay_start_0:
0x88: {  	s2 =	sld [smem:$0x3FD9]  }
0x89: {  	s3 =	sld [smem:$0x3FFE];
	_ =	sdelay $0x1  }
0x8a: {  	s1 =	srdreg.scid  }
0x8b: {  	s0 =	sand.u32 $0x1, s1  }
0x8c: {  	s17 =	sshll.u32 s0, $0xA;
	s2 =	sadd.s32 s3, s2  }
0x8d: {  	s2 =	sadd.s32 s2, s17  }
0x8e: {  	[smem:$0x3FB9] =	sst s2  }
0x8f: {  	_ = 	snop  }
0x90: {  	s2 =	sld [smem:$0x3FD0];
	(tm) =	ssettm $0x1  }
0x91: {  	s18 =	sld [smem:$0x3FFB];
	_ =	sdelay $0x3  }
0x92: {  	_ =	strace s18  }
0x93: {  	s3 =	sld [smem:$0x3FFC];
	_ =	sdelay $0x3  }
0x94: {  	_ =	strace s3  }
0x95: {  	s3 =	sld [smem:$0x3FFD];
	_ =	sdelay $0x3  }
0x96: {  	_ =	strace s3  }
0x97: {  	_ =	strace $0x8FFFFFFF  }
0x98: {  	s19 =	sld [smem:$0x3FDB];
	_ =	sdelay $0x1  }
0x99: {  	s4 =	simm.s32 $_scs_section_size  }
0x9a: {  	s5 =	simm.s32 $_size__tile_overlayer_lowered;
	s6 =	simm.s32 $_tile_overlayer_lowered  }
0x9b: {  	s22 =	simm.s32 $0x1BFF;
	s21 =	sshll.u32 s6, $0x1;
	s3 =	sadd.s32 s4, s19  }
0x9c: {  	s7 =	simm.s32 $0x0;
	s20 =	sshll.u32 s5, $0x1;
	s5 =	sadd.s32 s21, s3  }
0x9d: {  	[timem:s7], [sflag:s22] =	dma.local [hbm:s5], s20  }
0x9e: {  	_ =	swait.ge [sflag:s22], s20  }
0x9f: {  	s4 =	ssub.s32 $0x0, s20;
	[sflag:s22] =	ssyncset.done $0x0  }
0xa0: {  	[sflag:s22] =	ssyncadd.s32 s4;
	_ =	sdelay $0x1  }
0xa1: {  	s23 =	simm.s32 $0x1B8B  }
0xa2: {  	_ =	swait.ge [sflag:s23], $0x1  }
0xa3: {  	[sflag:s23] =	ssyncset.done $0x0  }
0xa4: {  	s25 =	simm.s32 $0x1B8E;
	s24 =	sld [smem:$0x3FFE];
	[sflag:s23] =	ssyncadd.s32 $0xFFFFFFFF  }
0xa5: {  	s26 =	simm.s32 $execute0_lowered;
	[smem:$0x3FD2] =	sst s25  }
0xa6: {  	s5 =	sshll.u32 s26, $0x1;
	_ =	strace $0x80000046;
	[dreg:$0x1] =	wrdreg $0xFFFFFFFF  }
0xa7: {  	s28 =	simm.s32 $_size_execute0_lowered;
	s3 =	sadd.s32 s3, s5;
	[dreg:$0x0] =	wrdreg $0x0  }
0xa8: {  	s5 =	sshll.u32 s28, $0x1;
	[dreg:$0x2] =	wrdreg s3  }
0xa9: {  	[dreg:$0x3] =	wrdreg s5  }
0xaa: {  	[dreg:$0x4] =	wrdreg $0xC0  }
0xab: {  	_ =	task [dreg:s7], $0x5FFFF  }
0xac: {  	[dreg:$0x1] =	wrdreg $0xFFFFFFFF  }
0xad: {  	[dreg:$0x0] =	wrdreg $0x60  }
0xae: {  	[dreg:$0x2] =	wrdreg s2  }
0xaf: {  	[dreg:$0x3] =	wrdreg s24  }
0xb0: {  	[dreg:$0x4] =	wrdreg $0x9  }
0xb1: {  	_ =	task.clear_ibuf [dreg:s7], $0x5FFFF;
	_ =	strace $0x90000046  }
0xb2: {  	s29 =	simm.s32 $0x9;
	_ =	strace $0x80000048  }
0xb3: {  	_ =	swait.ge [sflag:s29], $0x1  }
0xb4: {  	[sflag:s29] =	ssyncadd.s32 $0xFFFFFFFF  }
0xb5: {  	_ =	strace $0x90000048  }
0xb6: {  	_ =	sfence  }
0xb7: {  	s30 =	sld [smem:$0x0];
	_ =	sdelay $0x2  }
0xb8: {  	s31 =	sshll.u32 s1, $0xD;
	s1 =	sshrl.u32 s1, $0x2  }
0xb9: {  	s3 =	sand.u32 $0x4000, s31;
	s1 =	sadd.s32 s1, s30  }
0xba: {  	s0 =	sor.u32 s3, s0;
	s1 =	sshll.u32 s1, $0x11  }
0xbb: {  	s0 =	sor.u32 s1, s0  }
0xbc: {  	s0 =	sadd.s32 $0x8F2B, s0  }
0xbd: {  	[sflag:s0] =	ssyncadd.remote.s32 $0x1  }
0xbe: {  	_ =	sfence.sel $0xFFFF  }
0xbf: {  	[dreg:$0x0] =	wrdreg $0xFFFFFFFF;
	(pc) =	sbr.abs _section_cstart, $3  }
0xc0: {  	[dreg:$0x1] =	wrdreg $0xFFFFFFFF  }
0xc1: {  	_ =	task.clear_ibuf [dreg:s7], $0x2FFFF;
	_ =	strace $0x9FFFFFFF  }
0xc2: {  	(tm) =	ssettm $0x7FFFFFFF  }
0xc3: {  	_ =	shalt  }
tec
execute0_lowered:
.L_overlay_start_1:
0x0: {  	(tag) =	ssettag $0x1  }
0x1: {  	s2 =	rddreg [dreg:$0x0];
	s0 =	srdreg.scid  }
0x2: {  	s12 =	stileid.u32;
	s1 =	rddreg [dreg:$0x1];
	s3 =	simm.s32 $0x0  }
0x3: {  	s15 =	simm.s32 $0x2800;
	s16 =	simm.s32 $0x3000;
	s17 =	simm.s32 $0x3800  }
0x4: {  	s18 =	simm.s32 $0x4000;
	s19 =	simm.s32 $0x4800;
	s20 =	simm.s32 $0x5000  }
0x5: {  	s21 =	simm.s32 $0x5800;
	s28 =	simm.s32 $0x8800;
	s29 =	simm.s32 $0x9000  }
0x6: {  	s30 =	simm.s32 $0x9800;
	s31 =	simm.s32 $0xA000;
	s8 =	smul.u32 $0x50, s12  }
0x7: {  	s0 =	sand.u32 $0x1, s0;
	s4 =	sshll.u32 s12, $0x1;
	s23 =	smul.u32 $0x50000, s12  }
0x8: {  	[smem:$0x7FF] =	sst s3;
	s7 =	sadd.s32 $0x5AC00, s1;
	s10 =	smul.u32 $0x28, s0  }
0x9: {  	s5 =	sor.u32 s0, s4;
	s9 =	ssub.s32 $0x2, s0;
	s0 =	smul.u32 $0x28000, s0  }
0xa: {  	_ =	strace $0x80000047;
	s4 =	sadd.s32 $0xCA00, s1;
	s6 =	smul.u32 $0x280, s5  }
0xb: {  	s11 =	sshrl.u32 s9, $0x1;
	p0 =	seq.s32 s5, $0x1F;
	s5 =	simm.s32 $0xA  }
0xc: {  	s25 =	sadd.s32 s23, s7;
	s9 =	ssub.s32 s9, s11;
	s5 =	simm.s32 @!p0 $0x28  }
0xd: {  	s8 =	sadd.s32 s10, s8;
	s10 =	simm.s32 $0x12000;
	s11 =	simm.s32 $0x2  }
0xe: {  	s6 =	sadd.s32 s6, s1;
	s1 =	sadd.s32 $0x53CC00, s1;
	s8 =	sshll.u32 s8, $0xC  }
0xf: {  	s9 =	smax.u32 s9, $0x1;
	s22 =	sadd.s32 $0x2A00, s6;
	s6 =	sadd.s32 $0x7A00, s6  }
0x10: {  	s24 =	sadd.s32 s8, s7;
	[dreg:$0x5] =	wrdreg s9;
	s26 =	sadd.s32 s8, s1  }
0x11: {  	s1 =	sadd.s32 s23, s1;
	s23 =	simm.s32 $0x6800;
	[dreg:$0x3] =	wrdreg s22  }
0x12: {  	s9 =	simm.s32 $0x11800;
	s7 =	simm.s32 $0x0;
	[dreg:$0x4] =	wrdreg s6  }
.Ltmp0:
0x13: {  	s6 =	sadd.s32 $0x1000, s24;
	s22 =	simm.s32 $0x6000;
	(pc) =	sbr.rel .LBB2_1-.Ltmp0, $4  }
0x14: {  	s24 =	simm.s32 $0x7000;
	[dreg:$0x6] =	wrdreg s6;
	s6 =	sadd.s32 s0, s25  }
0x15: {  	v2 =	vlaneseq.u32;
	s0 =	sadd.s32 s0, s1;
	s25 =	simm.s32 $0x7800;
	[dreg:$0x7] =	wrdreg s6  }
0x16: {  	vm0 =	vmmov $0xffff;
	v1 =	vshrl.u32 v2, $0x3;
	s1 =	simm.s32 $0x1;
	s6 =	sadd.s32 $0x1000, s26;
	[dreg:$0x9] =	wrdreg s0  }
0x17: {  	v0 =	vand.u32 $0x7, v2;
	v2 =	vor.u32 $0x8, v2;
	v1 =	vmul.u32 $0x8, v1;
	s26 =	simm.s32 $0x8000;
	s0 =	simm.s32 $0xA800;
	[dreg:$0x8] =	wrdreg s6  }
.LBB2_21:
0x18: {  	_ =	swait.ge [sflag:s11], $0x8000  }
0x19: {  	s7 =	rddreg [dreg:$0xa]  }
0x1a: {  	s6 =	rddreg [dreg:$0x5];
	s7 =	sadd.s32 $0x1, s7  }
0x1b: {  	p0 =	sne.s32 s7, s6  }
.Ltmp1:
0x1c: {  	_ = 	snop;
	(pc) =	sbr.rel @!p0 .LBB2_22-.Ltmp1, $3  }
0x1d: {  	_ =	sdelay $0x1  }
0x1e: {  	[sflag:s11] =	ssyncset.done $0x0  }
0x1f: {  	[sflag:s11] =	ssyncadd.s32 $0xFFFF8000  }
.LBB2_1:
0x20: {  	[dreg:$0xa] =	wrdreg s7  }
0x21: {  	s6 =	rddreg [dreg:$0x3];
	s13 =	simm.s32 $0x3  }
0x22: {  	[tilespmem:s3], [sflag:$0x3] =	stream.linear.gather [hbm4b:s6+s3], $0x1400, $0x38;
	[tilespmem:$0x12800] =	vst v63  }
0x23: {  	_ =	swait.ge [sflag:s13], $0x1400  }
0x24: {  	[sflag:s13] =	ssyncset.done $0x0  }
0x25: {  	s8 =	simm.s32 $0x1400;
	s14 =	rddreg [dreg:$0x4];
	[sflag:s13] =	ssyncadd.s32 $0xFFFFEC00  }
0x26: {  	[tilespmem:s8], [sflag:$0x3] =	stream.linear.gather [hbm4b:s14+s3], $0x1400, $0x38;
	[tilespmem:$0x12800] =	vst v63  }
0x27: {  	_ =	swait.ge [sflag:s13], $0x1400  }
0x28: {  	[sflag:s13] =	ssyncset.done $0x0  }
0x29: {  	[sflag:s13] =	ssyncadd.s32 $0xFFFFEC00  }
0x2a: {  	v3 =	vld [tilespmem:$0x0];
	_ =	sdelay $0x4  }
0x2b: {  	v4 =	vshll.u32 v3, $0x1  }
0x2c: {  	v3 =	vand.u32 $0x7, v3;
	v4 =	vand.u32 $0xFFFFFFF0, v4  }
0x2d: {  	v3 =	vor.u32 v3, v4  }
0x2e: {  	v4 =	vperm.xlane v3, v0;
	_ =	sdelay $0x1  }
0x2f: {  	v3 =	vperm.xlane v3, v2;
	v4 =	vadd.s32 v1, v4;
	_ =	sdelay $0x1  }
0x30: {  	v3 =	vadd.s32 v1, v3;
	_ =	sdelay $0x2  }
0x31: {  	[tilespmem:s15], [sflag:$0x1] =	stream.indirect_vreg.gather [hbm4b:s2+s3], $0x80, v4, vm0, $0xb8;
	[tilespmem:$0x12800] =	vst v63  }
0x32: {  	_ = 	snop  }
0x33: {  	[tilespmem:s16], [sflag:$0x1] =	stream.indirect_vreg.gather [hbm4b:s2+s3], $0x80, v3, vm0, $0xb8;
	[tilespmem:$0x12800] =	vst v63  }
0x34: {  	v3 =	vld [tilespmem:$0x10];
	_ =	sdelay $0x4  }
0x35: {  	v57 =	vshll.u32 v3, $0x1  }
0x36: {  	v3 =	vand.u32 $0x7, v3;
	v4 =	vand.u32 $0xFFFFFFF0, v57  }
0x37: {  	v3 =	vor.u32 v3, v4  }
0x38: {  	v4 =	vperm.xlane v3, v0;
	_ =	sdelay $0x1  }
0x39: {  	v3 =	vperm.xlane v3, v2;
	v4 =	vadd.s32 v1, v4;
	_ =	sdelay $0x1  }
0x3a: {  	v3 =	vadd.s32 v1, v3;
	_ =	sdelay $0x2  }
0x3b: {  	[tilespmem:s17], [sflag:$0x1] =	stream.indirect_vreg.gather [hbm4b:s2+s3], $0x80, v4, vm0, $0xb8;
	[tilespmem:$0x12800] =	vst v63  }
0x3c: {  	_ = 	snop  }
0x3d: {  	[tilespmem:s18], [sflag:$0x1] =	stream.indirect_vreg.gather [hbm4b:s2+s3], $0x80, v3, vm0, $0xb8;
	[tilespmem:$0x12800] =	vst v63  }
0x3e: {  	v3 =	vld [tilespmem:$0x20];
	_ =	sdelay $0x4  }
0x3f: {  	v58 =	vshll.u32 v3, $0x1  }
0x40: {  	v3 =	vand.u32 $0x7, v3;
	v4 =	vand.u32 $0xFFFFFFF0, v58  }
0x41: {  	v3 =	vor.u32 v3, v4  }
0x42: {  	v4 =	vperm.xlane v3, v0;
	_ =	sdelay $0x1  }
0x43: {  	v3 =	vperm.xlane v3, v2;
	v4 =	vadd.s32 v1, v4;
	_ =	sdelay $0x1  }
0x44: {  	v3 =	vadd.s32 v1, v3;
	_ =	sdelay $0x2  }
0x45: {  	[tilespmem:s19], [sflag:$0x1] =	stream.indirect_vreg.gather [hbm4b:s2+s3], $0x80, v4, vm0, $0xb8;
	[tilespmem:$0x12800] =	vst v63  }
0x46: {  	_ = 	snop  }
0x47: {  	[tilespmem:s20], [sflag:$0x1] =	stream.indirect_vreg.gather [hbm4b:s2+s3], $0x80, v3, vm0, $0xb8;
	[tilespmem:$0x12800] =	vst v63  }
0x48: {  	v3 =	vld [tilespmem:$0x30];
	_ =	sdelay $0x4  }
0x49: {  	v59 =	vshll.u32 v3, $0x1  }
0x4a: {  	v3 =	vand.u32 $0x7, v3;
	v4 =	vand.u32 $0xFFFFFFF0, v59  }
0x4b: {  	v3 =	vor.u32 v3, v4  }
0x4c: {  	v4 =	vperm.xlane v3, v0;
	_ =	sdelay $0x1  }
0x4d: {  	v3 =	vperm.xlane v3, v2;
	v4 =	vadd.s32 v1, v4;
	_ =	sdelay $0x1  }
0x4e: {  	v3 =	vadd.s32 v1, v3;
	_ =	sdelay $0x2  }
0x4f: {  	[tilespmem:s21], [sflag:$0x1] =	stream.indirect_vreg.gather [hbm4b:s2+s3], $0x80, v4, vm0, $0xb8;
	[tilespmem:$0x12800] =	vst v63  }
0x50: {  	_ = 	snop  }
0x51: {  	[tilespmem:s22], [sflag:$0x1] =	stream.indirect_vreg.gather [hbm4b:s2+s3], $0x80, v3, vm0, $0xb8;
	[tilespmem:$0x12800] =	vst v63  }
0x52: {  	v3 =	vld [tilespmem:$0x40];
	_ =	sdelay $0x4  }
0x53: {  	v60 =	vshll.u32 v3, $0x1  }
0x54: {  	v3 =	vand.u32 $0x7, v3;
	v4 =	vand.u32 $0xFFFFFFF0, v60  }
0x55: {  	v3 =	vor.u32 v3, v4  }
0x56: {  	v4 =	vperm.xlane v3, v0;
	_ =	sdelay $0x1  }
0x57: {  	v3 =	vperm.xlane v3, v2;
	v4 =	vadd.s32 v1, v4;
	_ =	sdelay $0x1  }
0x58: {  	v3 =	vadd.s32 v1, v3;
	_ =	sdelay $0x2  }
0x59: {  	[tilespmem:s23], [sflag:$0x1] =	stream.indirect_vreg.gather [hbm4b:s2+s3], $0x80, v4, vm0, $0xb8;
	[tilespmem:$0x12800] =	vst v63  }
0x5a: {  	_ = 	snop  }
0x5b: {  	[tilespmem:s24], [sflag:$0x1] =	stream.indirect_vreg.gather [hbm4b:s2+s3], $0x80, v3, vm0, $0xb8;
	[tilespmem:$0x12800] =	vst v63  }
0x5c: {  	v3 =	vld [tilespmem:$0x50];
	_ =	sdelay $0x4  }
0x5d: {  	v61 =	vshll.u32 v3, $0x1  }
0x5e: {  	v3 =	vand.u32 $0x7, v3;
	v4 =	vand.u32 $0xFFFFFFF0, v61  }
0x5f: {  	v3 =	vor.u32 v3, v4  }
0x60: {  	v4 =	vperm.xlane v3, v0;
	_ =	sdelay $0x1  }
0x61: {  	v3 =	vperm.xlane v3, v2;
	v4 =	vadd.s32 v1, v4;
	_ =	sdelay $0x1  }
0x62: {  	v3 =	vadd.s32 v1, v3;
	_ =	sdelay $0x2  }
0x63: {  	[tilespmem:s25], [sflag:$0x1] =	stream.indirect_vreg.gather [hbm4b:s2+s3], $0x80, v4, vm0, $0xb8;
	[tilespmem:$0x12800] =	vst v63  }
0x64: {  	_ = 	snop  }
0x65: {  	[tilespmem:s26], [sflag:$0x1] =	stream.indirect_vreg.gather [hbm4b:s2+s3], $0x80, v3, vm0, $0xb8;
	[tilespmem:$0x12800] =	vst v63  }
0x66: {  	v3 =	vld [tilespmem:$0x60];
	_ =	sdelay $0x4  }
0x67: {  	v62 =	vshll.u32 v3, $0x1  }
0x68: {  	v3 =	vand.u32 $0x7, v3;
	v4 =	vand.u32 $0xFFFFFFF0, v62  }
0x69: {  	v3 =	vor.u32 v3, v4  }
0x6a: {  	v4 =	vperm.xlane v3, v0;
	_ =	sdelay $0x1  }
0x6b: {  	v3 =	vperm.xlane v3, v2;
	v4 =	vadd.s32 v1, v4;
	_ =	sdelay $0x1  }
0x6c: {  	v3 =	vadd.s32 v1, v3;
	_ =	sdelay $0x2  }
0x6d: {  	[tilespmem:s28], [sflag:$0x1] =	stream.indirect_vreg.gather [hbm4b:s2+s3], $0x80, v4, vm0, $0xb8;
	[tilespmem:$0x12800] =	vst v63  }
0x6e: {  	_ = 	snop  }
0x6f: {  	[tilespmem:s29], [sflag:$0x1] =	stream.indirect_vreg.gather [hbm4b:s2+s3], $0x80, v3, vm0, $0xb8;
	[tilespmem:$0x12800] =	vst v63  }
0x70: {  	v3 =	vld [tilespmem:$0x70];
	_ =	sdelay $0x4  }
0x71: {  	v63 =	vshll.u32 v3, $0x1  }
0x72: {  	v3 =	vand.u32 $0x7, v3;
	v4 =	vand.u32 $0xFFFFFFF0, v63  }
0x73: {  	v3 =	vor.u32 v3, v4  }
0x74: {  	v4 =	vperm.xlane v3, v0;
	_ =	sdelay $0x1  }
0x75: {  	v3 =	vperm.xlane v3, v2;
	v4 =	vadd.s32 v1, v4;
	_ =	sdelay $0x1  }
0x76: {  	v3 =	vadd.s32 v1, v3  }
.Ltmp2:
0x77: {  	_ = 	snop;
	(pc) =	sbr.rel .LBB2_2-.Ltmp2, $4  }
0x78: {  	s14 =	rddreg [dreg:$0x6]  }
0x79: {  	[tilespmem:s30], [sflag:$0x1] =	stream.indirect_vreg.gather [hbm4b:s2+s3], $0x80, v4, vm0, $0xb8;
	[tilespmem:$0x12800] =	vst v63  }
0x7a: {  	s12 =	simm.s32 $0xC0;
	s6 =	simm.s32 $0x0;
	s13 =	rddreg [dreg:$0x7]  }
0x7b: {  	[tilespmem:s31], [sflag:$0x1] =	stream.indirect_vreg.gather [hbm4b:s2+s3], $0x80, v3, vm0, $0xb8;
	[tilespmem:$0x12800] =	vst v63  }
.LBB2_9:
0x7c: {  	[hbm4b:s14+s3] =	stream.linear.scatter [tilespmem:s0], [sflag:$0x2], $0x8000, $0x38;
	[tilespmem:$0x12800] =	vst v63  }
.LBB2_10:
0x7d: {  	s6 =	sadd.s32 $0x2, s6  }
0x7e: {  	p0 =	sne.s32 s6, $0x28  }
.Ltmp3:
0x7f: {  	_ = 	snop;
	(pc) =	sbr.rel @!p0 .LBB2_11-.Ltmp3, $2  }
0x80: {  	_ =	sdelay $0x2  }
0x81: {  	s14 =	sadd.s32 $0x2000, s14;
	s12 =	sadd.s32 $0x100, s12;
	s13 =	sadd.s32 $0x2000, s13  }
.LBB2_2:
0x82: {  	p0 =	sge.u32 s6, s5  }
.Ltmp4:
0x83: {  	_ = 	snop;
	(pc) =	sbr.rel @p0 .LBB2_6-.Ltmp4, $1  }
0x84: {  	_ =	sdelay $0x3  }
0x85: {  	s8 =	sadd.s32 $0x1, s6  }
0x86: {  	_ =	swait.ge [sflag:s1], $0x8000;
	p1 =	sge.u32 s8, s5  }
.Ltmp5:
0x87: {  	p0 =	seq.s32 s6, $0x0;
	[sflag:s1] =	ssyncset.done $0x0;
	(pc) =	sbr.rel @p1 .LBB2_5-.Ltmp5, $4  }
0x88: {  	s7 =	simm.s32 @!p0 $0x2;
	[sflag:s1] =	ssyncadd.s32 $0xFFFF8000  }
0x89: {  	_ =	swait.ge @!p0 [sflag:s7], $0x8000  }
0x8a: {  	[sflag:s7] =	ssyncset.done @!p0 $0x0  }
0x8b: {  	[sflag:s7] =	ssyncadd.s32 @!p0 $0xFFFF8000  }
0x8c: {  	v3 =	vld [tilespmem:s12+$0xFFFFFFC0];
	_ =	sdelay $0x4  }
0x8d: {  	v4 =	vshll.u32 v3, $0x1  }
0x8e: {  	v3 =	vand.u32 $0x7, v3;
	v4 =	vand.u32 $0xFFFFFFF0, v4  }
0x8f: {  	v3 =	vor.u32 v3, v4  }
0x90: {  	v4 =	vperm.xlane v3, v0;
	_ =	sdelay $0x1  }
0x91: {  	v3 =	vperm.xlane v3, v2;
	v4 =	vadd.s32 v1, v4;
	_ =	sdelay $0x1  }
0x92: {  	v3 =	vadd.s32 v1, v3;
	_ =	sdelay $0x2  }
0x93: {  	[tilespmem:s0], [sflag:$0x1] =	stream.indirect_vreg.gather [hbm4b:s2+s3], $0x80, v4, vm0, $0xb8;
	[tilespmem:$0x12800] =	vst v63  }
0x94: {  	s7 =	simm.s32 $0xB000  }
0x95: {  	[tilespmem:s7], [sflag:$0x1] =	stream.indirect_vreg.gather [hbm4b:s2+s3], $0x80, v3, vm0, $0xb8;
	[tilespmem:$0x12800] =	vst v63  }
0x96: {  	v3 =	vld [tilespmem:s12+$0xFFFFFFD0];
	_ =	sdelay $0x4  }
0x97: {  	v57 =	vshll.u32 v3, $0x1  }
0x98: {  	v3 =	vand.u32 $0x7, v3;
	v4 =	vand.u32 $0xFFFFFFF0, v57  }
0x99: {  	v3 =	vor.u32 v3, v4  }
0x9a: {  	v4 =	vperm.xlane v3, v0;
	_ =	sdelay $0x1  }
0x9b: {  	v3 =	vperm.xlane v3, v2;
	v4 =	vadd.s32 v1, v4;
	_ =	sdelay $0x1  }
0x9c: {  	v3 =	vadd.s32 v1, v3;
	_ =	sdelay $0x1  }
0x9d: {  	s8 =	simm.s32 $0xB800  }
0x9e: {  	[tilespmem:s8], [sflag:$0x1] =	stream.indirect_vreg.gather [hbm4b:s2+s3], $0x80, v4, vm0, $0xb8;
	[tilespmem:$0x12800] =	vst v63  }
0x9f: {  	s8 =	simm.s32 $0xC000  }
0xa0: {  	[tilespmem:s8], [sflag:$0x1] =	stream.indirect_vreg.gather [hbm4b:s2+s3], $0x80, v3, vm0, $0xb8;
	[tilespmem:$0x12800] =	vst v63  }
0xa1: {  	v3 =	vld [tilespmem:s12+$0xFFFFFFE0];
	_ =	sdelay $0x4  }
0xa2: {  	v58 =	vshll.u32 v3, $0x1  }
0xa3: {  	v3 =	vand.u32 $0x7, v3;
	v4 =	vand.u32 $0xFFFFFFF0, v58  }
0xa4: {  	v3 =	vor.u32 v3, v4  }
0xa5: {  	v4 =	vperm.xlane v3, v0;
	_ =	sdelay $0x1  }
0xa6: {  	v3 =	vperm.xlane v3, v2;
	v4 =	vadd.s32 v1, v4;
	_ =	sdelay $0x1  }
0xa7: {  	v3 =	vadd.s32 v1, v3;
	_ =	sdelay $0x1  }
0xa8: {  	s8 =	simm.s32 $0xC800  }
0xa9: {  	[tilespmem:s8], [sflag:$0x1] =	stream.indirect_vreg.gather [hbm4b:s2+s3], $0x80, v4, vm0, $0xb8;
	[tilespmem:$0x12800] =	vst v63  }
0xaa: {  	s8 =	simm.s32 $0xD000  }
0xab: {  	[tilespmem:s8], [sflag:$0x1] =	stream.indirect_vreg.gather [hbm4b:s2+s3], $0x80, v3, vm0, $0xb8;
	[tilespmem:$0x12800] =	vst v63  }
0xac: {  	v3 =	vld [tilespmem:s12+$0xFFFFFFF0];
	_ =	sdelay $0x4  }
0xad: {  	v59 =	vshll.u32 v3, $0x1  }
0xae: {  	v3 =	vand.u32 $0x7, v3;
	v4 =	vand.u32 $0xFFFFFFF0, v59  }
0xaf: {  	v3 =	vor.u32 v3, v4  }
0xb0: {  	v4 =	vperm.xlane v3, v0;
	_ =	sdelay $0x1  }
0xb1: {  	v3 =	vperm.xlane v3, v2;
	v4 =	vadd.s32 v1, v4;
	_ =	sdelay $0x1  }
0xb2: {  	v3 =	vadd.s32 v1, v3;
	_ =	sdelay $0x1  }
0xb3: {  	s8 =	simm.s32 $0xD800  }
0xb4: {  	[tilespmem:s8], [sflag:$0x1] =	stream.indirect_vreg.gather [hbm4b:s2+s3], $0x80, v4, vm0, $0xb8;
	[tilespmem:$0x12800] =	vst v63  }
0xb5: {  	s8 =	simm.s32 $0xE000  }
0xb6: {  	[tilespmem:s8], [sflag:$0x1] =	stream.indirect_vreg.gather [hbm4b:s2+s3], $0x80, v3, vm0, $0xb8;
	[tilespmem:$0x12800] =	vst v63  }
0xb7: {  	v3 =	vld [tilespmem:s12+$0x0];
	_ =	sdelay $0x4  }
0xb8: {  	v60 =	vshll.u32 v3, $0x1  }
0xb9: {  	v3 =	vand.u32 $0x7, v3;
	v4 =	vand.u32 $0xFFFFFFF0, v60  }
0xba: {  	v3 =	vor.u32 v3, v4  }
0xbb: {  	v4 =	vperm.xlane v3, v0;
	_ =	sdelay $0x1  }
0xbc: {  	v3 =	vperm.xlane v3, v2;
	v4 =	vadd.s32 v1, v4;
	_ =	sdelay $0x1  }
0xbd: {  	v3 =	vadd.s32 v1, v3;
	_ =	sdelay $0x1  }
0xbe: {  	s8 =	simm.s32 $0xE800  }
0xbf: {  	[tilespmem:s8], [sflag:$0x1] =	stream.indirect_vreg.gather [hbm4b:s2+s3], $0x80, v4, vm0, $0xb8;
	[tilespmem:$0x12800] =	vst v63  }
0xc0: {  	s8 =	simm.s32 $0xF000  }
0xc1: {  	[tilespmem:s8], [sflag:$0x1] =	stream.indirect_vreg.gather [hbm4b:s2+s3], $0x80, v3, vm0, $0xb8;
	[tilespmem:$0x12800] =	vst v63  }
0xc2: {  	v3 =	vld [tilespmem:s12+$0x10];
	_ =	sdelay $0x4  }
0xc3: {  	v61 =	vshll.u32 v3, $0x1  }
0xc4: {  	v3 =	vand.u32 $0x7, v3;
	v4 =	vand.u32 $0xFFFFFFF0, v61  }
0xc5: {  	v3 =	vor.u32 v3, v4  }
0xc6: {  	v4 =	vperm.xlane v3, v0;
	_ =	sdelay $0x1  }
0xc7: {  	v3 =	vperm.xlane v3, v2;
	v4 =	vadd.s32 v1, v4;
	_ =	sdelay $0x1  }
0xc8: {  	v3 =	vadd.s32 v1, v3;
	_ =	sdelay $0x1  }
0xc9: {  	s8 =	simm.s32 $0xF800  }
0xca: {  	[tilespmem:s8], [sflag:$0x1] =	stream.indirect_vreg.gather [hbm4b:s2+s3], $0x80, v4, vm0, $0xb8;
	[tilespmem:$0x12800] =	vst v63  }
0xcb: {  	s8 =	simm.s32 $0x10000  }
0xcc: {  	[tilespmem:s8], [sflag:$0x1] =	stream.indirect_vreg.gather [hbm4b:s2+s3], $0x80, v3, vm0, $0xb8;
	[tilespmem:$0x12800] =	vst v63  }
0xcd: {  	v3 =	vld [tilespmem:s12+$0x20];
	_ =	sdelay $0x4  }
0xce: {  	v62 =	vshll.u32 v3, $0x1  }
0xcf: {  	v3 =	vand.u32 $0x7, v3;
	v4 =	vand.u32 $0xFFFFFFF0, v62  }
0xd0: {  	v3 =	vor.u32 v3, v4  }
0xd1: {  	v4 =	vperm.xlane v3, v0;
	_ =	sdelay $0x1  }
0xd2: {  	v3 =	vperm.xlane v3, v2;
	v4 =	vadd.s32 v1, v4;
	_ =	sdelay $0x1  }
0xd3: {  	v3 =	vadd.s32 v1, v3;
	_ =	sdelay $0x1  }
0xd4: {  	s8 =	simm.s32 $0x10800  }
0xd5: {  	[tilespmem:s8], [sflag:$0x1] =	stream.indirect_vreg.gather [hbm4b:s2+s3], $0x80, v4, vm0, $0xb8;
	[tilespmem:$0x12800] =	vst v63  }
0xd6: {  	s8 =	simm.s32 $0x11000  }
0xd7: {  	[tilespmem:s8], [sflag:$0x1] =	stream.indirect_vreg.gather [hbm4b:s2+s3], $0x80, v3, vm0, $0xb8;
	[tilespmem:$0x12800] =	vst v63  }
0xd8: {  	v3 =	vld [tilespmem:s12+$0x30];
	_ =	sdelay $0x4  }
0xd9: {  	v63 =	vshll.u32 v3, $0x1  }
0xda: {  	v3 =	vand.u32 $0x7, v3;
	v4 =	vand.u32 $0xFFFFFFF0, v63  }
0xdb: {  	v3 =	vor.u32 v3, v4  }
0xdc: {  	v4 =	vperm.xlane v3, v0;
	_ =	sdelay $0x1  }
0xdd: {  	v3 =	vperm.xlane v3, v2;
	v4 =	vadd.s32 v1, v4;
	_ =	sdelay $0x1  }
0xde: {  	v3 =	vadd.s32 v1, v3;
	_ =	sdelay $0x2  }
0xdf: {  	[tilespmem:s9], [sflag:$0x1] =	stream.indirect_vreg.gather [hbm4b:s2+s3], $0x80, v4, vm0, $0xb8;
	[tilespmem:$0x12800] =	vst v63  }
0xe0: {  	_ = 	snop  }
0xe1: {  	[tilespmem:s10], [sflag:$0x1] =	stream.indirect_vreg.gather [hbm4b:s2+s3], $0x80, v3, vm0, $0xb8;
	[tilespmem:$0x12800] =	vst v63  }
.LBB2_5:
0xe2: {  	[hbm4b:s13+s3] =	stream.linear.scatter [tilespmem:s15], [sflag:$0x2], $0x8000, $0x38;
	[tilespmem:$0x12800] =	vst v63  }
.LBB2_6:
0xe3: {  	s7 =	sadd.s32 $0x1, s6  }
0xe4: {  	p0 =	sge.u32 s7, s5  }
.Ltmp6:
0xe5: {  	_ = 	snop;
	(pc) =	sbr.rel @p0 .LBB2_10-.Ltmp6, $1  }
0xe6: {  	_ =	sdelay $0x3  }
0xe7: {  	s7 =	sadd.s32 $0x2, s6  }
0xe8: {  	_ =	swait.ge [sflag:s1], $0x8000;
	p0 =	sge.u32 s7, s5  }
.Ltmp7:
0xe9: {  	[sflag:s1] =	ssyncset.done $0x0;
	(pc) =	sbr.rel @p0 .LBB2_9-.Ltmp7, $4  }
0xea: {  	[sflag:s1] =	ssyncadd.s32 $0xFFFF8000  }
0xeb: {  	_ =	swait.ge [sflag:s11], $0x8000  }
0xec: {  	[sflag:s11] =	ssyncset.done $0x0  }
0xed: {  	[sflag:s11] =	ssyncadd.s32 $0xFFFF8000  }
0xee: {  	v3 =	vld [tilespmem:s12+$0x40];
	_ =	sdelay $0x4  }
0xef: {  	v4 =	vshll.u32 v3, $0x1  }
0xf0: {  	v3 =	vand.u32 $0x7, v3;
	v4 =	vand.u32 $0xFFFFFFF0, v4  }
0xf1: {  	v3 =	vor.u32 v3, v4  }
0xf2: {  	v4 =	vperm.xlane v3, v0;
	_ =	sdelay $0x1  }
0xf3: {  	v3 =	vperm.xlane v3, v2;
	v4 =	vadd.s32 v1, v4;
	_ =	sdelay $0x1  }
0xf4: {  	v3 =	vadd.s32 v1, v3;
	_ =	sdelay $0x2  }
0xf5: {  	[tilespmem:s15], [sflag:$0x1] =	stream.indirect_vreg.gather [hbm4b:s2+s3], $0x80, v4, vm0, $0xb8;
	[tilespmem:$0x12800] =	vst v63  }
0xf6: {  	_ = 	snop  }
0xf7: {  	[tilespmem:s16], [sflag:$0x1] =	stream.indirect_vreg.gather [hbm4b:s2+s3], $0x80, v3, vm0, $0xb8;
	[tilespmem:$0x12800] =	vst v63  }
0xf8: {  	v3 =	vld [tilespmem:s12+$0x50];
	_ =	sdelay $0x4  }
0xf9: {  	v57 =	vshll.u32 v3, $0x1  }
0xfa: {  	v3 =	vand.u32 $0x7, v3;
	v4 =	vand.u32 $0xFFFFFFF0, v57  }
0xfb: {  	v3 =	vor.u32 v3, v4  }
0xfc: {  	v4 =	vperm.xlane v3, v0;
	_ =	sdelay $0x1  }
0xfd: {  	v3 =	vperm.xlane v3, v2;
	v4 =	vadd.s32 v1, v4;
	_ =	sdelay $0x1  }
0xfe: {  	v3 =	vadd.s32 v1, v3;
	_ =	sdelay $0x2  }
0xff: {  	[tilespmem:s17], [sflag:$0x1] =	stream.indirect_vreg.gather [hbm4b:s2+s3], $0x80, v4, vm0, $0xb8;
	[tilespmem:$0x12800] =	vst v63  }
0x100: {  	_ = 	snop  }
0x101: {  	[tilespmem:s18], [sflag:$0x1] =	stream.indirect_vreg.gather [hbm4b:s2+s3], $0x80, v3, vm0, $0xb8;
	[tilespmem:$0x12800] =	vst v63  }
0x102: {  	v3 =	vld [tilespmem:s12+$0x60];
	_ =	sdelay $0x4  }
0x103: {  	v58 =	vshll.u32 v3, $0x1  }
0x104: {  	v3 =	vand.u32 $0x7, v3;
	v4 =	vand.u32 $0xFFFFFFF0, v58  }
0x105: {  	v3 =	vor.u32 v3, v4  }
0x106: {  	v4 =	vperm.xlane v3, v0;
	_ =	sdelay $0x1  }
0x107: {  	v3 =	vperm.xlane v3, v2;
	v4 =	vadd.s32 v1, v4;
	_ =	sdelay $0x1  }
0x108: {  	v3 =	vadd.s32 v1, v3;
	_ =	sdelay $0x2  }
0x109: {  	[tilespmem:s19], [sflag:$0x1] =	stream.indirect_vreg.gather [hbm4b:s2+s3], $0x80, v4, vm0, $0xb8;
	[tilespmem:$0x12800] =	vst v63  }
0x10a: {  	_ = 	snop  }
0x10b: {  	[tilespmem:s20], [sflag:$0x1] =	stream.indirect_vreg.gather [hbm4b:s2+s3], $0x80, v3, vm0, $0xb8;
	[tilespmem:$0x12800] =	vst v63  }
0x10c: {  	v3 =	vld [tilespmem:s12+$0x70];
	_ =	sdelay $0x4  }
0x10d: {  	v59 =	vshll.u32 v3, $0x1  }
0x10e: {  	v3 =	vand.u32 $0x7, v3;
	v4 =	vand.u32 $0xFFFFFFF0, v59  }
0x10f: {  	v3 =	vor.u32 v3, v4  }
0x110: {  	v4 =	vperm.xlane v3, v0;
	_ =	sdelay $0x1  }
0x111: {  	v3 =	vperm.xlane v3, v2;
	v4 =	vadd.s32 v1, v4;
	_ =	sdelay $0x1  }
0x112: {  	v3 =	vadd.s32 v1, v3;
	_ =	sdelay $0x2  }
0x113: {  	[tilespmem:s21], [sflag:$0x1] =	stream.indirect_vreg.gather [hbm4b:s2+s3], $0x80, v4, vm0, $0xb8;
	[tilespmem:$0x12800] =	vst v63  }
0x114: {  	_ = 	snop  }
0x115: {  	[tilespmem:s22], [sflag:$0x1] =	stream.indirect_vreg.gather [hbm4b:s2+s3], $0x80, v3, vm0, $0xb8;
	[tilespmem:$0x12800] =	vst v63  }
0x116: {  	v3 =	vld [tilespmem:s12+$0x80];
	_ =	sdelay $0x4  }
0x117: {  	v60 =	vshll.u32 v3, $0x1  }
0x118: {  	v3 =	vand.u32 $0x7, v3;
	v4 =	vand.u32 $0xFFFFFFF0, v60  }
0x119: {  	v3 =	vor.u32 v3, v4  }
0x11a: {  	v4 =	vperm.xlane v3, v0;
	_ =	sdelay $0x1  }
0x11b: {  	v3 =	vperm.xlane v3, v2;
	v4 =	vadd.s32 v1, v4;
	_ =	sdelay $0x1  }
0x11c: {  	v3 =	vadd.s32 v1, v3;
	_ =	sdelay $0x2  }
0x11d: {  	[tilespmem:s23], [sflag:$0x1] =	stream.indirect_vreg.gather [hbm4b:s2+s3], $0x80, v4, vm0, $0xb8;
	[tilespmem:$0x12800] =	vst v63  }
0x11e: {  	_ = 	snop  }
0x11f: {  	[tilespmem:s24], [sflag:$0x1] =	stream.indirect_vreg.gather [hbm4b:s2+s3], $0x80, v3, vm0, $0xb8;
	[tilespmem:$0x12800] =	vst v63  }
0x120: {  	v3 =	vld [tilespmem:s12+$0x90];
	_ =	sdelay $0x4  }
0x121: {  	v61 =	vshll.u32 v3, $0x1  }
0x122: {  	v3 =	vand.u32 $0x7, v3;
	v4 =	vand.u32 $0xFFFFFFF0, v61  }
0x123: {  	v3 =	vor.u32 v3, v4  }
0x124: {  	v4 =	vperm.xlane v3, v0;
	_ =	sdelay $0x1  }
0x125: {  	v3 =	vperm.xlane v3, v2;
	v4 =	vadd.s32 v1, v4;
	_ =	sdelay $0x1  }
0x126: {  	v3 =	vadd.s32 v1, v3;
	_ =	sdelay $0x2  }
0x127: {  	[tilespmem:s25], [sflag:$0x1] =	stream.indirect_vreg.gather [hbm4b:s2+s3], $0x80, v4, vm0, $0xb8;
	[tilespmem:$0x12800] =	vst v63  }
0x128: {  	_ = 	snop  }
0x129: {  	[tilespmem:s26], [sflag:$0x1] =	stream.indirect_vreg.gather [hbm4b:s2+s3], $0x80, v3, vm0, $0xb8;
	[tilespmem:$0x12800] =	vst v63  }
0x12a: {  	v3 =	vld [tilespmem:s12+$0xA0];
	_ =	sdelay $0x4  }
0x12b: {  	v62 =	vshll.u32 v3, $0x1  }
0x12c: {  	v3 =	vand.u32 $0x7, v3;
	v4 =	vand.u32 $0xFFFFFFF0, v62  }
0x12d: {  	v3 =	vor.u32 v3, v4  }
0x12e: {  	v4 =	vperm.xlane v3, v0;
	_ =	sdelay $0x1  }
0x12f: {  	v3 =	vperm.xlane v3, v2;
	v4 =	vadd.s32 v1, v4;
	_ =	sdelay $0x1  }
0x130: {  	v3 =	vadd.s32 v1, v3;
	_ =	sdelay $0x2  }
0x131: {  	[tilespmem:s28], [sflag:$0x1] =	stream.indirect_vreg.gather [hbm4b:s2+s3], $0x80, v4, vm0, $0xb8;
	[tilespmem:$0x12800] =	vst v63  }
0x132: {  	_ = 	snop  }
0x133: {  	[tilespmem:s29], [sflag:$0x1] =	stream.indirect_vreg.gather [hbm4b:s2+s3], $0x80, v3, vm0, $0xb8;
	[tilespmem:$0x12800] =	vst v63  }
0x134: {  	v3 =	vld [tilespmem:s12+$0xB0];
	_ =	sdelay $0x4  }
0x135: {  	v63 =	vshll.u32 v3, $0x1  }
0x136: {  	v3 =	vand.u32 $0x7, v3;
	v4 =	vand.u32 $0xFFFFFFF0, v63  }
0x137: {  	v3 =	vor.u32 v3, v4  }
0x138: {  	v4 =	vperm.xlane v3, v0;
	_ =	sdelay $0x1  }
0x139: {  	v3 =	vperm.xlane v3, v2;
	v4 =	vadd.s32 v1, v4;
	_ =	sdelay $0x1  }
0x13a: {  	v3 =	vadd.s32 v1, v3  }
.Ltmp8:
0x13b: {  	_ = 	snop;
	(pc) =	sbr.rel .LBB2_9-.Ltmp8, $4  }
0x13c: {  	_ = 	snop  }
0x13d: {  	[tilespmem:s30], [sflag:$0x1] =	stream.indirect_vreg.gather [hbm4b:s2+s3], $0x80, v4, vm0, $0xb8;
	[tilespmem:$0x12800] =	vst v63  }
0x13e: {  	_ = 	snop  }
0x13f: {  	[tilespmem:s31], [sflag:$0x1] =	stream.indirect_vreg.gather [hbm4b:s2+s3], $0x80, v3, vm0, $0xb8;
	[tilespmem:$0x12800] =	vst v63  }
.LBB2_11:
0x140: {  	_ =	swait.ge [sflag:s11], $0x8000  }
0x141: {  	[sflag:s11] =	ssyncset.done $0x0  }
0x142: {  	[sflag:s11] =	ssyncadd.s32 $0xFFFF8000  }
0x143: {  	v3 =	vld [tilespmem:$0x1400];
	_ =	sdelay $0x4  }
0x144: {  	v4 =	vshll.u32 v3, $0x1  }
0x145: {  	v3 =	vand.u32 $0x7, v3;
	v4 =	vand.u32 $0xFFFFFFF0, v4  }
0x146: {  	v3 =	vor.u32 v3, v4  }
0x147: {  	v4 =	vperm.xlane v3, v0;
	_ =	sdelay $0x1  }
0x148: {  	v3 =	vperm.xlane v3, v2;
	v4 =	vadd.s32 v1, v4;
	_ =	sdelay $0x1  }
0x149: {  	v3 =	vadd.s32 v1, v3;
	_ =	sdelay $0x1  }
0x14a: {  	s12 =	simm.s32 $0x0  }
0x14b: {  	[tilespmem:s15], [sflag:$0x1] =	stream.indirect_vreg.gather [hbm4b:s4+s12], $0x80, v4, vm0, $0xb8;
	[tilespmem:$0x12800] =	vst v63  }
0x14c: {  	_ = 	snop  }
0x14d: {  	[tilespmem:s16], [sflag:$0x1] =	stream.indirect_vreg.gather [hbm4b:s4+s12], $0x80, v3, vm0, $0xb8;
	[tilespmem:$0x12800] =	vst v63  }
0x14e: {  	v3 =	vld [tilespmem:$0x1410];
	_ =	sdelay $0x4  }
0x14f: {  	v57 =	vshll.u32 v3, $0x1  }
0x150: {  	v3 =	vand.u32 $0x7, v3;
	v4 =	vand.u32 $0xFFFFFFF0, v57  }
0x151: {  	v3 =	vor.u32 v3, v4  }
0x152: {  	v4 =	vperm.xlane v3, v0;
	_ =	sdelay $0x1  }
0x153: {  	v3 =	vperm.xlane v3, v2;
	v4 =	vadd.s32 v1, v4;
	_ =	sdelay $0x1  }
0x154: {  	v3 =	vadd.s32 v1, v3;
	_ =	sdelay $0x2  }
0x155: {  	[tilespmem:s17], [sflag:$0x1] =	stream.indirect_vreg.gather [hbm4b:s4+s12], $0x80, v4, vm0, $0xb8;
	[tilespmem:$0x12800] =	vst v63  }
0x156: {  	_ = 	snop  }
0x157: {  	[tilespmem:s18], [sflag:$0x1] =	stream.indirect_vreg.gather [hbm4b:s4+s12], $0x80, v3, vm0, $0xb8;
	[tilespmem:$0x12800] =	vst v63  }
0x158: {  	v3 =	vld [tilespmem:$0x1420];
	_ =	sdelay $0x4  }
0x159: {  	v58 =	vshll.u32 v3, $0x1  }
0x15a: {  	v3 =	vand.u32 $0x7, v3;
	v4 =	vand.u32 $0xFFFFFFF0, v58  }
0x15b: {  	v3 =	vor.u32 v3, v4  }
0x15c: {  	v4 =	vperm.xlane v3, v0;
	_ =	sdelay $0x1  }
0x15d: {  	v3 =	vperm.xlane v3, v2;
	v4 =	vadd.s32 v1, v4;
	_ =	sdelay $0x1  }
0x15e: {  	v3 =	vadd.s32 v1, v3;
	_ =	sdelay $0x2  }
0x15f: {  	[tilespmem:s19], [sflag:$0x1] =	stream.indirect_vreg.gather [hbm4b:s4+s12], $0x80, v4, vm0, $0xb8;
	[tilespmem:$0x12800] =	vst v63  }
0x160: {  	_ = 	snop  }
0x161: {  	[tilespmem:s20], [sflag:$0x1] =	stream.indirect_vreg.gather [hbm4b:s4+s12], $0x80, v3, vm0, $0xb8;
	[tilespmem:$0x12800] =	vst v63  }
0x162: {  	v3 =	vld [tilespmem:$0x1430];
	_ =	sdelay $0x4  }
0x163: {  	v59 =	vshll.u32 v3, $0x1  }
0x164: {  	v3 =	vand.u32 $0x7, v3;
	v4 =	vand.u32 $0xFFFFFFF0, v59  }
0x165: {  	v3 =	vor.u32 v3, v4  }
0x166: {  	v4 =	vperm.xlane v3, v0;
	_ =	sdelay $0x1  }
0x167: {  	v3 =	vperm.xlane v3, v2;
	v4 =	vadd.s32 v1, v4;
	_ =	sdelay $0x1  }
0x168: {  	v3 =	vadd.s32 v1, v3;
	_ =	sdelay $0x2  }
0x169: {  	[tilespmem:s21], [sflag:$0x1] =	stream.indirect_vreg.gather [hbm4b:s4+s12], $0x80, v4, vm0, $0xb8;
	[tilespmem:$0x12800] =	vst v63  }
0x16a: {  	_ = 	snop  }
0x16b: {  	[tilespmem:s22], [sflag:$0x1] =	stream.indirect_vreg.gather [hbm4b:s4+s12], $0x80, v3, vm0, $0xb8;
	[tilespmem:$0x12800] =	vst v63  }
0x16c: {  	v3 =	vld [tilespmem:$0x1440];
	_ =	sdelay $0x4  }
0x16d: {  	v60 =	vshll.u32 v3, $0x1  }
0x16e: {  	v3 =	vand.u32 $0x7, v3;
	v4 =	vand.u32 $0xFFFFFFF0, v60  }
0x16f: {  	v3 =	vor.u32 v3, v4  }
0x170: {  	v4 =	vperm.xlane v3, v0;
	_ =	sdelay $0x1  }
0x171: {  	v3 =	vperm.xlane v3, v2;
	v4 =	vadd.s32 v1, v4;
	_ =	sdelay $0x1  }
0x172: {  	v3 =	vadd.s32 v1, v3;
	_ =	sdelay $0x2  }
0x173: {  	[tilespmem:s23], [sflag:$0x1] =	stream.indirect_vreg.gather [hbm4b:s4+s12], $0x80, v4, vm0, $0xb8;
	[tilespmem:$0x12800] =	vst v63  }
0x174: {  	_ = 	snop  }
0x175: {  	[tilespmem:s24], [sflag:$0x1] =	stream.indirect_vreg.gather [hbm4b:s4+s12], $0x80, v3, vm0, $0xb8;
	[tilespmem:$0x12800] =	vst v63  }
0x176: {  	v3 =	vld [tilespmem:$0x1450];
	_ =	sdelay $0x4  }
0x177: {  	v61 =	vshll.u32 v3, $0x1  }
0x178: {  	v3 =	vand.u32 $0x7, v3;
	v4 =	vand.u32 $0xFFFFFFF0, v61  }
0x179: {  	v3 =	vor.u32 v3, v4  }
0x17a: {  	v4 =	vperm.xlane v3, v0;
	_ =	sdelay $0x1  }
0x17b: {  	v3 =	vperm.xlane v3, v2;
	v4 =	vadd.s32 v1, v4;
	_ =	sdelay $0x1  }
0x17c: {  	v3 =	vadd.s32 v1, v3;
	_ =	sdelay $0x2  }
0x17d: {  	[tilespmem:s25], [sflag:$0x1] =	stream.indirect_vreg.gather [hbm4b:s4+s12], $0x80, v4, vm0, $0xb8;
	[tilespmem:$0x12800] =	vst v63  }
0x17e: {  	_ = 	snop  }
0x17f: {  	[tilespmem:s26], [sflag:$0x1] =	stream.indirect_vreg.gather [hbm4b:s4+s12], $0x80, v3, vm0, $0xb8;
	[tilespmem:$0x12800] =	vst v63  }
0x180: {  	v3 =	vld [tilespmem:$0x1460];
	_ =	sdelay $0x4  }
0x181: {  	v62 =	vshll.u32 v3, $0x1  }
0x182: {  	v3 =	vand.u32 $0x7, v3;
	v4 =	vand.u32 $0xFFFFFFF0, v62  }
0x183: {  	v3 =	vor.u32 v3, v4  }
0x184: {  	v4 =	vperm.xlane v3, v0;
	_ =	sdelay $0x1  }
0x185: {  	v3 =	vperm.xlane v3, v2;
	v4 =	vadd.s32 v1, v4;
	_ =	sdelay $0x1  }
0x186: {  	v3 =	vadd.s32 v1, v3;
	_ =	sdelay $0x2  }
0x187: {  	[tilespmem:s28], [sflag:$0x1] =	stream.indirect_vreg.gather [hbm4b:s4+s12], $0x80, v4, vm0, $0xb8;
	[tilespmem:$0x12800] =	vst v63  }
0x188: {  	_ = 	snop  }
0x189: {  	[tilespmem:s29], [sflag:$0x1] =	stream.indirect_vreg.gather [hbm4b:s4+s12], $0x80, v3, vm0, $0xb8;
	[tilespmem:$0x12800] =	vst v63  }
0x18a: {  	v3 =	vld [tilespmem:$0x1470];
	_ =	sdelay $0x4  }
0x18b: {  	v63 =	vshll.u32 v3, $0x1  }
0x18c: {  	v3 =	vand.u32 $0x7, v3;
	v4 =	vand.u32 $0xFFFFFFF0, v63  }
0x18d: {  	v3 =	vor.u32 v3, v4  }
0x18e: {  	v4 =	vperm.xlane v3, v0;
	_ =	sdelay $0x1  }
0x18f: {  	v3 =	vperm.xlane v3, v2;
	v4 =	vadd.s32 v1, v4;
	_ =	sdelay $0x1  }
0x190: {  	v3 =	vadd.s32 v1, v3  }
.Ltmp9:
0x191: {  	_ = 	snop;
	(pc) =	sbr.rel .LBB2_12-.Ltmp9, $4  }
0x192: {  	s14 =	rddreg [dreg:$0x9]  }
0x193: {  	[tilespmem:s30], [sflag:$0x1] =	stream.indirect_vreg.gather [hbm4b:s4+s12], $0x80, v4, vm0, $0xb8;
	[tilespmem:$0x12800] =	vst v63  }
0x194: {  	s13 =	simm.s32 $0x14C0;
	s6 =	rddreg [dreg:$0x8]  }
0x195: {  	[tilespmem:s31], [sflag:$0x1] =	stream.indirect_vreg.gather [hbm4b:s4+s12], $0x80, v3, vm0, $0xb8;
	[tilespmem:$0x12800] =	vst v63  }
.LBB2_19:
0x196: {  	[hbm4b:s6+s3] =	stream.linear.scatter [tilespmem:s0], [sflag:$0x2], $0x8000, $0x38;
	[tilespmem:$0x12800] =	vst v63  }
.LBB2_20:
0x197: {  	s12 =	sadd.s32 $0x2, s12  }
0x198: {  	p0 =	sne.s32 s12, $0x28  }
.Ltmp10:
0x199: {  	_ = 	snop;
	(pc) =	sbr.rel @!p0 .LBB2_21-.Ltmp10, $2  }
0x19a: {  	_ =	sdelay $0x2  }
0x19b: {  	s6 =	sadd.s32 $0x2000, s6;
	s13 =	sadd.s32 $0x100, s13;
	s14 =	sadd.s32 $0x2000, s14  }
.LBB2_12:
0x19c: {  	p0 =	sge.u32 s12, s5  }
.Ltmp11:
0x19d: {  	_ = 	snop;
	(pc) =	sbr.rel @p0 .LBB2_16-.Ltmp11, $1  }
0x19e: {  	_ =	sdelay $0x3  }
0x19f: {  	s8 =	sadd.s32 $0x1, s12  }
0x1a0: {  	_ =	swait.ge [sflag:s1], $0x8000;
	p1 =	sge.u32 s8, s5  }
.Ltmp12:
0x1a1: {  	p0 =	seq.s32 s12, $0x0;
	[sflag:s1] =	ssyncset.done $0x0;
	(pc) =	sbr.rel @p1 .LBB2_15-.Ltmp12, $4  }
0x1a2: {  	s7 =	simm.s32 @!p0 $0x2;
	[sflag:s1] =	ssyncadd.s32 $0xFFFF8000  }
0x1a3: {  	_ =	swait.ge @!p0 [sflag:s7], $0x8000  }
0x1a4: {  	[sflag:s7] =	ssyncset.done @!p0 $0x0  }
0x1a5: {  	[sflag:s7] =	ssyncadd.s32 @!p0 $0xFFFF8000  }
0x1a6: {  	v3 =	vld [tilespmem:s13+$0xFFFFFFC0];
	_ =	sdelay $0x4  }
0x1a7: {  	v4 =	vshll.u32 v3, $0x1  }
0x1a8: {  	v3 =	vand.u32 $0x7, v3;
	v4 =	vand.u32 $0xFFFFFFF0, v4  }
0x1a9: {  	v3 =	vor.u32 v3, v4  }
0x1aa: {  	v4 =	vperm.xlane v3, v0;
	_ =	sdelay $0x1  }
0x1ab: {  	v3 =	vperm.xlane v3, v2;
	v4 =	vadd.s32 v1, v4;
	_ =	sdelay $0x1  }
0x1ac: {  	v3 =	vadd.s32 v1, v3;
	_ =	sdelay $0x2  }
0x1ad: {  	[tilespmem:s0], [sflag:$0x1] =	stream.indirect_vreg.gather [hbm4b:s4+s3], $0x80, v4, vm0, $0xb8;
	[tilespmem:$0x12800] =	vst v63  }
0x1ae: {  	s7 =	simm.s32 $0xB000  }
0x1af: {  	[tilespmem:s7], [sflag:$0x1] =	stream.indirect_vreg.gather [hbm4b:s4+s3], $0x80, v3, vm0, $0xb8;
	[tilespmem:$0x12800] =	vst v63  }
0x1b0: {  	v3 =	vld [tilespmem:s13+$0xFFFFFFD0];
	_ =	sdelay $0x4  }
0x1b1: {  	v57 =	vshll.u32 v3, $0x1  }
0x1b2: {  	v3 =	vand.u32 $0x7, v3;
	v4 =	vand.u32 $0xFFFFFFF0, v57  }
0x1b3: {  	v3 =	vor.u32 v3, v4  }
0x1b4: {  	v4 =	vperm.xlane v3, v0;
	_ =	sdelay $0x1  }
0x1b5: {  	v3 =	vperm.xlane v3, v2;
	v4 =	vadd.s32 v1, v4;
	_ =	sdelay $0x1  }
0x1b6: {  	v3 =	vadd.s32 v1, v3;
	_ =	sdelay $0x1  }
0x1b7: {  	s8 =	simm.s32 $0xB800  }
0x1b8: {  	[tilespmem:s8], [sflag:$0x1] =	stream.indirect_vreg.gather [hbm4b:s4+s3], $0x80, v4, vm0, $0xb8;
	[tilespmem:$0x12800] =	vst v63  }
0x1b9: {  	s8 =	simm.s32 $0xC000  }
0x1ba: {  	[tilespmem:s8], [sflag:$0x1] =	stream.indirect_vreg.gather [hbm4b:s4+s3], $0x80, v3, vm0, $0xb8;
	[tilespmem:$0x12800] =	vst v63  }
0x1bb: {  	v3 =	vld [tilespmem:s13+$0xFFFFFFE0];
	_ =	sdelay $0x4  }
0x1bc: {  	v58 =	vshll.u32 v3, $0x1  }
0x1bd: {  	v3 =	vand.u32 $0x7, v3;
	v4 =	vand.u32 $0xFFFFFFF0, v58  }
0x1be: {  	v3 =	vor.u32 v3, v4  }
0x1bf: {  	v4 =	vperm.xlane v3, v0;
	_ =	sdelay $0x1  }
0x1c0: {  	v3 =	vperm.xlane v3, v2;
	v4 =	vadd.s32 v1, v4;
	_ =	sdelay $0x1  }
0x1c1: {  	v3 =	vadd.s32 v1, v3;
	_ =	sdelay $0x1  }
0x1c2: {  	s8 =	simm.s32 $0xC800  }
0x1c3: {  	[tilespmem:s8], [sflag:$0x1] =	stream.indirect_vreg.gather [hbm4b:s4+s3], $0x80, v4, vm0, $0xb8;
	[tilespmem:$0x12800] =	vst v63  }
0x1c4: {  	s8 =	simm.s32 $0xD000  }
0x1c5: {  	[tilespmem:s8], [sflag:$0x1] =	stream.indirect_vreg.gather [hbm4b:s4+s3], $0x80, v3, vm0, $0xb8;
	[tilespmem:$0x12800] =	vst v63  }
0x1c6: {  	v3 =	vld [tilespmem:s13+$0xFFFFFFF0];
	_ =	sdelay $0x4  }
0x1c7: {  	v59 =	vshll.u32 v3, $0x1  }
0x1c8: {  	v3 =	vand.u32 $0x7, v3;
	v4 =	vand.u32 $0xFFFFFFF0, v59  }
0x1c9: {  	v3 =	vor.u32 v3, v4  }
0x1ca: {  	v4 =	vperm.xlane v3, v0;
	_ =	sdelay $0x1  }
0x1cb: {  	v3 =	vperm.xlane v3, v2;
	v4 =	vadd.s32 v1, v4;
	_ =	sdelay $0x1  }
0x1cc: {  	v3 =	vadd.s32 v1, v3;
	_ =	sdelay $0x1  }
0x1cd: {  	s8 =	simm.s32 $0xD800  }
0x1ce: {  	[tilespmem:s8], [sflag:$0x1] =	stream.indirect_vreg.gather [hbm4b:s4+s3], $0x80, v4, vm0, $0xb8;
	[tilespmem:$0x12800] =	vst v63  }
0x1cf: {  	s8 =	simm.s32 $0xE000  }
0x1d0: {  	[tilespmem:s8], [sflag:$0x1] =	stream.indirect_vreg.gather [hbm4b:s4+s3], $0x80, v3, vm0, $0xb8;
	[tilespmem:$0x12800] =	vst v63  }
0x1d1: {  	v3 =	vld [tilespmem:s13+$0x0];
	_ =	sdelay $0x4  }
0x1d2: {  	v60 =	vshll.u32 v3, $0x1  }
0x1d3: {  	v3 =	vand.u32 $0x7, v3;
	v4 =	vand.u32 $0xFFFFFFF0, v60  }
0x1d4: {  	v3 =	vor.u32 v3, v4  }
0x1d5: {  	v4 =	vperm.xlane v3, v0;
	_ =	sdelay $0x1  }
0x1d6: {  	v3 =	vperm.xlane v3, v2;
	v4 =	vadd.s32 v1, v4;
	_ =	sdelay $0x1  }
0x1d7: {  	v3 =	vadd.s32 v1, v3;
	_ =	sdelay $0x1  }
0x1d8: {  	s8 =	simm.s32 $0xE800  }
0x1d9: {  	[tilespmem:s8], [sflag:$0x1] =	stream.indirect_vreg.gather [hbm4b:s4+s3], $0x80, v4, vm0, $0xb8;
	[tilespmem:$0x12800] =	vst v63  }
0x1da: {  	s8 =	simm.s32 $0xF000  }
0x1db: {  	[tilespmem:s8], [sflag:$0x1] =	stream.indirect_vreg.gather [hbm4b:s4+s3], $0x80, v3, vm0, $0xb8;
	[tilespmem:$0x12800] =	vst v63  }
0x1dc: {  	v3 =	vld [tilespmem:s13+$0x10];
	_ =	sdelay $0x4  }
0x1dd: {  	v61 =	vshll.u32 v3, $0x1  }
0x1de: {  	v3 =	vand.u32 $0x7, v3;
	v4 =	vand.u32 $0xFFFFFFF0, v61  }
0x1df: {  	v3 =	vor.u32 v3, v4  }
0x1e0: {  	v4 =	vperm.xlane v3, v0;
	_ =	sdelay $0x1  }
0x1e1: {  	v3 =	vperm.xlane v3, v2;
	v4 =	vadd.s32 v1, v4;
	_ =	sdelay $0x1  }
0x1e2: {  	v3 =	vadd.s32 v1, v3;
	_ =	sdelay $0x1  }
0x1e3: {  	s8 =	simm.s32 $0xF800  }
0x1e4: {  	[tilespmem:s8], [sflag:$0x1] =	stream.indirect_vreg.gather [hbm4b:s4+s3], $0x80, v4, vm0, $0xb8;
	[tilespmem:$0x12800] =	vst v63  }
0x1e5: {  	s8 =	simm.s32 $0x10000  }
0x1e6: {  	[tilespmem:s8], [sflag:$0x1] =	stream.indirect_vreg.gather [hbm4b:s4+s3], $0x80, v3, vm0, $0xb8;
	[tilespmem:$0x12800] =	vst v63  }
0x1e7: {  	v3 =	vld [tilespmem:s13+$0x20];
	_ =	sdelay $0x4  }
0x1e8: {  	v62 =	vshll.u32 v3, $0x1  }
0x1e9: {  	v3 =	vand.u32 $0x7, v3;
	v4 =	vand.u32 $0xFFFFFFF0, v62  }
0x1ea: {  	v3 =	vor.u32 v3, v4  }
0x1eb: {  	v4 =	vperm.xlane v3, v0;
	_ =	sdelay $0x1  }
0x1ec: {  	v3 =	vperm.xlane v3, v2;
	v4 =	vadd.s32 v1, v4;
	_ =	sdelay $0x1  }
0x1ed: {  	v3 =	vadd.s32 v1, v3;
	_ =	sdelay $0x1  }
0x1ee: {  	s8 =	simm.s32 $0x10800  }
0x1ef: {  	[tilespmem:s8], [sflag:$0x1] =	stream.indirect_vreg.gather [hbm4b:s4+s3], $0x80, v4, vm0, $0xb8;
	[tilespmem:$0x12800] =	vst v63  }
0x1f0: {  	s8 =	simm.s32 $0x11000  }
0x1f1: {  	[tilespmem:s8], [sflag:$0x1] =	stream.indirect_vreg.gather [hbm4b:s4+s3], $0x80, v3, vm0, $0xb8;
	[tilespmem:$0x12800] =	vst v63  }
0x1f2: {  	v3 =	vld [tilespmem:s13+$0x30];
	_ =	sdelay $0x4  }
0x1f3: {  	v63 =	vshll.u32 v3, $0x1  }
0x1f4: {  	v3 =	vand.u32 $0x7, v3;
	v4 =	vand.u32 $0xFFFFFFF0, v63  }
0x1f5: {  	v3 =	vor.u32 v3, v4  }
0x1f6: {  	v4 =	vperm.xlane v3, v0;
	_ =	sdelay $0x1  }
0x1f7: {  	v3 =	vperm.xlane v3, v2;
	v4 =	vadd.s32 v1, v4;
	_ =	sdelay $0x1  }
0x1f8: {  	v3 =	vadd.s32 v1, v3;
	_ =	sdelay $0x2  }
0x1f9: {  	[tilespmem:s9], [sflag:$0x1] =	stream.indirect_vreg.gather [hbm4b:s4+s3], $0x80, v4, vm0, $0xb8;
	[tilespmem:$0x12800] =	vst v63  }
0x1fa: {  	_ = 	snop  }
0x1fb: {  	[tilespmem:s10], [sflag:$0x1] =	stream.indirect_vreg.gather [hbm4b:s4+s3], $0x80, v3, vm0, $0xb8;
	[tilespmem:$0x12800] =	vst v63  }
.LBB2_15:
0x1fc: {  	[hbm4b:s14+s3] =	stream.linear.scatter [tilespmem:s15], [sflag:$0x2], $0x8000, $0x38;
	[tilespmem:$0x12800] =	vst v63  }
.LBB2_16:
0x1fd: {  	s7 =	sadd.s32 $0x1, s12  }
0x1fe: {  	p0 =	sge.u32 s7, s5  }
.Ltmp13:
0x1ff: {  	_ = 	snop;
	(pc) =	sbr.rel @p0 .LBB2_20-.Ltmp13, $1  }
0x200: {  	_ =	sdelay $0x3  }
0x201: {  	s7 =	sadd.s32 $0x2, s12  }
0x202: {  	_ =	swait.ge [sflag:s1], $0x8000;
	p0 =	sge.u32 s7, s5  }
.Ltmp14:
0x203: {  	[sflag:s1] =	ssyncset.done $0x0;
	(pc) =	sbr.rel @p0 .LBB2_19-.Ltmp14, $4  }
0x204: {  	[sflag:s1] =	ssyncadd.s32 $0xFFFF8000  }
0x205: {  	_ =	swait.ge [sflag:s11], $0x8000  }
0x206: {  	[sflag:s11] =	ssyncset.done $0x0  }
0x207: {  	[sflag:s11] =	ssyncadd.s32 $0xFFFF8000  }
0x208: {  	v3 =	vld [tilespmem:s13+$0x40];
	_ =	sdelay $0x4  }
0x209: {  	v4 =	vshll.u32 v3, $0x1  }
0x20a: {  	v3 =	vand.u32 $0x7, v3;
	v4 =	vand.u32 $0xFFFFFFF0, v4  }
0x20b: {  	v3 =	vor.u32 v3, v4  }
0x20c: {  	v4 =	vperm.xlane v3, v0;
	_ =	sdelay $0x1  }
0x20d: {  	v3 =	vperm.xlane v3, v2;
	v4 =	vadd.s32 v1, v4;
	_ =	sdelay $0x1  }
0x20e: {  	v3 =	vadd.s32 v1, v3;
	_ =	sdelay $0x2  }
0x20f: {  	[tilespmem:s15], [sflag:$0x1] =	stream.indirect_vreg.gather [hbm4b:s4+s3], $0x80, v4, vm0, $0xb8;
	[tilespmem:$0x12800] =	vst v63  }
0x210: {  	_ = 	snop  }
0x211: {  	[tilespmem:s16], [sflag:$0x1] =	stream.indirect_vreg.gather [hbm4b:s4+s3], $0x80, v3, vm0, $0xb8;
	[tilespmem:$0x12800] =	vst v63  }
0x212: {  	v3 =	vld [tilespmem:s13+$0x50];
	_ =	sdelay $0x4  }
0x213: {  	v57 =	vshll.u32 v3, $0x1  }
0x214: {  	v3 =	vand.u32 $0x7, v3;
	v4 =	vand.u32 $0xFFFFFFF0, v57  }
0x215: {  	v3 =	vor.u32 v3, v4  }
0x216: {  	v4 =	vperm.xlane v3, v0;
	_ =	sdelay $0x1  }
0x217: {  	v3 =	vperm.xlane v3, v2;
	v4 =	vadd.s32 v1, v4;
	_ =	sdelay $0x1  }
0x218: {  	v3 =	vadd.s32 v1, v3;
	_ =	sdelay $0x2  }
0x219: {  	[tilespmem:s17], [sflag:$0x1] =	stream.indirect_vreg.gather [hbm4b:s4+s3], $0x80, v4, vm0, $0xb8;
	[tilespmem:$0x12800] =	vst v63  }
0x21a: {  	_ = 	snop  }
0x21b: {  	[tilespmem:s18], [sflag:$0x1] =	stream.indirect_vreg.gather [hbm4b:s4+s3], $0x80, v3, vm0, $0xb8;
	[tilespmem:$0x12800] =	vst v63  }
0x21c: {  	v3 =	vld [tilespmem:s13+$0x60];
	_ =	sdelay $0x4  }
0x21d: {  	v58 =	vshll.u32 v3, $0x1  }
0x21e: {  	v3 =	vand.u32 $0x7, v3;
	v4 =	vand.u32 $0xFFFFFFF0, v58  }
0x21f: {  	v3 =	vor.u32 v3, v4  }
0x220: {  	v4 =	vperm.xlane v3, v0;
	_ =	sdelay $0x1  }
0x221: {  	v3 =	vperm.xlane v3, v2;
	v4 =	vadd.s32 v1, v4;
	_ =	sdelay $0x1  }
0x222: {  	v3 =	vadd.s32 v1, v3;
	_ =	sdelay $0x2  }
0x223: {  	[tilespmem:s19], [sflag:$0x1] =	stream.indirect_vreg.gather [hbm4b:s4+s3], $0x80, v4, vm0, $0xb8;
	[tilespmem:$0x12800] =	vst v63  }
0x224: {  	_ = 	snop  }
0x225: {  	[tilespmem:s20], [sflag:$0x1] =	stream.indirect_vreg.gather [hbm4b:s4+s3], $0x80, v3, vm0, $0xb8;
	[tilespmem:$0x12800] =	vst v63  }
0x226: {  	v3 =	vld [tilespmem:s13+$0x70];
	_ =	sdelay $0x4  }
0x227: {  	v59 =	vshll.u32 v3, $0x1  }
0x228: {  	v3 =	vand.u32 $0x7, v3;
	v4 =	vand.u32 $0xFFFFFFF0, v59  }
0x229: {  	v3 =	vor.u32 v3, v4  }
0x22a: {  	v4 =	vperm.xlane v3, v0;
	_ =	sdelay $0x1  }
0x22b: {  	v3 =	vperm.xlane v3, v2;
	v4 =	vadd.s32 v1, v4;
	_ =	sdelay $0x1  }
0x22c: {  	v3 =	vadd.s32 v1, v3;
	_ =	sdelay $0x2  }
0x22d: {  	[tilespmem:s21], [sflag:$0x1] =	stream.indirect_vreg.gather [hbm4b:s4+s3], $0x80, v4, vm0, $0xb8;
	[tilespmem:$0x12800] =	vst v63  }
0x22e: {  	_ = 	snop  }
0x22f: {  	[tilespmem:s22], [sflag:$0x1] =	stream.indirect_vreg.gather [hbm4b:s4+s3], $0x80, v3, vm0, $0xb8;
	[tilespmem:$0x12800] =	vst v63  }
0x230: {  	v3 =	vld [tilespmem:s13+$0x80];
	_ =	sdelay $0x4  }
0x231: {  	v60 =	vshll.u32 v3, $0x1  }
0x232: {  	v3 =	vand.u32 $0x7, v3;
	v4 =	vand.u32 $0xFFFFFFF0, v60  }
0x233: {  	v3 =	vor.u32 v3, v4  }
0x234: {  	v4 =	vperm.xlane v3, v0;
	_ =	sdelay $0x1  }
0x235: {  	v3 =	vperm.xlane v3, v2;
	v4 =	vadd.s32 v1, v4;
	_ =	sdelay $0x1  }
0x236: {  	v3 =	vadd.s32 v1, v3;
	_ =	sdelay $0x2  }
0x237: {  	[tilespmem:s23], [sflag:$0x1] =	stream.indirect_vreg.gather [hbm4b:s4+s3], $0x80, v4, vm0, $0xb8;
	[tilespmem:$0x12800] =	vst v63  }
0x238: {  	_ = 	snop  }
0x239: {  	[tilespmem:s24], [sflag:$0x1] =	stream.indirect_vreg.gather [hbm4b:s4+s3], $0x80, v3, vm0, $0xb8;
	[tilespmem:$0x12800] =	vst v63  }
0x23a: {  	v3 =	vld [tilespmem:s13+$0x90];
	_ =	sdelay $0x4  }
0x23b: {  	v61 =	vshll.u32 v3, $0x1  }
0x23c: {  	v3 =	vand.u32 $0x7, v3;
	v4 =	vand.u32 $0xFFFFFFF0, v61  }
0x23d: {  	v3 =	vor.u32 v3, v4  }
0x23e: {  	v4 =	vperm.xlane v3, v0;
	_ =	sdelay $0x1  }
0x23f: {  	v3 =	vperm.xlane v3, v2;
	v4 =	vadd.s32 v1, v4;
	_ =	sdelay $0x1  }
0x240: {  	v3 =	vadd.s32 v1, v3;
	_ =	sdelay $0x2  }
0x241: {  	[tilespmem:s25], [sflag:$0x1] =	stream.indirect_vreg.gather [hbm4b:s4+s3], $0x80, v4, vm0, $0xb8;
	[tilespmem:$0x12800] =	vst v63  }
0x242: {  	_ = 	snop  }
0x243: {  	[tilespmem:s26], [sflag:$0x1] =	stream.indirect_vreg.gather [hbm4b:s4+s3], $0x80, v3, vm0, $0xb8;
	[tilespmem:$0x12800] =	vst v63  }
0x244: {  	v3 =	vld [tilespmem:s13+$0xA0];
	_ =	sdelay $0x4  }
0x245: {  	v62 =	vshll.u32 v3, $0x1  }
0x246: {  	v3 =	vand.u32 $0x7, v3;
	v4 =	vand.u32 $0xFFFFFFF0, v62  }
0x247: {  	v3 =	vor.u32 v3, v4  }
0x248: {  	v4 =	vperm.xlane v3, v0;
	_ =	sdelay $0x1  }
0x249: {  	v3 =	vperm.xlane v3, v2;
	v4 =	vadd.s32 v1, v4;
	_ =	sdelay $0x1  }
0x24a: {  	v3 =	vadd.s32 v1, v3;
	_ =	sdelay $0x2  }
0x24b: {  	[tilespmem:s28], [sflag:$0x1] =	stream.indirect_vreg.gather [hbm4b:s4+s3], $0x80, v4, vm0, $0xb8;
	[tilespmem:$0x12800] =	vst v63  }
0x24c: {  	_ = 	snop  }
0x24d: {  	[tilespmem:s29], [sflag:$0x1] =	stream.indirect_vreg.gather [hbm4b:s4+s3], $0x80, v3, vm0, $0xb8;
	[tilespmem:$0x12800] =	vst v63  }
0x24e: {  	v3 =	vld [tilespmem:s13+$0xB0];
	_ =	sdelay $0x4  }
0x24f: {  	v63 =	vshll.u32 v3, $0x1  }
0x250: {  	v3 =	vand.u32 $0x7, v3;
	v4 =	vand.u32 $0xFFFFFFF0, v63  }
0x251: {  	v3 =	vor.u32 v3, v4  }
0x252: {  	v4 =	vperm.xlane v3, v0;
	_ =	sdelay $0x1  }
0x253: {  	v3 =	vperm.xlane v3, v2;
	v4 =	vadd.s32 v1, v4;
	_ =	sdelay $0x1  }
0x254: {  	v3 =	vadd.s32 v1, v3  }
.Ltmp15:
0x255: {  	_ = 	snop;
	(pc) =	sbr.rel .LBB2_19-.Ltmp15, $4  }
0x256: {  	_ = 	snop  }
0x257: {  	[tilespmem:s30], [sflag:$0x1] =	stream.indirect_vreg.gather [hbm4b:s4+s3], $0x80, v4, vm0, $0xb8;
	[tilespmem:$0x12800] =	vst v63  }
0x258: {  	_ = 	snop  }
0x259: {  	[tilespmem:s31], [sflag:$0x1] =	stream.indirect_vreg.gather [hbm4b:s4+s3], $0x80, v3, vm0, $0xb8;
	[tilespmem:$0x12800] =	vst v63  }
.LBB2_22:
0x25a: {  	_ =	sfence.sel $0x180000  }
0x25b: {  	[bflag:$0x0] =	sbarrier.arrive $0xFFFF  }
0x25c: {  	_ =	strace $0x90000047  }
0x25d: {  	s0 =	stileid.u32;
	[bflag:$0x2] =	sbarrier.arrive $0xFFFF  }
0x25e: {  	p0 =	sne.s32 s0, $0x0;
	s0 =	rddreg [dreg:$0x2]  }
0x25f: {  	s0 =	sadd.s32 @!p0 $0x100000, s0  }
0x260: {  	[sflag:s0] =	ssyncadd.tile.s32 @!p0 $0x1;
	_ =	shalt  }
.Lfunc_end2:
_tile_overlayer_lowered:
.L_overlay_start_2:
0x261: {  	(tag) =	ssettag $0x2  }
0x262: {  	s0 =	rddreg [dreg:$0x0];
	s2 =	stileid.u32  }
0x263: {  	s1 =	rddreg [dreg:$0x1];
	p0 =	sne.s32 s2, $0x0  }
0x264: {  	s3 =	rddreg [dreg:$0x2];
	[bflag:$0x3] =	sbarrier.arrive $0xFFFF;
	s2 =	simm.s32 @!p0 $0x1C03  }
0x265: {  	[timem:s3], [sflag:s2] =	dma.local @!p0 [hbm:s0], s1  }
0x266: {  	s0 =	simm.s32 @!p0 $0x3  }
0x267: {  	_ =	swait.ge @!p0 [sflag:s0], s1  }
0x268: {  	s1 =	ssub.s32 @!p0 $0x0, s1;
	[sflag:s0] =	ssyncset.done @!p0 $0x0  }
0x269: {  	[sflag:s0] =	ssyncadd.s32 @!p0 s1  }
0x26a: {  	[bflag:$0x3] =	sbarrier.arrive $0xFFFF  }
0x26b: {  	_ =	shalt  }

</sc_bundles>
